<compile_context>
chip_gen: v7x
topology: tpu7x:2x2x1
jax: 0.10.2.dev20260603
libtpu: 0.0.44.dev20260713+nightly
codegen_flags: <defaults>
</compile_context>

<pallas_src>
import functools

import jax
import jax.numpy as jnp
from jax import lax
from jax.experimental import pallas as pl
from jax.experimental.pallas import tpu as pltpu
from jax.experimental.pallas import tpu_sc as plsc

NC = 2
NS = 16
NW = NC * NS
L = 16
CHUNK = 128


def _mesh():
    return plsc.VectorSubcoreMesh(
        core_axis_name="c", subcore_axis_name="s",
        num_cores=NC, num_subcores=NS)


def _zero_rows(buf, acc_sh, r0, rpt):
    n_full = rpt // CHUNK
    rem = rpt % CHUNK
    for k in range(n_full):
        pltpu.sync_copy(buf, acc_sh.at[pl.ds(r0 + k * CHUNK, CHUNK)])
    if rem:
        pltpu.sync_copy(buf.at[pl.ds(0, rem)],
                        acc_sh.at[pl.ds(r0 + n_full * CHUNK, rem)])


def _sc_degree(dst2, n_pad, nchunk):

    @functools.partial(
        pl.kernel,
        out_type=jax.ShapeDtypeStruct((NC * n_pad, L), jnp.float32),
        mesh=_mesh(),
        compiler_params=pltpu.CompilerParams(use_tc_tiling_on_sc=False),
        scratch_types=[
            pltpu.VMEM((nchunk, CHUNK), jnp.int32),
            pltpu.VMEM((CHUNK, L), jnp.float32),
            pltpu.VMEM_SHARED((n_pad, L), jnp.float32),
        ],
    )
    def deg_kernel(dst_hbm, out_hbm, dst_v, ones_v, acc_sh):
        c = lax.axis_index("c")
        s = lax.axis_index("s")
        wid = c * NS + s
        rpt = n_pad // NS
        r0 = s * rpt

        @pl.loop(0, CHUNK)
        def _(r):
            ones_v[r, pl.ds(0, L)] = jnp.zeros((L,), jnp.float32)

        _zero_rows(ones_v, acc_sh, r0, rpt)

        @pl.loop(0, CHUNK)
        def _(r):
            ones_v[r, pl.ds(0, L)] = jnp.full((L,), 1.0, jnp.float32)

        pltpu.sync_copy(dst_hbm.at[pl.ds(wid * nchunk, nchunk)], dst_v)
        plsc.subcore_barrier()

        @pl.loop(0, nchunk)
        def _(k):
            pltpu.sync_copy(ones_v, acc_sh.at[dst_v.at[k]], add=True)

        plsc.subcore_barrier()
        pltpu.sync_copy(acc_sh.at[pl.ds(r0, rpt)],
                        out_hbm.at[pl.ds(c * n_pad + r0, rpt)])

    return deg_kernel(dst2)


def _sc_agg(hs, sd2, n_pad, nchunk):
    d_dim = hs.shape[1]

    @functools.partial(
        pl.kernel,
        out_type=jax.ShapeDtypeStruct((NC * n_pad, d_dim), jnp.float32),
        mesh=_mesh(),
        compiler_params=pltpu.CompilerParams(use_tc_tiling_on_sc=False),
        scratch_types=[
            pltpu.VMEM((2, 2, CHUNK), jnp.int32),
            pltpu.VMEM((2, 2, CHUNK), jnp.int32),
            pltpu.VMEM((CHUNK, d_dim), jnp.float32),
            pltpu.VMEM((CHUNK, d_dim), jnp.float32),
            pltpu.VMEM_SHARED((n_pad, d_dim), jnp.float32),
            pltpu.SemaphoreType.DMA,
            pltpu.SemaphoreType.DMA,
            pltpu.SemaphoreType.DMA,
            pltpu.SemaphoreType.DMA,
        ],
    )
    def agg_kernel(hs_hbm, sd_hbm, out_hbm,
                   idx_A, idx_B, rows_a, rows_b, acc_sh,
                   sem_a, sem_b, sem_ia, sem_ib):
        c = lax.axis_index("c")
        s = lax.axis_index("s")
        wid = c * NS + s
        rpt = n_pad // NS
        r0 = s * rpt

        @pl.loop(0, CHUNK)
        def _(r):
            @pl.loop(0, d_dim, step=L)
            def _(j):
                rows_a[r, pl.ds(j, L)] = jnp.zeros((L,), jnp.float32)

        _zero_rows(rows_a, acc_sh, r0, rpt)
        plsc.subcore_barrier()

        k0 = wid * nchunk

        def wait_g(buf, sem):
            pltpu.make_async_copy(hs_hbm.at[idx_A.at[0, 0]], buf, sem).wait()

        def wait_i(idx, sem):
            pltpu.make_async_copy(sd_hbm.at[pl.ds(k0, 2)], idx, sem).wait()

        pltpu.sync_copy(sd_hbm.at[pl.ds(k0, 2)], idx_A)
        pltpu.async_copy(sd_hbm.at[pl.ds(k0 + 2, 2)], idx_B, sem_ib)
        pltpu.async_copy(hs_hbm.at[idx_A.at[0, 0]], rows_a, sem_a)
        pltpu.async_copy(hs_hbm.at[idx_A.at[1, 0]], rows_b, sem_b)

        @pl.loop(0, nchunk - 4, step=4)
        def _(k):
            wait_g(rows_a, sem_a)
            pltpu.sync_copy(rows_a, acc_sh.at[idx_A.at[0, 1]], add=True)
            wait_i(idx_B, sem_ib)
            pltpu.async_copy(hs_hbm.at[idx_B.at[0, 0]], rows_a, sem_a)
            wait_g(rows_b, sem_b)
            pltpu.sync_copy(rows_b, acc_sh.at[idx_A.at[1, 1]], add=True)
            pltpu.async_copy(sd_hbm.at[pl.ds(k0 + k + 4, 2)], idx_A, sem_ia)
            pltpu.async_copy(hs_hbm.at[idx_B.at[1, 0]], rows_b, sem_b)

            wait_g(rows_a, sem_a)
            pltpu.sync_copy(rows_a, acc_sh.at[idx_B.at[0, 1]], add=True)
            wait_i(idx_A, sem_ia)
            pltpu.async_copy(hs_hbm.at[idx_A.at[0, 0]], rows_a, sem_a)
            wait_g(rows_b, sem_b)
            pltpu.sync_copy(rows_b, acc_sh.at[idx_B.at[1, 1]], add=True)
            pltpu.async_copy(sd_hbm.at[pl.ds(k0 + k + 6, 2)], idx_B, sem_ib)
            pltpu.async_copy(hs_hbm.at[idx_A.at[1, 0]], rows_b, sem_b)

        wait_g(rows_a, sem_a)
        pltpu.sync_copy(rows_a, acc_sh.at[idx_A.at[0, 1]], add=True)
        wait_i(idx_B, sem_ib)
        pltpu.async_copy(hs_hbm.at[idx_B.at[0, 0]], rows_a, sem_a)
        wait_g(rows_b, sem_b)
        pltpu.sync_copy(rows_b, acc_sh.at[idx_A.at[1, 1]], add=True)
        pltpu.async_copy(hs_hbm.at[idx_B.at[1, 0]], rows_b, sem_b)
        wait_g(rows_a, sem_a)
        pltpu.sync_copy(rows_a, acc_sh.at[idx_B.at[0, 1]], add=True)
        wait_g(rows_b, sem_b)
        pltpu.sync_copy(rows_b, acc_sh.at[idx_B.at[1, 1]], add=True)

        plsc.subcore_barrier()
        pltpu.sync_copy(acc_sh.at[pl.ds(r0, rpt)],
                        out_hbm.at[pl.ds(c * n_pad + r0, rpt)])

    return agg_kernel(hs, sd2)


BN = 632


def _mm_scale(x_pad, w, degp):
    n_pad, k = x_pad.shape
    m = w.shape[1]

    def body(x_ref, w_ref, d0_ref, d1_ref, o_ref):
        h = jnp.dot(x_ref[...], w_ref[...], preferred_element_type=jnp.float32)
        o_ref[...] = h * _dis_block(d0_ref, d1_ref)

    return pl.pallas_call(
        body,
        grid=(n_pad // BN,),
        in_specs=[pl.BlockSpec((BN, k), lambda i: (i, 0)),
                  pl.BlockSpec((k, m), lambda i: (0, 0)),
                  pl.BlockSpec((BN, L), lambda i: (i, 0)),
                  pl.BlockSpec((BN, L), lambda i: (16 + i, 0))],
        out_specs=pl.BlockSpec((BN, m), lambda i: (i, 0)),
        out_shape=jax.ShapeDtypeStruct((n_pad, m), jnp.float32),
    )(x_pad, w, degp, degp)


def _dis_block(d0_ref, d1_ref):
    return lax.rsqrt(d0_ref[:, 0:1] + d1_ref[:, 0:1] + 1.0)


def _combine_mm(a1, hs1, degp, b1, w2):
    n_pad, m = hs1.shape
    m2 = w2.shape[1]

    def body(p0_ref, p1_ref, hs_ref, d0_ref, d1_ref, b_ref, w_ref, o_ref):
        dis = _dis_block(d0_ref, d1_ref)
        pre = dis * (p0_ref[...] + p1_ref[...] + hs_ref[...]) + b_ref[...]
        h2 = jnp.maximum(pre, 0.0)
        o_ref[...] = dis * jnp.dot(h2, w_ref[...],
                                   preferred_element_type=jnp.float32)

    return pl.pallas_call(
        body,
        grid=(n_pad // BN,),
        in_specs=[pl.BlockSpec((BN, m), lambda i: (i, 0)),
                  pl.BlockSpec((BN, m), lambda i: (16 + i, 0)),
                  pl.BlockSpec((BN, m), lambda i: (i, 0)),
                  pl.BlockSpec((BN, L), lambda i: (i, 0)),
                  pl.BlockSpec((BN, L), lambda i: (16 + i, 0)),
                  pl.BlockSpec((1, m), lambda i: (0, 0)),
                  pl.BlockSpec((m, m2), lambda i: (0, 0))],
        out_specs=pl.BlockSpec((BN, m2), lambda i: (i, 0)),
        out_shape=jax.ShapeDtypeStruct((n_pad, m2), jnp.float32),
    )(a1, a1, hs1, degp, degp, b1.reshape(1, m), w2)


def _final(a2, hs2, degp, b2):
    n_pad, m = hs2.shape

    def body(p0_ref, p1_ref, hs_ref, d0_ref, d1_ref, b_ref, o_ref):
        dis = _dis_block(d0_ref, d1_ref)
        o_ref[...] = dis * (p0_ref[...] + p1_ref[...] + hs_ref[...]) + b_ref[...]

    return pl.pallas_call(
        body,
        grid=(n_pad // BN,),
        in_specs=[pl.BlockSpec((BN, m), lambda i: (i, 0)),
                  pl.BlockSpec((BN, m), lambda i: (16 + i, 0)),
                  pl.BlockSpec((BN, m), lambda i: (i, 0)),
                  pl.BlockSpec((BN, L), lambda i: (i, 0)),
                  pl.BlockSpec((BN, L), lambda i: (16 + i, 0)),
                  pl.BlockSpec((1, m), lambda i: (0, 0))],
        out_specs=pl.BlockSpec((BN, m), lambda i: (i, 0)),
        out_shape=jax.ShapeDtypeStruct((n_pad, m), jnp.float32),
    )(a2, a2, hs2, degp, degp, b2.reshape(1, m))


def kernel(x, edge_index, W1, b1, W2, b2):
    n = x.shape[0]
    e = edge_index.shape[1]
    src = edge_index[0].astype(jnp.int32)
    dst = edge_index[1].astype(jnp.int32)

    nt = -(-e // NW)
    nt = -(-nt // (4 * CHUNK)) * 4 * CHUNK
    nchunk = nt // CHUNK
    e_pad = nt * NW
    n_pad = (n // (NS * 8) + 1) * NS * 8

    pad = e_pad - e
    pad_iota = jnp.arange(pad, dtype=jnp.int32)
    src_p = jnp.concatenate([src, pad_iota % n])
    dst_p = jnp.concatenate([dst, n + pad_iota % (n_pad - n)])
    dst2 = dst_p.reshape(NW * nchunk, CHUNK)
    sd2 = jnp.stack([src_p.reshape(NW * nchunk, CHUNK), dst2], axis=1)

    x_pad = jnp.concatenate(
        [x, jnp.zeros((n_pad - n, x.shape[1]), jnp.float32)])

    degp = _sc_degree(dst2, n_pad, nchunk)
    hs1 = _mm_scale(x_pad, W1, degp)
    a1 = _sc_agg(hs1, sd2, n_pad, nchunk)
    hs2 = _combine_mm(a1, hs1, degp, b1, W2)
    a2 = _sc_agg(hs2, sd2, n_pad, nchunk)
    return _final(a2, hs2, degp, b2)[:n]

# --- scband reference (transcript-rebuilt; emitter-appended) ---
"""Pipeline reference for scband-gcnlink-predictor-57123065037359 (READ-ONLY COPY).

The authoritative reference and input builder live on the scoring server;
editing this copy changes nothing except your own understanding.
"""

import jax, jax.numpy as jnp
import numpy as np

N_NODES = 10000
N_EDGES = 320000
IN_DIM = 128
HID1 = 128
HID2 = 64


def setup_inputs(seed: int = 0) -> dict:
    key = jax.random.key(seed)
    k1, k2, k3, k4 = jax.random.split(key, 4)
    x = jax.random.normal(k1, (N_NODES, IN_DIM), dtype=jnp.float32)
    edge_index = jax.random.randint(k2, (2, N_EDGES), 0, N_NODES, dtype=jnp.int64)
    # GCNConv layer 1: input_dim -> hidden_dims[0]
    W1 = jax.random.normal(k3, (IN_DIM, HID1), dtype=jnp.float32) * (1.0 / np.sqrt(IN_DIM))
    b1 = jnp.zeros((HID1,), dtype=jnp.float32)
    # GCNConv layer 2: hidden_dims[0] -> hidden_dims[1]
    W2 = jax.random.normal(k4, (HID1, HID2), dtype=jnp.float32) * (1.0 / np.sqrt(HID1))
    b2 = jnp.zeros((HID2,), dtype=jnp.float32)
    return {"x": x, "edge_index": edge_index, "W1": W1, "b1": b1, "W2": W2, "b2": b2}


def _gcn_conv(x, src, dst, W, b, num_nodes):
    # Add self-loops (PyG GCNConv default add_self_loops=True)
    loop = jnp.arange(num_nodes, dtype=src.dtype)
    src_sl = jnp.concatenate([src, loop])
    dst_sl = jnp.concatenate([dst, loop])
    # Symmetric normalization D^-1/2 (A+I) D^-1/2
    deg = jnp.zeros((num_nodes,), dtype=x.dtype).at[dst_sl].add(1.0)
    deg_inv_sqrt = jnp.where(deg > 0, deg ** -0.5, 0.0)
    norm = deg_inv_sqrt[src_sl] * deg_inv_sqrt[dst_sl]
    # Linear transform then message passing (scatter-add aggregation)
    h = x @ W
    msg = h[src_sl] * norm[:, None]
    out = jax.ops.segment_sum(msg, dst_sl, num_segments=num_nodes)
    return out + b


def reference(x, edge_index, W1, b1, W2, b2):
    src = edge_index[0]
    dst = edge_index[1]
    num_nodes = x.shape[0]
    h = _gcn_conv(x, src, dst, W1, b1, num_nodes)
    h = jax.nn.relu(h)
    # dropout is identity in eval mode (training=False)
    out = _gcn_conv(h, src, dst, W2, b2, num_nodes)
    return out

if __name__ == "__main__":
    import jax
    _d = setup_inputs()
    print(jax.jit(kernel)(*tuple(_d.values())))

</pallas_src>

<mosaic_0001>
#map = affine_map<(d0, d1) -> (0, 0)>
module attributes {stable_mosaic.version = 14 : i64} {
  func.func @deg_kernel(%arg0: i32, %arg1: i32, %arg2: memref<2560x128xi32, #tpu.memory_space<hbm>>, %arg3: memref<20224x16xf32, #tpu.memory_space<hbm>>, %arg4: memref<80x128xi32, #tpu.memory_space<vmem>>, %arg5: memref<128x16xf32, #tpu.memory_space<vmem>>, %arg6: memref<10112x16xf32, #tpu.memory_space<vmem_shared>>) attributes {dimension_semantics = [#tpu.dimension_semantics<core_parallel>, #tpu.dimension_semantics<subcore_parallel>], iteration_bounds = array<i64: 2, 16>, scalar_prefetch = 0 : i64, scratch_operands = 3 : i64, tpu.core_type = #tpu.core_type<sc_vector_subcore>, window_params = [{transform_indices = #map}, {transform_indices = #map}]} {
    %mul3A = arith.constant 16 : i32
    %mul3A_0 = arith.muli %arg0, %mul3A : i32
    %add3A = arith.addi %mul3A_0, %arg1 : i32
    %mul3A_1 = arith.constant 632 : i32
    %mul3A_2 = arith.muli %arg1, %mul3A_1 : i32
    %scan3A = arith.constant 0 : i32
    %scan3A_3 = arith.constant 128 : i32
    %scan3A_4 = arith.addi %scan3A, %scan3A_3 : i32
    %scan3A_5 = arith.constant 1 : i32
    scf.for %scan3A_33 = %scan3A to %scan3A_4 step %scan3A_5  : i32 {
      %mul3A_34 = arith.constant 1 : i32
      %mul3A_35 = arith.muli %scan3A_33, %mul3A_34 : i32
      %add3A_36 = arith.constant 0 : i32
      %add3A_37 = arith.addi %add3A_36, %mul3A_35 : i32
      %broadcast_in_dim3A = arith.constant 0.000000e+00 : f32
      %broadcast_in_dim3A_38 = vector.broadcast %broadcast_in_dim3A : f32 to vector<16xf32>
      %swap3A = arith.index_cast %add3A_37 : i32 to index
      %swap3A_39 = arith.constant 0 : index
      %swap3A_40 = tpu.vector_load %arg5[%swap3A, %swap3A_39] {strides = array<i32>} : memref<128x16xf32, #tpu.memory_space<vmem>>, vector<1x16xf32>,
      %swap3A_41 = vector.shape_cast %swap3A_40 : vector<1x16xf32> to vector<16xf32>
      %swap3A_42 = vector.shape_cast %broadcast_in_dim3A_38 : vector<16xf32> to vector<1x16xf32>
      tpu.vector_store %arg5[%swap3A, %swap3A_39], %swap3A_42 {strides = array<i32>} : memref<128x16xf32, #tpu.memory_space<vmem>>, vector<1x16xf32>,
    }
    %scan3A_6 = arith.constant 128 : i32
    %add3A_7 = arith.constant 0 : i32
    %add3A_8 = arith.addi %mul3A_2, %add3A_7 : i32
    "tpu.region"() ({
      %run_scoped3A = tpu.sem_alloc : memref<!tpu.dma_semaphore, #tpu.memory_space<semaphore_mem>>
      %dma_start3A = arith.constant 0 : i32
      %dma_start3A_33 = tpu.memref_slice %arg6[%add3A_8, %dma_start3A] : memref<10112x16xf32, #tpu.memory_space<vmem_shared>> -> memref<128x16xf32, #tpu.memory_space<vmem_shared>>
      %dma_start3A_34 = arith.constant 0 : i32
      %dma_start3A_35 = tpu.memref_slice %arg6[%add3A_8, %dma_start3A_34] : memref<10112x16xf32, #tpu.memory_space<vmem_shared>> -> memref<128x16xf32, #tpu.memory_space<vmem_shared>>
      tpu.enqueue_dma source(%arg5 : memref<128x16xf32, #tpu.memory_space<vmem>>) target(%dma_start3A_35 : memref<128x16xf32, #tpu.memory_space<vmem_shared>>) target_semaphore(%run_scoped3A : memref<!tpu.dma_semaphore, #tpu.memory_space<semaphore_mem>>)
      %dma_wait3A = arith.constant 0 : i32
      %dma_wait3A_36 = tpu.memref_slice %arg6[%add3A_8, %dma_wait3A] : memref<10112x16xf32, #tpu.memory_space<vmem_shared>> -> memref<128x16xf32, #tpu.memory_space<vmem_shared>>
      %dma_wait3A_37 = arith.constant 0 : i32
      %dma_wait3A_38 = tpu.memref_slice %arg6[%add3A_8, %dma_wait3A_37] : memref<10112x16xf32, #tpu.memory_space<vmem_shared>> -> memref<128x16xf32, #tpu.memory_space<vmem_shared>>
      tpu.wait_dma2 semaphore(%run_scoped3A : memref<!tpu.dma_semaphore, #tpu.memory_space<semaphore_mem>>) src(%arg5 : memref<128x16xf32, #tpu.memory_space<vmem>>) dst(%dma_wait3A_38 : memref<128x16xf32, #tpu.memory_space<vmem_shared>>)
      tpu.yield
    }) : () -> ()
    %add3A_9 = arith.constant 128 : i32
    %add3A_10 = arith.addi %mul3A_2, %add3A_9 : i32
    "tpu.region"() ({
      %run_scoped3A = tpu.sem_alloc : memref<!tpu.dma_semaphore, #tpu.memory_space<semaphore_mem>>
      %dma_start3A = arith.constant 0 : i32
      %dma_start3A_33 = tpu.memref_slice %arg6[%add3A_10, %dma_start3A] : memref<10112x16xf32, #tpu.memory_space<vmem_shared>> -> memref<128x16xf32, #tpu.memory_space<vmem_shared>>
      %dma_start3A_34 = arith.constant 0 : i32
      %dma_start3A_35 = tpu.memref_slice %arg6[%add3A_10, %dma_start3A_34] : memref<10112x16xf32, #tpu.memory_space<vmem_shared>> -> memref<128x16xf32, #tpu.memory_space<vmem_shared>>
      tpu.enqueue_dma source(%arg5 : memref<128x16xf32, #tpu.memory_space<vmem>>) target(%dma_start3A_35 : memref<128x16xf32, #tpu.memory_space<vmem_shared>>) target_semaphore(%run_scoped3A : memref<!tpu.dma_semaphore, #tpu.memory_space<semaphore_mem>>)
      %dma_wait3A = arith.constant 0 : i32
      %dma_wait3A_36 = tpu.memref_slice %arg6[%add3A_10, %dma_wait3A] : memref<10112x16xf32, #tpu.memory_space<vmem_shared>> -> memref<128x16xf32, #tpu.memory_space<vmem_shared>>
      %dma_wait3A_37 = arith.constant 0 : i32
      %dma_wait3A_38 = tpu.memref_slice %arg6[%add3A_10, %dma_wait3A_37] : memref<10112x16xf32, #tpu.memory_space<vmem_shared>> -> memref<128x16xf32, #tpu.memory_space<vmem_shared>>
      tpu.wait_dma2 semaphore(%run_scoped3A : memref<!tpu.dma_semaphore, #tpu.memory_space<semaphore_mem>>) src(%arg5 : memref<128x16xf32, #tpu.memory_space<vmem>>) dst(%dma_wait3A_38 : memref<128x16xf32, #tpu.memory_space<vmem_shared>>)
      tpu.yield
    }) : () -> ()
    %add3A_11 = arith.constant 256 : i32
    %add3A_12 = arith.addi %mul3A_2, %add3A_11 : i32
    "tpu.region"() ({
      %run_scoped3A = tpu.sem_alloc : memref<!tpu.dma_semaphore, #tpu.memory_space<semaphore_mem>>
      %dma_start3A = arith.constant 0 : i32
      %dma_start3A_33 = tpu.memref_slice %arg6[%add3A_12, %dma_start3A] : memref<10112x16xf32, #tpu.memory_space<vmem_shared>> -> memref<128x16xf32, #tpu.memory_space<vmem_shared>>
      %dma_start3A_34 = arith.constant 0 : i32
      %dma_start3A_35 = tpu.memref_slice %arg6[%add3A_12, %dma_start3A_34] : memref<10112x16xf32, #tpu.memory_space<vmem_shared>> -> memref<128x16xf32, #tpu.memory_space<vmem_shared>>
      tpu.enqueue_dma source(%arg5 : memref<128x16xf32, #tpu.memory_space<vmem>>) target(%dma_start3A_35 : memref<128x16xf32, #tpu.memory_space<vmem_shared>>) target_semaphore(%run_scoped3A : memref<!tpu.dma_semaphore, #tpu.memory_space<semaphore_mem>>)
      %dma_wait3A = arith.constant 0 : i32
      %dma_wait3A_36 = tpu.memref_slice %arg6[%add3A_12, %dma_wait3A] : memref<10112x16xf32, #tpu.memory_space<vmem_shared>> -> memref<128x16xf32, #tpu.memory_space<vmem_shared>>
      %dma_wait3A_37 = arith.constant 0 : i32
      %dma_wait3A_38 = tpu.memref_slice %arg6[%add3A_12, %dma_wait3A_37] : memref<10112x16xf32, #tpu.memory_space<vmem_shared>> -> memref<128x16xf32, #tpu.memory_space<vmem_shared>>
      tpu.wait_dma2 semaphore(%run_scoped3A : memref<!tpu.dma_semaphore, #tpu.memory_space<semaphore_mem>>) src(%arg5 : memref<128x16xf32, #tpu.memory_space<vmem>>) dst(%dma_wait3A_38 : memref<128x16xf32, #tpu.memory_space<vmem_shared>>)
      tpu.yield
    }) : () -> ()
    %add3A_13 = arith.constant 384 : i32
    %add3A_14 = arith.addi %mul3A_2, %add3A_13 : i32
    "tpu.region"() ({
      %run_scoped3A = tpu.sem_alloc : memref<!tpu.dma_semaphore, #tpu.memory_space<semaphore_mem>>
      %dma_start3A = arith.constant 0 : i32
      %dma_start3A_33 = tpu.memref_slice %arg6[%add3A_14, %dma_start3A] : memref<10112x16xf32, #tpu.memory_space<vmem_shared>> -> memref<128x16xf32, #tpu.memory_space<vmem_shared>>
      %dma_start3A_34 = arith.constant 0 : i32
      %dma_start3A_35 = tpu.memref_slice %arg6[%add3A_14, %dma_start3A_34] : memref<10112x16xf32, #tpu.memory_space<vmem_shared>> -> memref<128x16xf32, #tpu.memory_space<vmem_shared>>
      tpu.enqueue_dma source(%arg5 : memref<128x16xf32, #tpu.memory_space<vmem>>) target(%dma_start3A_35 : memref<128x16xf32, #tpu.memory_space<vmem_shared>>) target_semaphore(%run_scoped3A : memref<!tpu.dma_semaphore, #tpu.memory_space<semaphore_mem>>)
      %dma_wait3A = arith.constant 0 : i32
      %dma_wait3A_36 = tpu.memref_slice %arg6[%add3A_14, %dma_wait3A] : memref<10112x16xf32, #tpu.memory_space<vmem_shared>> -> memref<128x16xf32, #tpu.memory_space<vmem_shared>>
      %dma_wait3A_37 = arith.constant 0 : i32
      %dma_wait3A_38 = tpu.memref_slice %arg6[%add3A_14, %dma_wait3A_37] : memref<10112x16xf32, #tpu.memory_space<vmem_shared>> -> memref<128x16xf32, #tpu.memory_space<vmem_shared>>
      tpu.wait_dma2 semaphore(%run_scoped3A : memref<!tpu.dma_semaphore, #tpu.memory_space<semaphore_mem>>) src(%arg5 : memref<128x16xf32, #tpu.memory_space<vmem>>) dst(%dma_wait3A_38 : memref<128x16xf32, #tpu.memory_space<vmem_shared>>)
      tpu.yield
    }) : () -> ()
    %add3A_15 = arith.constant 512 : i32
    %add3A_16 = arith.addi %mul3A_2, %add3A_15 : i32
    "tpu.region"() ({
      %run_scoped3A = tpu.sem_alloc : memref<!tpu.dma_semaphore, #tpu.memory_space<semaphore_mem>>
      %dma_start3A = arith.constant 0 : i32
      %dma_start3A_33 = arith.constant 0 : i32
      %dma_start3A_34 = tpu.memref_slice %arg5[%dma_start3A, %dma_start3A_33] : memref<128x16xf32, #tpu.memory_space<vmem>> -> memref<120x16xf32, #tpu.memory_space<vmem>>
      %dma_start3A_35 = arith.constant 0 : i32
      %dma_start3A_36 = tpu.memref_slice %arg6[%add3A_16, %dma_start3A_35] : memref<10112x16xf32, #tpu.memory_space<vmem_shared>> -> memref<120x16xf32, #tpu.memory_space<vmem_shared>>
      %dma_start3A_37 = arith.constant 0 : i32
      %dma_start3A_38 = tpu.memref_slice %arg6[%add3A_16, %dma_start3A_37] : memref<10112x16xf32, #tpu.memory_space<vmem_shared>> -> memref<120x16xf32, #tpu.memory_space<vmem_shared>>
      %dma_start3A_39 = arith.constant 0 : i32
      %dma_start3A_40 = arith.constant 0 : i32
      %dma_start3A_41 = tpu.memref_slice %arg5[%dma_start3A_39, %dma_start3A_40] : memref<128x16xf32, #tpu.memory_space<vmem>> -> memref<120x16xf32, #tpu.memory_space<vmem>>
      tpu.enqueue_dma source(%dma_start3A_41 : memref<120x16xf32, #tpu.memory_space<vmem>>) target(%dma_start3A_38 : memref<120x16xf32, #tpu.memory_space<vmem_shared>>) target_semaphore(%run_scoped3A : memref<!tpu.dma_semaphore, #tpu.memory_space<semaphore_mem>>)
      %dma_wait3A = arith.constant 0 : i32
      %dma_wait3A_42 = arith.constant 0 : i32
      %dma_wait3A_43 = tpu.memref_slice %arg5[%dma_wait3A, %dma_wait3A_42] : memref<128x16xf32, #tpu.memory_space<vmem>> -> memref<120x16xf32, #tpu.memory_space<vmem>>
      %dma_wait3A_44 = arith.constant 0 : i32
      %dma_wait3A_45 = tpu.memref_slice %arg6[%add3A_16, %dma_wait3A_44] : memref<10112x16xf32, #tpu.memory_space<vmem_shared>> -> memref<120x16xf32, #tpu.memory_space<vmem_shared>>
      %dma_wait3A_46 = arith.constant 0 : i32
      %dma_wait3A_47 = tpu.memref_slice %arg6[%add3A_16, %dma_wait3A_46] : memref<10112x16xf32, #tpu.memory_space<vmem_shared>> -> memref<120x16xf32, #tpu.memory_space<vmem_shared>>
      %dma_wait3A_48 = arith.constant 0 : i32
      %dma_wait3A_49 = arith.constant 0 : i32
      %dma_wait3A_50 = tpu.memref_slice %arg5[%dma_wait3A_48, %dma_wait3A_49] : memref<128x16xf32, #tpu.memory_space<vmem>> -> memref<120x16xf32, #tpu.memory_space<vmem>>
      tpu.wait_dma2 semaphore(%run_scoped3A : memref<!tpu.dma_semaphore, #tpu.memory_space<semaphore_mem>>) src(%dma_wait3A_50 : memref<120x16xf32, #tpu.memory_space<vmem>>) dst(%dma_wait3A_47 : memref<120x16xf32, #tpu.memory_space<vmem_shared>>)
      tpu.yield
    }) : () -> ()
    %scan3A_17 = arith.constant 0 : i32
    %scan3A_18 = arith.constant 128 : i32
    %scan3A_19 = arith.addi %scan3A_17, %scan3A_18 : i32
    %scan3A_20 = arith.constant 1 : i32
    scf.for %scan3A_33 = %scan3A_17 to %scan3A_19 step %scan3A_20  : i32 {
      %mul3A_34 = arith.constant 1 : i32
      %mul3A_35 = arith.muli %scan3A_33, %mul3A_34 : i32
      %add3A_36 = arith.constant 0 : i32
      %add3A_37 = arith.addi %add3A_36, %mul3A_35 : i32
      %broadcast_in_dim3A = arith.constant 1.000000e+00 : f32
      %broadcast_in_dim3A_38 = vector.broadcast %broadcast_in_dim3A : f32 to vector<16xf32>
      %swap3A = arith.index_cast %add3A_37 : i32 to index
      %swap3A_39 = arith.constant 0 : index
      %swap3A_40 = tpu.vector_load %arg5[%swap3A, %swap3A_39] {strides = array<i32>} : memref<128x16xf32, #tpu.memory_space<vmem>>, vector<1x16xf32>,
      %swap3A_41 = vector.shape_cast %swap3A_40 : vector<1x16xf32> to vector<16xf32>
      %swap3A_42 = vector.shape_cast %broadcast_in_dim3A_38 : vector<16xf32> to vector<1x16xf32>
      tpu.vector_store %arg5[%swap3A, %swap3A_39], %swap3A_42 {strides = array<i32>} : memref<128x16xf32, #tpu.memory_space<vmem>>, vector<1x16xf32>,
    }
    %scan3A_21 = arith.constant 128 : i32
    %mul3A_22 = arith.constant 80 : i32
    %mul3A_23 = arith.muli %add3A, %mul3A_22 : i32
    "tpu.region"() ({
      %run_scoped3A = tpu.sem_alloc : memref<!tpu.dma_semaphore, #tpu.memory_space<semaphore_mem>>
      %dma_start3A = arith.constant 0 : i32
      %dma_start3A_33 = tpu.memref_slice %arg2[%mul3A_23, %dma_start3A] : memref<2560x128xi32, #tpu.memory_space<hbm>> -> memref<80x128xi32, #tpu.memory_space<hbm>>
      %dma_start3A_34 = arith.constant 0 : i32
      %dma_start3A_35 = tpu.memref_slice %arg2[%mul3A_23, %dma_start3A_34] : memref<2560x128xi32, #tpu.memory_space<hbm>> -> memref<80x128xi32, #tpu.memory_space<hbm>>
      tpu.enqueue_dma source(%dma_start3A_35 : memref<80x128xi32, #tpu.memory_space<hbm>>) target(%arg4 : memref<80x128xi32, #tpu.memory_space<vmem>>) target_semaphore(%run_scoped3A : memref<!tpu.dma_semaphore, #tpu.memory_space<semaphore_mem>>)
      %dma_wait3A = arith.constant 0 : i32
      %dma_wait3A_36 = tpu.memref_slice %arg2[%mul3A_23, %dma_wait3A] : memref<2560x128xi32, #tpu.memory_space<hbm>> -> memref<80x128xi32, #tpu.memory_space<hbm>>
      %dma_wait3A_37 = arith.constant 0 : i32
      %dma_wait3A_38 = tpu.memref_slice %arg2[%mul3A_23, %dma_wait3A_37] : memref<2560x128xi32, #tpu.memory_space<hbm>> -> memref<80x128xi32, #tpu.memory_space<hbm>>
      tpu.wait_dma2 semaphore(%run_scoped3A : memref<!tpu.dma_semaphore, #tpu.memory_space<semaphore_mem>>) src(%dma_wait3A_38 : memref<80x128xi32, #tpu.memory_space<hbm>>) dst(%arg4 : memref<80x128xi32, #tpu.memory_space<vmem>>)
      tpu.yield
    }) : () -> ()
    %barrier3A = arith.constant 0 : index
    tpu.barrier barrier_id(%barrier3A)
    %scan3A_24 = arith.constant 0 : i32
    %scan3A_25 = arith.constant 80 : i32
    %scan3A_26 = arith.addi %scan3A_24, %scan3A_25 : i32
    %scan3A_27 = arith.constant 1 : i32
    scf.for %scan3A_33 = %scan3A_24 to %scan3A_26 step %scan3A_27  : i32 {
      %mul3A_34 = arith.constant 1 : i32
      %mul3A_35 = arith.muli %scan3A_33, %mul3A_34 : i32
      %add3A_36 = arith.constant 0 : i32
      %add3A_37 = arith.addi %add3A_36, %mul3A_35 : i32
      "tpu.region"() ({
        %run_scoped3A = tpu.sem_alloc : memref<!tpu.dma_semaphore, #tpu.memory_space<semaphore_mem>>
        %dma_start3A = arith.constant 0 : i32
        %dma_start3A_38 = tpu.memref_slice %arg4[%add3A_37, %dma_start3A] : memref<80x128xi32, #tpu.memory_space<vmem>> -> memref<1x128xi32, #tpu.memory_space<vmem>>
        %dma_start3A_39 = tpu.memref_squeeze %dma_start3A_38 : memref<1x128xi32, #tpu.memory_space<vmem>> -> memref<128xi32, #tpu.memory_space<vmem>>
        %dma_start3A_40 = arith.constant 0 : i32
        %dma_start3A_41 = arith.constant 0 : i32
        %dma_start3A_42 = tpu.memref_slice %arg6[%dma_start3A_40, %dma_start3A_41] : memref<10112x16xf32, #tpu.memory_space<vmem_shared>> -> memref<10112x16xf32, #tpu.memory_space<vmem_shared>>
        tpu.enqueue_indirect_dma source(%arg5 : memref<128x16xf32, #tpu.memory_space<vmem>>) target(%dma_start3A_42 : memref<10112x16xf32, #tpu.memory_space<vmem_shared>>) offsets(%dma_start3A_39 : memref<128xi32, #tpu.memory_space<vmem>>) semaphore(%run_scoped3A : memref<!tpu.dma_semaphore, #tpu.memory_space<semaphore_mem>>) {add = true}
        %dma_wait3A = arith.constant 0 : i32
        %dma_wait3A_43 = tpu.memref_slice %arg4[%add3A_37, %dma_wait3A] : memref<80x128xi32, #tpu.memory_space<vmem>> -> memref<1x128xi32, #tpu.memory_space<vmem>>
        %dma_wait3A_44 = tpu.memref_squeeze %dma_wait3A_43 : memref<1x128xi32, #tpu.memory_space<vmem>> -> memref<128xi32, #tpu.memory_space<vmem>>
        %dma_wait3A_45 = arith.constant 0 : i32
        %dma_wait3A_46 = arith.constant 0 : i32
        %dma_wait3A_47 = tpu.memref_slice %arg6[%dma_wait3A_45, %dma_wait3A_46] : memref<10112x16xf32, #tpu.memory_space<vmem_shared>> -> memref<10112x16xf32, #tpu.memory_space<vmem_shared>>
        tpu.wait_indirect_dma semaphore(%run_scoped3A : memref<!tpu.dma_semaphore, #tpu.memory_space<semaphore_mem>>) src(%arg5 : memref<128x16xf32, #tpu.memory_space<vmem>>) dst(%dma_wait3A_47 : memref<10112x16xf32, #tpu.memory_space<vmem_shared>>)
        tpu.yield
      }) : () -> ()
    }
    %scan3A_28 = arith.constant 80 : i32
    %barrier3A_29 = arith.constant 0 : index
    tpu.barrier barrier_id(%barrier3A_29)
    %mul3A_30 = arith.constant 10112 : i32
    %mul3A_31 = arith.muli %arg0, %mul3A_30 : i32
    %add3A_32 = arith.addi %mul3A_31, %mul3A_2 : i32
    "tpu.region"() ({
      %run_scoped3A = tpu.sem_alloc : memref<!tpu.dma_semaphore, #tpu.memory_space<semaphore_mem>>
      %dma_start3A = arith.constant 0 : i32
      %dma_start3A_33 = tpu.memref_slice %arg3[%add3A_32, %dma_start3A] : memref<20224x16xf32, #tpu.memory_space<hbm>> -> memref<632x16xf32, #tpu.memory_space<hbm>>
      %dma_start3A_34 = arith.constant 0 : i32
      %dma_start3A_35 = tpu.memref_slice %arg6[%mul3A_2, %dma_start3A_34] : memref<10112x16xf32, #tpu.memory_space<vmem_shared>> -> memref<632x16xf32, #tpu.memory_space<vmem_shared>>
      tpu.enqueue_dma source(%dma_start3A_35 : memref<632x16xf32, #tpu.memory_space<vmem_shared>>) target(%dma_start3A_33 : memref<632x16xf32, #tpu.memory_space<hbm>>) target_semaphore(%run_scoped3A : memref<!tpu.dma_semaphore, #tpu.memory_space<semaphore_mem>>)
      %dma_wait3A = arith.constant 0 : i32
      %dma_wait3A_36 = tpu.memref_slice %arg3[%add3A_32, %dma_wait3A] : memref<20224x16xf32, #tpu.memory_space<hbm>> -> memref<632x16xf32, #tpu.memory_space<hbm>>
      %dma_wait3A_37 = arith.constant 0 : i32
      %dma_wait3A_38 = tpu.memref_slice %arg6[%mul3A_2, %dma_wait3A_37] : memref<10112x16xf32, #tpu.memory_space<vmem_shared>> -> memref<632x16xf32, #tpu.memory_space<vmem_shared>>
      tpu.wait_dma2 semaphore(%run_scoped3A : memref<!tpu.dma_semaphore, #tpu.memory_space<semaphore_mem>>) src(%dma_wait3A_38 : memref<632x16xf32, #tpu.memory_space<vmem_shared>>) dst(%dma_wait3A_36 : memref<632x16xf32, #tpu.memory_space<hbm>>)
      tpu.yield
    }) : () -> ()
    return
  }
}

#map = affine_map<(d0, d1) -> (0, 0)>
#map1 = affine_map<(d0, d1) -> (0, 0, 0)>
module attributes {stable_mosaic.version = 14 : i64} {
  func.func @agg_kernel(%arg0: i32, %arg1: i32, %arg2: memref<10112x64xf32, #tpu.memory_space<hbm>>, %arg3: memref<2560x2x128xi32, #tpu.memory_space<hbm>>, %arg4: memref<20224x64xf32, #tpu.memory_space<hbm>>, %arg5: memref<2x2x128xi32, #tpu.memory_space<vmem>>, %arg6: memref<2x2x128xi32, #tpu.memory_space<vmem>>, %arg7: memref<128x64xf32, #tpu.memory_space<vmem>>, %arg8: memref<128x64xf32, #tpu.memory_space<vmem>>, %arg9: memref<10112x64xf32, #tpu.memory_space<vmem_shared>>, %arg10: memref<!tpu.dma_semaphore, #tpu.memory_space<semaphore_mem>>, %arg11: memref<!tpu.dma_semaphore, #tpu.memory_space<semaphore_mem>>, %arg12: memref<!tpu.dma_semaphore, #tpu.memory_space<semaphore_mem>>, %arg13: memref<!tpu.dma_semaphore, #tpu.memory_space<semaphore_mem>>) attributes {dimension_semantics = [#tpu.dimension_semantics<core_parallel>, #tpu.dimension_semantics<subcore_parallel>], iteration_bounds = array<i64: 2, 16>, scalar_prefetch = 0 : i64, scratch_operands = 9 : i64, tpu.core_type = #tpu.core_type<sc_vector_subcore>, window_params = [{transform_indices = #map}, {transform_indices = #map1}, {transform_indices = #map}]} {
    %mul3A = arith.constant 16 : i32
    %mul3A_0 = arith.muli %arg0, %mul3A : i32
    %add3A = arith.addi %mul3A_0, %arg1 : i32
    %mul3A_1 = arith.constant 632 : i32
    %mul3A_2 = arith.muli %arg1, %mul3A_1 : i32
    %scan3A = arith.constant 0 : i32
    %scan3A_3 = arith.constant 128 : i32
    %scan3A_4 = arith.addi %scan3A, %scan3A_3 : i32
    %scan3A_5 = arith.constant 1 : i32
    scf.for %scan3A_111 = %scan3A to %scan3A_4 step %scan3A_5  : i32 {
      %mul3A_112 = arith.constant 1 : i32
      %mul3A_113 = arith.muli %scan3A_111, %mul3A_112 : i32
      %add3A_114 = arith.constant 0 : i32
      %add3A_115 = arith.addi %add3A_114, %mul3A_113 : i32
      %scan3A_116 = arith.constant 0 : i32
      %scan3A_117 = arith.constant 4 : i32
      %scan3A_118 = arith.addi %scan3A_116, %scan3A_117 : i32
      %scan3A_119 = arith.constant 1 : i32
      scf.for %scan3A_121 = %scan3A_116 to %scan3A_118 step %scan3A_119  : i32 {
        %mul3A_122 = arith.constant 16 : i32
        %mul3A_123 = arith.muli %scan3A_121, %mul3A_122 : i32
        %add3A_124 = arith.constant 0 : i32
        %add3A_125 = arith.addi %add3A_124, %mul3A_123 : i32
        %broadcast_in_dim3A = arith.constant 0.000000e+00 : f32
        %broadcast_in_dim3A_126 = vector.broadcast %broadcast_in_dim3A : f32 to vector<16xf32>
        %swap3A = arith.index_cast %add3A_115 : i32 to index
        %swap3A_127 = arith.index_cast %add3A_125 : i32 to index
        %swap3A_128 = tpu.vector_load %arg7[%swap3A, %swap3A_127] {strides = array<i32>} : memref<128x64xf32, #tpu.memory_space<vmem>>, vector<1x16xf32>,
        %swap3A_129 = vector.shape_cast %swap3A_128 : vector<1x16xf32> to vector<16xf32>
        %swap3A_130 = vector.shape_cast %broadcast_in_dim3A_126 : vector<16xf32> to vector<1x16xf32>
        tpu.vector_store %arg7[%swap3A, %swap3A_127], %swap3A_130 {strides = array<i32>} : memref<128x64xf32, #tpu.memory_space<vmem>>, vector<1x16xf32>,
      }
      %scan3A_120 = arith.constant 4 : i32
    }
    %scan3A_6 = arith.constant 128 : i32
    %add3A_7 = arith.constant 0 : i32
    %add3A_8 = arith.addi %mul3A_2, %add3A_7 : i32
    "tpu.region"() ({
      %run_scoped3A_111 = tpu.sem_alloc : memref<!tpu.dma_semaphore, #tpu.memory_space<semaphore_mem>>
      %dma_start3A_112 = arith.constant 0 : i32
      %dma_start3A_113 = tpu.memref_slice %arg9[%add3A_8, %dma_start3A_112] : memref<10112x64xf32, #tpu.memory_space<vmem_shared>> -> memref<128x64xf32, #tpu.memory_space<vmem_shared>>
      %dma_start3A_114 = arith.constant 0 : i32
      %dma_start3A_115 = tpu.memref_slice %arg9[%add3A_8, %dma_start3A_114] : memref<10112x64xf32, #tpu.memory_space<vmem_shared>> -> memref<128x64xf32, #tpu.memory_space<vmem_shared>>
      tpu.enqueue_dma source(%arg7 : memref<128x64xf32, #tpu.memory_space<vmem>>) target(%dma_start3A_115 : memref<128x64xf32, #tpu.memory_space<vmem_shared>>) target_semaphore(%run_scoped3A_111 : memref<!tpu.dma_semaphore, #tpu.memory_space<semaphore_mem>>)
      %dma_wait3A_116 = arith.constant 0 : i32
      %dma_wait3A_117 = tpu.memref_slice %arg9[%add3A_8, %dma_wait3A_116] : memref<10112x64xf32, #tpu.memory_space<vmem_shared>> -> memref<128x64xf32, #tpu.memory_space<vmem_shared>>
      %dma_wait3A_118 = arith.constant 0 : i32
      %dma_wait3A_119 = tpu.memref_slice %arg9[%add3A_8, %dma_wait3A_118] : memref<10112x64xf32, #tpu.memory_space<vmem_shared>> -> memref<128x64xf32, #tpu.memory_space<vmem_shared>>
      tpu.wait_dma2 semaphore(%run_scoped3A_111 : memref<!tpu.dma_semaphore, #tpu.memory_space<semaphore_mem>>) src(%arg7 : memref<128x64xf32, #tpu.memory_space<vmem>>) dst(%dma_wait3A_119 : memref<128x64xf32, #tpu.memory_space<vmem_shared>>)
      tpu.yield
    }) : () -> ()
    %add3A_9 = arith.constant 128 : i32
    %add3A_10 = arith.addi %mul3A_2, %add3A_9 : i32
    "tpu.region"() ({
      %run_scoped3A_111 = tpu.sem_alloc : memref<!tpu.dma_semaphore, #tpu.memory_space<semaphore_mem>>
      %dma_start3A_112 = arith.constant 0 : i32
      %dma_start3A_113 = tpu.memref_slice %arg9[%add3A_10, %dma_start3A_112] : memref<10112x64xf32, #tpu.memory_space<vmem_shared>> -> memref<128x64xf32, #tpu.memory_space<vmem_shared>>
      %dma_start3A_114 = arith.constant 0 : i32
      %dma_start3A_115 = tpu.memref_slice %arg9[%add3A_10, %dma_start3A_114] : memref<10112x64xf32, #tpu.memory_space<vmem_shared>> -> memref<128x64xf32, #tpu.memory_space<vmem_shared>>
      tpu.enqueue_dma source(%arg7 : memref<128x64xf32, #tpu.memory_space<vmem>>) target(%dma_start3A_115 : memref<128x64xf32, #tpu.memory_space<vmem_shared>>) target_semaphore(%run_scoped3A_111 : memref<!tpu.dma_semaphore, #tpu.memory_space<semaphore_mem>>)
      %dma_wait3A_116 = arith.constant 0 : i32
      %dma_wait3A_117 = tpu.memref_slice %arg9[%add3A_10, %dma_wait3A_116] : memref<10112x64xf32, #tpu.memory_space<vmem_shared>> -> memref<128x64xf32, #tpu.memory_space<vmem_shared>>
      %dma_wait3A_118 = arith.constant 0 : i32
      %dma_wait3A_119 = tpu.memref_slice %arg9[%add3A_10, %dma_wait3A_118] : memref<10112x64xf32, #tpu.memory_space<vmem_shared>> -> memref<128x64xf32, #tpu.memory_space<vmem_shared>>
      tpu.wait_dma2 semaphore(%run_scoped3A_111 : memref<!tpu.dma_semaphore, #tpu.memory_space<semaphore_mem>>) src(%arg7 : memref<128x64xf32, #tpu.memory_space<vmem>>) dst(%dma_wait3A_119 : memref<128x64xf32, #tpu.memory_space<vmem_shared>>)
      tpu.yield
    }) : () -> ()
    %add3A_11 = arith.constant 256 : i32
    %add3A_12 = arith.addi %mul3A_2, %add3A_11 : i32
    "tpu.region"() ({
      %run_scoped3A_111 = tpu.sem_alloc : memref<!tpu.dma_semaphore, #tpu.memory_space<semaphore_mem>>
      %dma_start3A_112 = arith.constant 0 : i32
      %dma_start3A_113 = tpu.memref_slice %arg9[%add3A_12, %dma_start3A_112] : memref<10112x64xf32, #tpu.memory_space<vmem_shared>> -> memref<128x64xf32, #tpu.memory_space<vmem_shared>>
      %dma_start3A_114 = arith.constant 0 : i32
      %dma_start3A_115 = tpu.memref_slice %arg9[%add3A_12, %dma_start3A_114] : memref<10112x64xf32, #tpu.memory_space<vmem_shared>> -> memref<128x64xf32, #tpu.memory_space<vmem_shared>>
      tpu.enqueue_dma source(%arg7 : memref<128x64xf32, #tpu.memory_space<vmem>>) target(%dma_start3A_115 : memref<128x64xf32, #tpu.memory_space<vmem_shared>>) target_semaphore(%run_scoped3A_111 : memref<!tpu.dma_semaphore, #tpu.memory_space<semaphore_mem>>)
      %dma_wait3A_116 = arith.constant 0 : i32
      %dma_wait3A_117 = tpu.memref_slice %arg9[%add3A_12, %dma_wait3A_116] : memref<10112x64xf32, #tpu.memory_space<vmem_shared>> -> memref<128x64xf32, #tpu.memory_space<vmem_shared>>
      %dma_wait3A_118 = arith.constant 0 : i32
      %dma_wait3A_119 = tpu.memref_slice %arg9[%add3A_12, %dma_wait3A_118] : memref<10112x64xf32, #tpu.memory_space<vmem_shared>> -> memref<128x64xf32, #tpu.memory_space<vmem_shared>>
      tpu.wait_dma2 semaphore(%run_scoped3A_111 : memref<!tpu.dma_semaphore, #tpu.memory_space<semaphore_mem>>) src(%arg7 : memref<128x64xf32, #tpu.memory_space<vmem>>) dst(%dma_wait3A_119 : memref<128x64xf32, #tpu.memory_space<vmem_shared>>)
      tpu.yield
    }) : () -> ()
    %add3A_13 = arith.constant 384 : i32
    %add3A_14 = arith.addi %mul3A_2, %add3A_13 : i32
    "tpu.region"() ({
      %run_scoped3A_111 = tpu.sem_alloc : memref<!tpu.dma_semaphore, #tpu.memory_space<semaphore_mem>>
      %dma_start3A_112 = arith.constant 0 : i32
      %dma_start3A_113 = tpu.memref_slice %arg9[%add3A_14, %dma_start3A_112] : memref<10112x64xf32, #tpu.memory_space<vmem_shared>> -> memref<128x64xf32, #tpu.memory_space<vmem_shared>>
      %dma_start3A_114 = arith.constant 0 : i32
      %dma_start3A_115 = tpu.memref_slice %arg9[%add3A_14, %dma_start3A_114] : memref<10112x64xf32, #tpu.memory_space<vmem_shared>> -> memref<128x64xf32, #tpu.memory_space<vmem_shared>>
      tpu.enqueue_dma source(%arg7 : memref<128x64xf32, #tpu.memory_space<vmem>>) target(%dma_start3A_115 : memref<128x64xf32, #tpu.memory_space<vmem_shared>>) target_semaphore(%run_scoped3A_111 : memref<!tpu.dma_semaphore, #tpu.memory_space<semaphore_mem>>)
      %dma_wait3A_116 = arith.constant 0 : i32
      %dma_wait3A_117 = tpu.memref_slice %arg9[%add3A_14, %dma_wait3A_116] : memref<10112x64xf32, #tpu.memory_space<vmem_shared>> -> memref<128x64xf32, #tpu.memory_space<vmem_shared>>
      %dma_wait3A_118 = arith.constant 0 : i32
      %dma_wait3A_119 = tpu.memref_slice %arg9[%add3A_14, %dma_wait3A_118] : memref<10112x64xf32, #tpu.memory_space<vmem_shared>> -> memref<128x64xf32, #tpu.memory_space<vmem_shared>>
      tpu.wait_dma2 semaphore(%run_scoped3A_111 : memref<!tpu.dma_semaphore, #tpu.memory_space<semaphore_mem>>) src(%arg7 : memref<128x64xf32, #tpu.memory_space<vmem>>) dst(%dma_wait3A_119 : memref<128x64xf32, #tpu.memory_space<vmem_shared>>)
      tpu.yield
    }) : () -> ()
    %add3A_15 = arith.constant 512 : i32
    %add3A_16 = arith.addi %mul3A_2, %add3A_15 : i32
    "tpu.region"() ({
      %run_scoped3A_111 = tpu.sem_alloc : memref<!tpu.dma_semaphore, #tpu.memory_space<semaphore_mem>>
      %dma_start3A_112 = arith.constant 0 : i32
      %dma_start3A_113 = arith.constant 0 : i32
      %dma_start3A_114 = tpu.memref_slice %arg7[%dma_start3A_112, %dma_start3A_113] : memref<128x64xf32, #tpu.memory_space<vmem>> -> memref<120x64xf32, #tpu.memory_space<vmem>>
      %dma_start3A_115 = arith.constant 0 : i32
      %dma_start3A_116 = tpu.memref_slice %arg9[%add3A_16, %dma_start3A_115] : memref<10112x64xf32, #tpu.memory_space<vmem_shared>> -> memref<120x64xf32, #tpu.memory_space<vmem_shared>>
      %dma_start3A_117 = arith.constant 0 : i32
      %dma_start3A_118 = tpu.memref_slice %arg9[%add3A_16, %dma_start3A_117] : memref<10112x64xf32, #tpu.memory_space<vmem_shared>> -> memref<120x64xf32, #tpu.memory_space<vmem_shared>>
      %dma_start3A_119 = arith.constant 0 : i32
      %dma_start3A_120 = arith.constant 0 : i32
      %dma_start3A_121 = tpu.memref_slice %arg7[%dma_start3A_119, %dma_start3A_120] : memref<128x64xf32, #tpu.memory_space<vmem>> -> memref<120x64xf32, #tpu.memory_space<vmem>>
      tpu.enqueue_dma source(%dma_start3A_121 : memref<120x64xf32, #tpu.memory_space<vmem>>) target(%dma_start3A_118 : memref<120x64xf32, #tpu.memory_space<vmem_shared>>) target_semaphore(%run_scoped3A_111 : memref<!tpu.dma_semaphore, #tpu.memory_space<semaphore_mem>>)
      %dma_wait3A_122 = arith.constant 0 : i32
      %dma_wait3A_123 = arith.constant 0 : i32
      %dma_wait3A_124 = tpu.memref_slice %arg7[%dma_wait3A_122, %dma_wait3A_123] : memref<128x64xf32, #tpu.memory_space<vmem>> -> memref<120x64xf32, #tpu.memory_space<vmem>>
      %dma_wait3A_125 = arith.constant 0 : i32
      %dma_wait3A_126 = tpu.memref_slice %arg9[%add3A_16, %dma_wait3A_125] : memref<10112x64xf32, #tpu.memory_space<vmem_shared>> -> memref<120x64xf32, #tpu.memory_space<vmem_shared>>
      %dma_wait3A_127 = arith.constant 0 : i32
      %dma_wait3A_128 = tpu.memref_slice %arg9[%add3A_16, %dma_wait3A_127] : memref<10112x64xf32, #tpu.memory_space<vmem_shared>> -> memref<120x64xf32, #tpu.memory_space<vmem_shared>>
      %dma_wait3A_129 = arith.constant 0 : i32
      %dma_wait3A_130 = arith.constant 0 : i32
      %dma_wait3A_131 = tpu.memref_slice %arg7[%dma_wait3A_129, %dma_wait3A_130] : memref<128x64xf32, #tpu.memory_space<vmem>> -> memref<120x64xf32, #tpu.memory_space<vmem>>
      tpu.wait_dma2 semaphore(%run_scoped3A_111 : memref<!tpu.dma_semaphore, #tpu.memory_space<semaphore_mem>>) src(%dma_wait3A_131 : memref<120x64xf32, #tpu.memory_space<vmem>>) dst(%dma_wait3A_128 : memref<120x64xf32, #tpu.memory_space<vmem_shared>>)
      tpu.yield
    }) : () -> ()
    %barrier3A = arith.constant 0 : index
    tpu.barrier barrier_id(%barrier3A)
    %mul3A_17 = arith.constant 80 : i32
    %mul3A_18 = arith.muli %add3A, %mul3A_17 : i32
    "tpu.region"() ({
      %run_scoped3A_111 = tpu.sem_alloc : memref<!tpu.dma_semaphore, #tpu.memory_space<semaphore_mem>>
      %dma_start3A_112 = arith.constant 0 : i32
      %dma_start3A_113 = arith.constant 0 : i32
      %dma_start3A_114 = tpu.memref_slice %arg3[%mul3A_18, %dma_start3A_112, %dma_start3A_113] : memref<2560x2x128xi32, #tpu.memory_space<hbm>> -> memref<2x2x128xi32, #tpu.memory_space<hbm>>
      %dma_start3A_115 = arith.constant 0 : i32
      %dma_start3A_116 = arith.constant 0 : i32
      %dma_start3A_117 = tpu.memref_slice %arg3[%mul3A_18, %dma_start3A_115, %dma_start3A_116] : memref<2560x2x128xi32, #tpu.memory_space<hbm>> -> memref<2x2x128xi32, #tpu.memory_space<hbm>>
      tpu.enqueue_dma source(%dma_start3A_117 : memref<2x2x128xi32, #tpu.memory_space<hbm>>) target(%arg5 : memref<2x2x128xi32, #tpu.memory_space<vmem>>) target_semaphore(%run_scoped3A_111 : memref<!tpu.dma_semaphore, #tpu.memory_space<semaphore_mem>>)
      %dma_wait3A_118 = arith.constant 0 : i32
      %dma_wait3A_119 = arith.constant 0 : i32
      %dma_wait3A_120 = tpu.memref_slice %arg3[%mul3A_18, %dma_wait3A_118, %dma_wait3A_119] : memref<2560x2x128xi32, #tpu.memory_space<hbm>> -> memref<2x2x128xi32, #tpu.memory_space<hbm>>
      %dma_wait3A_121 = arith.constant 0 : i32
      %dma_wait3A_122 = arith.constant 0 : i32
      %dma_wait3A_123 = tpu.memref_slice %arg3[%mul3A_18, %dma_wait3A_121, %dma_wait3A_122] : memref<2560x2x128xi32, #tpu.memory_space<hbm>> -> memref<2x2x128xi32, #tpu.memory_space<hbm>>
      tpu.wait_dma2 semaphore(%run_scoped3A_111 : memref<!tpu.dma_semaphore, #tpu.memory_space<semaphore_mem>>) src(%dma_wait3A_123 : memref<2x2x128xi32, #tpu.memory_space<hbm>>) dst(%arg5 : memref<2x2x128xi32, #tpu.memory_space<vmem>>)
      tpu.yield
    }) : () -> ()
    %add3A_19 = arith.constant 2 : i32
    %add3A_20 = arith.addi %mul3A_18, %add3A_19 : i32
    %dma_start3A = arith.constant 0 : i32
    %dma_start3A_21 = arith.constant 0 : i32
    %dma_start3A_22 = tpu.memref_slice %arg3[%add3A_20, %dma_start3A, %dma_start3A_21] : memref<2560x2x128xi32, #tpu.memory_space<hbm>> -> memref<2x2x128xi32, #tpu.memory_space<hbm>>
    %dma_start3A_23 = arith.constant 0 : i32
    %dma_start3A_24 = arith.constant 0 : i32
    %dma_start3A_25 = tpu.memref_slice %arg3[%add3A_20, %dma_start3A_23, %dma_start3A_24] : memref<2560x2x128xi32, #tpu.memory_space<hbm>> -> memref<2x2x128xi32, #tpu.memory_space<hbm>>
    tpu.enqueue_dma source(%dma_start3A_25 : memref<2x2x128xi32, #tpu.memory_space<hbm>>) target(%arg6 : memref<2x2x128xi32, #tpu.memory_space<vmem>>) target_semaphore(%arg13 : memref<!tpu.dma_semaphore, #tpu.memory_space<semaphore_mem>>)
    %dma_start3A_26 = arith.constant 0 : i32
    %dma_start3A_27 = arith.constant 0 : i32
    %dma_start3A_28 = arith.constant 0 : i32
    %dma_start3A_29 = tpu.memref_slice %arg5[%dma_start3A_26, %dma_start3A_27, %dma_start3A_28] : memref<2x2x128xi32, #tpu.memory_space<vmem>> -> memref<1x1x128xi32, #tpu.memory_space<vmem>>
    %dma_start3A_30 = tpu.memref_squeeze %dma_start3A_29 : memref<1x1x128xi32, #tpu.memory_space<vmem>> -> memref<128xi32, #tpu.memory_space<vmem>>
    %dma_start3A_31 = arith.constant 0 : i32
    %dma_start3A_32 = arith.constant 0 : i32
    %dma_start3A_33 = tpu.memref_slice %arg2[%dma_start3A_31, %dma_start3A_32] : memref<10112x64xf32, #tpu.memory_space<hbm>> -> memref<10112x64xf32, #tpu.memory_space<hbm>>
    tpu.enqueue_indirect_dma source(%dma_start3A_33 : memref<10112x64xf32, #tpu.memory_space<hbm>>) target(%arg7 : memref<128x64xf32, #tpu.memory_space<vmem>>) offsets(%dma_start3A_30 : memref<128xi32, #tpu.memory_space<vmem>>) semaphore(%arg10 : memref<!tpu.dma_semaphore, #tpu.memory_space<semaphore_mem>>)
    %dma_start3A_34 = arith.constant 1 : i32
    %dma_start3A_35 = arith.constant 0 : i32
    %dma_start3A_36 = arith.constant 0 : i32
    %dma_start3A_37 = tpu.memref_slice %arg5[%dma_start3A_34, %dma_start3A_35, %dma_start3A_36] : memref<2x2x128xi32, #tpu.memory_space<vmem>> -> memref<1x1x128xi32, #tpu.memory_space<vmem>>
    %dma_start3A_38 = tpu.memref_squeeze %dma_start3A_37 : memref<1x1x128xi32, #tpu.memory_space<vmem>> -> memref<128xi32, #tpu.memory_space<vmem>>
    %dma_start3A_39 = arith.constant 0 : i32
    %dma_start3A_40 = arith.constant 0 : i32
    %dma_start3A_41 = tpu.memref_slice %arg2[%dma_start3A_39, %dma_start3A_40] : memref<10112x64xf32, #tpu.memory_space<hbm>> -> memref<10112x64xf32, #tpu.memory_space<hbm>>
    tpu.enqueue_indirect_dma source(%dma_start3A_41 : memref<10112x64xf32, #tpu.memory_space<hbm>>) target(%arg8 : memref<128x64xf32, #tpu.memory_space<vmem>>) offsets(%dma_start3A_38 : memref<128xi32, #tpu.memory_space<vmem>>) semaphore(%arg11 : memref<!tpu.dma_semaphore, #tpu.memory_space<semaphore_mem>>)
    %scan3A_42 = arith.constant 0 : i32
    %scan3A_43 = arith.constant 19 : i32
    %scan3A_44 = arith.addi %scan3A_42, %scan3A_43 : i32
    %scan3A_45 = arith.constant 1 : i32
    scf.for %scan3A_111 = %scan3A_42 to %scan3A_44 step %scan3A_45  : i32 {
      %mul3A_112 = arith.constant 4 : i32
      %mul3A_113 = arith.muli %scan3A_111, %mul3A_112 : i32
      %add3A_114 = arith.constant 0 : i32
      %add3A_115 = arith.addi %add3A_114, %mul3A_113 : i32
      %dma_wait3A_116 = arith.constant 0 : i32
      %dma_wait3A_117 = arith.constant 0 : i32
      %dma_wait3A_118 = arith.constant 0 : i32
      %dma_wait3A_119 = tpu.memref_slice %arg5[%dma_wait3A_116, %dma_wait3A_117, %dma_wait3A_118] : memref<2x2x128xi32, #tpu.memory_space<vmem>> -> memref<1x1x128xi32, #tpu.memory_space<vmem>>
      %dma_wait3A_120 = tpu.memref_squeeze %dma_wait3A_119 : memref<1x1x128xi32, #tpu.memory_space<vmem>> -> memref<128xi32, #tpu.memory_space<vmem>>
      %dma_wait3A_121 = arith.constant 0 : i32
      %dma_wait3A_122 = arith.constant 0 : i32
      %dma_wait3A_123 = tpu.memref_slice %arg2[%dma_wait3A_121, %dma_wait3A_122] : memref<10112x64xf32, #tpu.memory_space<hbm>> -> memref<10112x64xf32, #tpu.memory_space<hbm>>
      tpu.wait_indirect_dma semaphore(%arg10 : memref<!tpu.dma_semaphore, #tpu.memory_space<semaphore_mem>>) src(%dma_wait3A_123 : memref<10112x64xf32, #tpu.memory_space<hbm>>) dst(%arg7 : memref<128x64xf32, #tpu.memory_space<vmem>>)
      %run_scoped3A_124 = arith.constant 0 : i32
      %run_scoped3A_125 = arith.constant 1 : i32
      "tpu.region"() ({
        %run_scoped3A_218 = tpu.sem_alloc : memref<!tpu.dma_semaphore, #tpu.memory_space<semaphore_mem>>
        %dma_start3A_219 = arith.constant 0 : i32
        %dma_start3A_220 = tpu.memref_slice %arg5[%run_scoped3A_124, %run_scoped3A_125, %dma_start3A_219] : memref<2x2x128xi32, #tpu.memory_space<vmem>> -> memref<1x1x128xi32, #tpu.memory_space<vmem>>
        %dma_start3A_221 = tpu.memref_squeeze %dma_start3A_220 : memref<1x1x128xi32, #tpu.memory_space<vmem>> -> memref<128xi32, #tpu.memory_space<vmem>>
        %dma_start3A_222 = arith.constant 0 : i32
        %dma_start3A_223 = arith.constant 0 : i32
        %dma_start3A_224 = tpu.memref_slice %arg9[%dma_start3A_222, %dma_start3A_223] : memref<10112x64xf32, #tpu.memory_space<vmem_shared>> -> memref<10112x64xf32, #tpu.memory_space<vmem_shared>>
        tpu.enqueue_indirect_dma source(%arg7 : memref<128x64xf32, #tpu.memory_space<vmem>>) target(%dma_start3A_224 : memref<10112x64xf32, #tpu.memory_space<vmem_shared>>) offsets(%dma_start3A_221 : memref<128xi32, #tpu.memory_space<vmem>>) semaphore(%run_scoped3A_218 : memref<!tpu.dma_semaphore, #tpu.memory_space<semaphore_mem>>) {add = true}
        %dma_wait3A_225 = arith.constant 0 : i32
        %dma_wait3A_226 = tpu.memref_slice %arg5[%run_scoped3A_124, %run_scoped3A_125, %dma_wait3A_225] : memref<2x2x128xi32, #tpu.memory_space<vmem>> -> memref<1x1x128xi32, #tpu.memory_space<vmem>>
        %dma_wait3A_227 = tpu.memref_squeeze %dma_wait3A_226 : memref<1x1x128xi32, #tpu.memory_space<vmem>> -> memref<128xi32, #tpu.memory_space<vmem>>
        %dma_wait3A_228 = arith.constant 0 : i32
        %dma_wait3A_229 = arith.constant 0 : i32
        %dma_wait3A_230 = tpu.memref_slice %arg9[%dma_wait3A_228, %dma_wait3A_229] : memref<10112x64xf32, #tpu.memory_space<vmem_shared>> -> memref<10112x64xf32, #tpu.memory_space<vmem_shared>>
        tpu.wait_indirect_dma semaphore(%run_scoped3A_218 : memref<!tpu.dma_semaphore, #tpu.memory_space<semaphore_mem>>) src(%arg7 : memref<128x64xf32, #tpu.memory_space<vmem>>) dst(%dma_wait3A_230 : memref<10112x64xf32, #tpu.memory_space<vmem_shared>>)
        tpu.yield
      }) : () -> ()
      %dma_wait3A_126 = arith.constant 0 : i32
      %dma_wait3A_127 = arith.constant 0 : i32
      %dma_wait3A_128 = tpu.memref_slice %arg3[%mul3A_18, %dma_wait3A_126, %dma_wait3A_127] : memref<2560x2x128xi32, #tpu.memory_space<hbm>> -> memref<2x2x128xi32, #tpu.memory_space<hbm>>
      %dma_wait3A_129 = arith.constant 0 : i32
      %dma_wait3A_130 = arith.constant 0 : i32
      %dma_wait3A_131 = tpu.memref_slice %arg3[%mul3A_18, %dma_wait3A_129, %dma_wait3A_130] : memref<2560x2x128xi32, #tpu.memory_space<hbm>> -> memref<2x2x128xi32, #tpu.memory_space<hbm>>
      tpu.wait_dma2 semaphore(%arg13 : memref<!tpu.dma_semaphore, #tpu.memory_space<semaphore_mem>>) src(%dma_wait3A_131 : memref<2x2x128xi32, #tpu.memory_space<hbm>>) dst(%arg6 : memref<2x2x128xi32, #tpu.memory_space<vmem>>)
      %dma_start3A_132 = arith.constant 0 : i32
      %dma_start3A_133 = arith.constant 0 : i32
      %dma_start3A_134 = arith.constant 0 : i32
      %dma_start3A_135 = tpu.memref_slice %arg6[%dma_start3A_132, %dma_start3A_133, %dma_start3A_134] : memref<2x2x128xi32, #tpu.memory_space<vmem>> -> memref<1x1x128xi32, #tpu.memory_space<vmem>>
      %dma_start3A_136 = tpu.memref_squeeze %dma_start3A_135 : memref<1x1x128xi32, #tpu.memory_space<vmem>> -> memref<128xi32, #tpu.memory_space<vmem>>
      %dma_start3A_137 = arith.constant 0 : i32
      %dma_start3A_138 = arith.constant 0 : i32
      %dma_start3A_139 = tpu.memref_slice %arg2[%dma_start3A_137, %dma_start3A_138] : memref<10112x64xf32, #tpu.memory_space<hbm>> -> memref<10112x64xf32, #tpu.memory_space<hbm>>
      tpu.enqueue_indirect_dma source(%dma_start3A_139 : memref<10112x64xf32, #tpu.memory_space<hbm>>) target(%arg7 : memref<128x64xf32, #tpu.memory_space<vmem>>) offsets(%dma_start3A_136 : memref<128xi32, #tpu.memory_space<vmem>>) semaphore(%arg10 : memref<!tpu.dma_semaphore, #tpu.memory_space<semaphore_mem>>)
      %dma_wait3A_140 = arith.constant 0 : i32
      %dma_wait3A_141 = arith.constant 0 : i32
      %dma_wait3A_142 = arith.constant 0 : i32
      %dma_wait3A_143 = tpu.memref_slice %arg5[%dma_wait3A_140, %dma_wait3A_141, %dma_wait3A_142] : memref<2x2x128xi32, #tpu.memory_space<vmem>> -> memref<1x1x128xi32, #tpu.memory_space<vmem>>
      %dma_wait3A_144 = tpu.memref_squeeze %dma_wait3A_143 : memref<1x1x128xi32, #tpu.memory_space<vmem>> -> memref<128xi32, #tpu.memory_space<vmem>>
      %dma_wait3A_145 = arith.constant 0 : i32
      %dma_wait3A_146 = arith.constant 0 : i32
      %dma_wait3A_147 = tpu.memref_slice %arg2[%dma_wait3A_145, %dma_wait3A_146] : memref<10112x64xf32, #tpu.memory_space<hbm>> -> memref<10112x64xf32, #tpu.memory_space<hbm>>
      tpu.wait_indirect_dma semaphore(%arg11 : memref<!tpu.dma_semaphore, #tpu.memory_space<semaphore_mem>>) src(%dma_wait3A_147 : memref<10112x64xf32, #tpu.memory_space<hbm>>) dst(%arg8 : memref<128x64xf32, #tpu.memory_space<vmem>>)
      %run_scoped3A_148 = arith.constant 1 : i32
      %run_scoped3A_149 = arith.constant 1 : i32
      "tpu.region"() ({
        %run_scoped3A_218 = tpu.sem_alloc : memref<!tpu.dma_semaphore, #tpu.memory_space<semaphore_mem>>
        %dma_start3A_219 = arith.constant 0 : i32
        %dma_start3A_220 = tpu.memref_slice %arg5[%run_scoped3A_148, %run_scoped3A_149, %dma_start3A_219] : memref<2x2x128xi32, #tpu.memory_space<vmem>> -> memref<1x1x128xi32, #tpu.memory_space<vmem>>
        %dma_start3A_221 = tpu.memref_squeeze %dma_start3A_220 : memref<1x1x128xi32, #tpu.memory_space<vmem>> -> memref<128xi32, #tpu.memory_space<vmem>>
        %dma_start3A_222 = arith.constant 0 : i32
        %dma_start3A_223 = arith.constant 0 : i32
        %dma_start3A_224 = tpu.memref_slice %arg9[%dma_start3A_222, %dma_start3A_223] : memref<10112x64xf32, #tpu.memory_space<vmem_shared>> -> memref<10112x64xf32, #tpu.memory_space<vmem_shared>>
        tpu.enqueue_indirect_dma source(%arg8 : memref<128x64xf32, #tpu.memory_space<vmem>>) target(%dma_start3A_224 : memref<10112x64xf32, #tpu.memory_space<vmem_shared>>) offsets(%dma_start3A_221 : memref<128xi32, #tpu.memory_space<vmem>>) semaphore(%run_scoped3A_218 : memref<!tpu.dma_semaphore, #tpu.memory_space<semaphore_mem>>) {add = true}
        %dma_wait3A_225 = arith.constant 0 : i32
        %dma_wait3A_226 = tpu.memref_slice %arg5[%run_scoped3A_148, %run_scoped3A_149, %dma_wait3A_225] : memref<2x2x128xi32, #tpu.memory_space<vmem>> -> memref<1x1x128xi32, #tpu.memory_space<vmem>>
        %dma_wait3A_227 = tpu.memref_squeeze %dma_wait3A_226 : memref<1x1x128xi32, #tpu.memory_space<vmem>> -> memref<128xi32, #tpu.memory_space<vmem>>
        %dma_wait3A_228 = arith.constant 0 : i32
        %dma_wait3A_229 = arith.constant 0 : i32
        %dma_wait3A_230 = tpu.memref_slice %arg9[%dma_wait3A_228, %dma_wait3A_229] : memref<10112x64xf32, #tpu.memory_space<vmem_shared>> -> memref<10112x64xf32, #tpu.memory_space<vmem_shared>>
        tpu.wait_indirect_dma semaphore(%run_scoped3A_218 : memref<!tpu.dma_semaphore, #tpu.memory_space<semaphore_mem>>) src(%arg8 : memref<128x64xf32, #tpu.memory_space<vmem>>) dst(%dma_wait3A_230 : memref<10112x64xf32, #tpu.memory_space<vmem_shared>>)
        tpu.yield
      }) : () -> ()
      %add3A_150 = arith.addi %mul3A_18, %add3A_115 : i32
      %add3A_151 = arith.constant 4 : i32
      %add3A_152 = arith.addi %add3A_150, %add3A_151 : i32
      %dma_start3A_153 = arith.constant 0 : i32
      %dma_start3A_154 = arith.constant 0 : i32
      %dma_start3A_155 = tpu.memref_slice %arg3[%add3A_152, %dma_start3A_153, %dma_start3A_154] : memref<2560x2x128xi32, #tpu.memory_space<hbm>> -> memref<2x2x128xi32, #tpu.memory_space<hbm>>
      %dma_start3A_156 = arith.constant 0 : i32
      %dma_start3A_157 = arith.constant 0 : i32
      %dma_start3A_158 = tpu.memref_slice %arg3[%add3A_152, %dma_start3A_156, %dma_start3A_157] : memref<2560x2x128xi32, #tpu.memory_space<hbm>> -> memref<2x2x128xi32, #tpu.memory_space<hbm>>
      tpu.enqueue_dma source(%dma_start3A_158 : memref<2x2x128xi32, #tpu.memory_space<hbm>>) target(%arg5 : memref<2x2x128xi32, #tpu.memory_space<vmem>>) target_semaphore(%arg12 : memref<!tpu.dma_semaphore, #tpu.memory_space<semaphore_mem>>)
      %dma_start3A_159 = arith.constant 1 : i32
      %dma_start3A_160 = arith.constant 0 : i32
      %dma_start3A_161 = arith.constant 0 : i32
      %dma_start3A_162 = tpu.memref_slice %arg6[%dma_start3A_159, %dma_start3A_160, %dma_start3A_161] : memref<2x2x128xi32, #tpu.memory_space<vmem>> -> memref<1x1x128xi32, #tpu.memory_space<vmem>>
      %dma_start3A_163 = tpu.memref_squeeze %dma_start3A_162 : memref<1x1x128xi32, #tpu.memory_space<vmem>> -> memref<128xi32, #tpu.memory_space<vmem>>
      %dma_start3A_164 = arith.constant 0 : i32
      %dma_start3A_165 = arith.constant 0 : i32
      %dma_start3A_166 = tpu.memref_slice %arg2[%dma_start3A_164, %dma_start3A_165] : memref<10112x64xf32, #tpu.memory_space<hbm>> -> memref<10112x64xf32, #tpu.memory_space<hbm>>
      tpu.enqueue_indirect_dma source(%dma_start3A_166 : memref<10112x64xf32, #tpu.memory_space<hbm>>) target(%arg8 : memref<128x64xf32, #tpu.memory_space<vmem>>) offsets(%dma_start3A_163 : memref<128xi32, #tpu.memory_space<vmem>>) semaphore(%arg11 : memref<!tpu.dma_semaphore, #tpu.memory_space<semaphore_mem>>)
      %dma_wait3A_167 = arith.constant 0 : i32
      %dma_wait3A_168 = arith.constant 0 : i32
      %dma_wait3A_169 = arith.constant 0 : i32
      %dma_wait3A_170 = tpu.memref_slice %arg5[%dma_wait3A_167, %dma_wait3A_168, %dma_wait3A_169] : memref<2x2x128xi32, #tpu.memory_space<vmem>> -> memref<1x1x128xi32, #tpu.memory_space<vmem>>
      %dma_wait3A_171 = tpu.memref_squeeze %dma_wait3A_170 : memref<1x1x128xi32, #tpu.memory_space<vmem>> -> memref<128xi32, #tpu.memory_space<vmem>>
      %dma_wait3A_172 = arith.constant 0 : i32
      %dma_wait3A_173 = arith.constant 0 : i32
      %dma_wait3A_174 = tpu.memref_slice %arg2[%dma_wait3A_172, %dma_wait3A_173] : memref<10112x64xf32, #tpu.memory_space<hbm>> -> memref<10112x64xf32, #tpu.memory_space<hbm>>
      tpu.wait_indirect_dma semaphore(%arg10 : memref<!tpu.dma_semaphore, #tpu.memory_space<semaphore_mem>>) src(%dma_wait3A_174 : memref<10112x64xf32, #tpu.memory_space<hbm>>) dst(%arg7 : memref<128x64xf32, #tpu.memory_space<vmem>>)
      %run_scoped3A_175 = arith.constant 0 : i32
      %run_scoped3A_176 = arith.constant 1 : i32
      "tpu.region"() ({
        %run_scoped3A_218 = tpu.sem_alloc : memref<!tpu.dma_semaphore, #tpu.memory_space<semaphore_mem>>
        %dma_start3A_219 = arith.constant 0 : i32
        %dma_start3A_220 = tpu.memref_slice %arg6[%run_scoped3A_175, %run_scoped3A_176, %dma_start3A_219] : memref<2x2x128xi32, #tpu.memory_space<vmem>> -> memref<1x1x128xi32, #tpu.memory_space<vmem>>
        %dma_start3A_221 = tpu.memref_squeeze %dma_start3A_220 : memref<1x1x128xi32, #tpu.memory_space<vmem>> -> memref<128xi32, #tpu.memory_space<vmem>>
        %dma_start3A_222 = arith.constant 0 : i32
        %dma_start3A_223 = arith.constant 0 : i32
        %dma_start3A_224 = tpu.memref_slice %arg9[%dma_start3A_222, %dma_start3A_223] : memref<10112x64xf32, #tpu.memory_space<vmem_shared>> -> memref<10112x64xf32, #tpu.memory_space<vmem_shared>>
        tpu.enqueue_indirect_dma source(%arg7 : memref<128x64xf32, #tpu.memory_space<vmem>>) target(%dma_start3A_224 : memref<10112x64xf32, #tpu.memory_space<vmem_shared>>) offsets(%dma_start3A_221 : memref<128xi32, #tpu.memory_space<vmem>>) semaphore(%run_scoped3A_218 : memref<!tpu.dma_semaphore, #tpu.memory_space<semaphore_mem>>) {add = true}
        %dma_wait3A_225 = arith.constant 0 : i32
        %dma_wait3A_226 = tpu.memref_slice %arg6[%run_scoped3A_175, %run_scoped3A_176, %dma_wait3A_225] : memref<2x2x128xi32, #tpu.memory_space<vmem>> -> memref<1x1x128xi32, #tpu.memory_space<vmem>>
        %dma_wait3A_227 = tpu.memref_squeeze %dma_wait3A_226 : memref<1x1x128xi32, #tpu.memory_space<vmem>> -> memref<128xi32, #tpu.memory_space<vmem>>
        %dma_wait3A_228 = arith.constant 0 : i32
        %dma_wait3A_229 = arith.constant 0 : i32
        %dma_wait3A_230 = tpu.memref_slice %arg9[%dma_wait3A_228, %dma_wait3A_229] : memref<10112x64xf32, #tpu.memory_space<vmem_shared>> -> memref<10112x64xf32, #tpu.memory_space<vmem_shared>>
        tpu.wait_indirect_dma semaphore(%run_scoped3A_218 : memref<!tpu.dma_semaphore, #tpu.memory_space<semaphore_mem>>) src(%arg7 : memref<128x64xf32, #tpu.memory_space<vmem>>) dst(%dma_wait3A_230 : memref<10112x64xf32, #tpu.memory_space<vmem_shared>>)
        tpu.yield
      }) : () -> ()
      %dma_wait3A_177 = arith.constant 0 : i32
      %dma_wait3A_178 = arith.constant 0 : i32
      %dma_wait3A_179 = tpu.memref_slice %arg3[%mul3A_18, %dma_wait3A_177, %dma_wait3A_178] : memref<2560x2x128xi32, #tpu.memory_space<hbm>> -> memref<2x2x128xi32, #tpu.memory_space<hbm>>
      %dma_wait3A_180 = arith.constant 0 : i32
      %dma_wait3A_181 = arith.constant 0 : i32
      %dma_wait3A_182 = tpu.memref_slice %arg3[%mul3A_18, %dma_wait3A_180, %dma_wait3A_181] : memref<2560x2x128xi32, #tpu.memory_space<hbm>> -> memref<2x2x128xi32, #tpu.memory_space<hbm>>
      tpu.wait_dma2 semaphore(%arg12 : memref<!tpu.dma_semaphore, #tpu.memory_space<semaphore_mem>>) src(%dma_wait3A_182 : memref<2x2x128xi32, #tpu.memory_space<hbm>>) dst(%arg5 : memref<2x2x128xi32, #tpu.memory_space<vmem>>)
      %dma_start3A_183 = arith.constant 0 : i32
      %dma_start3A_184 = arith.constant 0 : i32
      %dma_start3A_185 = arith.constant 0 : i32
      %dma_start3A_186 = tpu.memref_slice %arg5[%dma_start3A_183, %dma_start3A_184, %dma_start3A_185] : memref<2x2x128xi32, #tpu.memory_space<vmem>> -> memref<1x1x128xi32, #tpu.memory_space<vmem>>
      %dma_start3A_187 = tpu.memref_squeeze %dma_start3A_186 : memref<1x1x128xi32, #tpu.memory_space<vmem>> -> memref<128xi32, #tpu.memory_space<vmem>>
      %dma_start3A_188 = arith.constant 0 : i32
      %dma_start3A_189 = arith.constant 0 : i32
      %dma_start3A_190 = tpu.memref_slice %arg2[%dma_start3A_188, %dma_start3A_189] : memref<10112x64xf32, #tpu.memory_space<hbm>> -> memref<10112x64xf32, #tpu.memory_space<hbm>>
      tpu.enqueue_indirect_dma source(%dma_start3A_190 : memref<10112x64xf32, #tpu.memory_space<hbm>>) target(%arg7 : memref<128x64xf32, #tpu.memory_space<vmem>>) offsets(%dma_start3A_187 : memref<128xi32, #tpu.memory_space<vmem>>) semaphore(%arg10 : memref<!tpu.dma_semaphore, #tpu.memory_space<semaphore_mem>>)
      %dma_wait3A_191 = arith.constant 0 : i32
      %dma_wait3A_192 = arith.constant 0 : i32
      %dma_wait3A_193 = arith.constant 0 : i32
      %dma_wait3A_194 = tpu.memref_slice %arg5[%dma_wait3A_191, %dma_wait3A_192, %dma_wait3A_193] : memref<2x2x128xi32, #tpu.memory_space<vmem>> -> memref<1x1x128xi32, #tpu.memory_space<vmem>>
      %dma_wait3A_195 = tpu.memref_squeeze %dma_wait3A_194 : memref<1x1x128xi32, #tpu.memory_space<vmem>> -> memref<128xi32, #tpu.memory_space<vmem>>
      %dma_wait3A_196 = arith.constant 0 : i32
      %dma_wait3A_197 = arith.constant 0 : i32
      %dma_wait3A_198 = tpu.memref_slice %arg2[%dma_wait3A_196, %dma_wait3A_197] : memref<10112x64xf32, #tpu.memory_space<hbm>> -> memref<10112x64xf32, #tpu.memory_space<hbm>>
      tpu.wait_indirect_dma semaphore(%arg11 : memref<!tpu.dma_semaphore, #tpu.memory_space<semaphore_mem>>) src(%dma_wait3A_198 : memref<10112x64xf32, #tpu.memory_space<hbm>>) dst(%arg8 : memref<128x64xf32, #tpu.memory_space<vmem>>)
      %run_scoped3A_199 = arith.constant 1 : i32
      %run_scoped3A_200 = arith.constant 1 : i32
      "tpu.region"() ({
        %run_scoped3A_218 = tpu.sem_alloc : memref<!tpu.dma_semaphore, #tpu.memory_space<semaphore_mem>>
        %dma_start3A_219 = arith.constant 0 : i32
        %dma_start3A_220 = tpu.memref_slice %arg6[%run_scoped3A_199, %run_scoped3A_200, %dma_start3A_219] : memref<2x2x128xi32, #tpu.memory_space<vmem>> -> memref<1x1x128xi32, #tpu.memory_space<vmem>>
        %dma_start3A_221 = tpu.memref_squeeze %dma_start3A_220 : memref<1x1x128xi32, #tpu.memory_space<vmem>> -> memref<128xi32, #tpu.memory_space<vmem>>
        %dma_start3A_222 = arith.constant 0 : i32
        %dma_start3A_223 = arith.constant 0 : i32
        %dma_start3A_224 = tpu.memref_slice %arg9[%dma_start3A_222, %dma_start3A_223] : memref<10112x64xf32, #tpu.memory_space<vmem_shared>> -> memref<10112x64xf32, #tpu.memory_space<vmem_shared>>
        tpu.enqueue_indirect_dma source(%arg8 : memref<128x64xf32, #tpu.memory_space<vmem>>) target(%dma_start3A_224 : memref<10112x64xf32, #tpu.memory_space<vmem_shared>>) offsets(%dma_start3A_221 : memref<128xi32, #tpu.memory_space<vmem>>) semaphore(%run_scoped3A_218 : memref<!tpu.dma_semaphore, #tpu.memory_space<semaphore_mem>>) {add = true}
        %dma_wait3A_225 = arith.constant 0 : i32
        %dma_wait3A_226 = tpu.memref_slice %arg6[%run_scoped3A_199, %run_scoped3A_200, %dma_wait3A_225] : memref<2x2x128xi32, #tpu.memory_space<vmem>> -> memref<1x1x128xi32, #tpu.memory_space<vmem>>
        %dma_wait3A_227 = tpu.memref_squeeze %dma_wait3A_226 : memref<1x1x128xi32, #tpu.memory_space<vmem>> -> memref<128xi32, #tpu.memory_space<vmem>>
        %dma_wait3A_228 = arith.constant 0 : i32
        %dma_wait3A_229 = arith.constant 0 : i32
        %dma_wait3A_230 = tpu.memref_slice %arg9[%dma_wait3A_228, %dma_wait3A_229] : memref<10112x64xf32, #tpu.memory_space<vmem_shared>> -> memref<10112x64xf32, #tpu.memory_space<vmem_shared>>
        tpu.wait_indirect_dma semaphore(%run_scoped3A_218 : memref<!tpu.dma_semaphore, #tpu.memory_space<semaphore_mem>>) src(%arg8 : memref<128x64xf32, #tpu.memory_space<vmem>>) dst(%dma_wait3A_230 : memref<10112x64xf32, #tpu.memory_space<vmem_shared>>)
        tpu.yield
      }) : () -> ()
      %add3A_201 = arith.addi %mul3A_18, %add3A_115 : i32
      %add3A_202 = arith.constant 6 : i32
      %add3A_203 = arith.addi %add3A_201, %add3A_202 : i32
      %dma_start3A_204 = arith.constant 0 : i32
      %dma_start3A_205 = arith.constant 0 : i32
      %dma_start3A_206 = tpu.memref_slice %arg3[%add3A_203, %dma_start3A_204, %dma_start3A_205] : memref<2560x2x128xi32, #tpu.memory_space<hbm>> -> memref<2x2x128xi32, #tpu.memory_space<hbm>>
      %dma_start3A_207 = arith.constant 0 : i32
      %dma_start3A_208 = arith.constant 0 : i32
      %dma_start3A_209 = tpu.memref_slice %arg3[%add3A_203, %dma_start3A_207, %dma_start3A_208] : memref<2560x2x128xi32, #tpu.memory_space<hbm>> -> memref<2x2x128xi32, #tpu.memory_space<hbm>>
      tpu.enqueue_dma source(%dma_start3A_209 : memref<2x2x128xi32, #tpu.memory_space<hbm>>) target(%arg6 : memref<2x2x128xi32, #tpu.memory_space<vmem>>) target_semaphore(%arg13 : memref<!tpu.dma_semaphore, #tpu.memory_space<semaphore_mem>>)
      %dma_start3A_210 = arith.constant 1 : i32
      %dma_start3A_211 = arith.constant 0 : i32
      %dma_start3A_212 = arith.constant 0 : i32
      %dma_start3A_213 = tpu.memref_slice %arg5[%dma_start3A_210, %dma_start3A_211, %dma_start3A_212] : memref<2x2x128xi32, #tpu.memory_space<vmem>> -> memref<1x1x128xi32, #tpu.memory_space<vmem>>
      %dma_start3A_214 = tpu.memref_squeeze %dma_start3A_213 : memref<1x1x128xi32, #tpu.memory_space<vmem>> -> memref<128xi32, #tpu.memory_space<vmem>>
      %dma_start3A_215 = arith.constant 0 : i32
      %dma_start3A_216 = arith.constant 0 : i32
      %dma_start3A_217 = tpu.memref_slice %arg2[%dma_start3A_215, %dma_start3A_216] : memref<10112x64xf32, #tpu.memory_space<hbm>> -> memref<10112x64xf32, #tpu.memory_space<hbm>>
      tpu.enqueue_indirect_dma source(%dma_start3A_217 : memref<10112x64xf32, #tpu.memory_space<hbm>>) target(%arg8 : memref<128x64xf32, #tpu.memory_space<vmem>>) offsets(%dma_start3A_214 : memref<128xi32, #tpu.memory_space<vmem>>) semaphore(%arg11 : memref<!tpu.dma_semaphore, #tpu.memory_space<semaphore_mem>>)
    }
    %scan3A_46 = arith.constant 19 : i32
    %dma_wait3A = arith.constant 0 : i32
    %dma_wait3A_47 = arith.constant 0 : i32
    %dma_wait3A_48 = arith.constant 0 : i32
    %dma_wait3A_49 = tpu.memref_slice %arg5[%dma_wait3A, %dma_wait3A_47, %dma_wait3A_48] : memref<2x2x128xi32, #tpu.memory_space<vmem>> -> memref<1x1x128xi32, #tpu.memory_space<vmem>>
    %dma_wait3A_50 = tpu.memref_squeeze %dma_wait3A_49 : memref<1x1x128xi32, #tpu.memory_space<vmem>> -> memref<128xi32, #tpu.memory_space<vmem>>
    %dma_wait3A_51 = arith.constant 0 : i32
    %dma_wait3A_52 = arith.constant 0 : i32
    %dma_wait3A_53 = tpu.memref_slice %arg2[%dma_wait3A_51, %dma_wait3A_52] : memref<10112x64xf32, #tpu.memory_space<hbm>> -> memref<10112x64xf32, #tpu.memory_space<hbm>>
    tpu.wait_indirect_dma semaphore(%arg10 : memref<!tpu.dma_semaphore, #tpu.memory_space<semaphore_mem>>) src(%dma_wait3A_53 : memref<10112x64xf32, #tpu.memory_space<hbm>>) dst(%arg7 : memref<128x64xf32, #tpu.memory_space<vmem>>)
    %run_scoped3A = arith.constant 0 : i32
    %run_scoped3A_54 = arith.constant 1 : i32
    "tpu.region"() ({
      %run_scoped3A_111 = tpu.sem_alloc : memref<!tpu.dma_semaphore, #tpu.memory_space<semaphore_mem>>
      %dma_start3A_112 = arith.constant 0 : i32
      %dma_start3A_113 = tpu.memref_slice %arg5[%run_scoped3A, %run_scoped3A_54, %dma_start3A_112] : memref<2x2x128xi32, #tpu.memory_space<vmem>> -> memref<1x1x128xi32, #tpu.memory_space<vmem>>
      %dma_start3A_114 = tpu.memref_squeeze %dma_start3A_113 : memref<1x1x128xi32, #tpu.memory_space<vmem>> -> memref<128xi32, #tpu.memory_space<vmem>>
      %dma_start3A_115 = arith.constant 0 : i32
      %dma_start3A_116 = arith.constant 0 : i32
      %dma_start3A_117 = tpu.memref_slice %arg9[%dma_start3A_115, %dma_start3A_116] : memref<10112x64xf32, #tpu.memory_space<vmem_shared>> -> memref<10112x64xf32, #tpu.memory_space<vmem_shared>>
      tpu.enqueue_indirect_dma source(%arg7 : memref<128x64xf32, #tpu.memory_space<vmem>>) target(%dma_start3A_117 : memref<10112x64xf32, #tpu.memory_space<vmem_shared>>) offsets(%dma_start3A_114 : memref<128xi32, #tpu.memory_space<vmem>>) semaphore(%run_scoped3A_111 : memref<!tpu.dma_semaphore, #tpu.memory_space<semaphore_mem>>) {add = true}
      %dma_wait3A_118 = arith.constant 0 : i32
      %dma_wait3A_119 = tpu.memref_slice %arg5[%run_scoped3A, %run_scoped3A_54, %dma_wait3A_118] : memref<2x2x128xi32, #tpu.memory_space<vmem>> -> memref<1x1x128xi32, #tpu.memory_space<vmem>>
      %dma_wait3A_120 = tpu.memref_squeeze %dma_wait3A_119 : memref<1x1x128xi32, #tpu.memory_space<vmem>> -> memref<128xi32, #tpu.memory_space<vmem>>
      %dma_wait3A_121 = arith.constant 0 : i32
      %dma_wait3A_122 = arith.constant 0 : i32
      %dma_wait3A_123 = tpu.memref_slice %arg9[%dma_wait3A_121, %dma_wait3A_122] : memref<10112x64xf32, #tpu.memory_space<vmem_shared>> -> memref<10112x64xf32, #tpu.memory_space<vmem_shared>>
      tpu.wait_indirect_dma semaphore(%run_scoped3A_111 : memref<!tpu.dma_semaphore, #tpu.memory_space<semaphore_mem>>) src(%arg7 : memref<128x64xf32, #tpu.memory_space<vmem>>) dst(%dma_wait3A_123 : memref<10112x64xf32, #tpu.memory_space<vmem_shared>>)
      tpu.yield
    }) : () -> ()
    %dma_wait3A_55 = arith.constant 0 : i32
    %dma_wait3A_56 = arith.constant 0 : i32
    %dma_wait3A_57 = tpu.memref_slice %arg3[%mul3A_18, %dma_wait3A_55, %dma_wait3A_56] : memref<2560x2x128xi32, #tpu.memory_space<hbm>> -> memref<2x2x128xi32, #tpu.memory_space<hbm>>
    %dma_wait3A_58 = arith.constant 0 : i32
    %dma_wait3A_59 = arith.constant 0 : i32
    %dma_wait3A_60 = tpu.memref_slice %arg3[%mul3A_18, %dma_wait3A_58, %dma_wait3A_59] : memref<2560x2x128xi32, #tpu.memory_space<hbm>> -> memref<2x2x128xi32, #tpu.memory_space<hbm>>
    tpu.wait_dma2 semaphore(%arg13 : memref<!tpu.dma_semaphore, #tpu.memory_space<semaphore_mem>>) src(%dma_wait3A_60 : memref<2x2x128xi32, #tpu.memory_space<hbm>>) dst(%arg6 : memref<2x2x128xi32, #tpu.memory_space<vmem>>)
    %dma_start3A_61 = arith.constant 0 : i32
    %dma_start3A_62 = arith.constant 0 : i32
    %dma_start3A_63 = arith.constant 0 : i32
    %dma_start3A_64 = tpu.memref_slice %arg6[%dma_start3A_61, %dma_start3A_62, %dma_start3A_63] : memref<2x2x128xi32, #tpu.memory_space<vmem>> -> memref<1x1x128xi32, #tpu.memory_space<vmem>>
    %dma_start3A_65 = tpu.memref_squeeze %dma_start3A_64 : memref<1x1x128xi32, #tpu.memory_space<vmem>> -> memref<128xi32, #tpu.memory_space<vmem>>
    %dma_start3A_66 = arith.constant 0 : i32
    %dma_start3A_67 = arith.constant 0 : i32
    %dma_start3A_68 = tpu.memref_slice %arg2[%dma_start3A_66, %dma_start3A_67] : memref<10112x64xf32, #tpu.memory_space<hbm>> -> memref<10112x64xf32, #tpu.memory_space<hbm>>
    tpu.enqueue_indirect_dma source(%dma_start3A_68 : memref<10112x64xf32, #tpu.memory_space<hbm>>) target(%arg7 : memref<128x64xf32, #tpu.memory_space<vmem>>) offsets(%dma_start3A_65 : memref<128xi32, #tpu.memory_space<vmem>>) semaphore(%arg10 : memref<!tpu.dma_semaphore, #tpu.memory_space<semaphore_mem>>)
    %dma_wait3A_69 = arith.constant 0 : i32
    %dma_wait3A_70 = arith.constant 0 : i32
    %dma_wait3A_71 = arith.constant 0 : i32
    %dma_wait3A_72 = tpu.memref_slice %arg5[%dma_wait3A_69, %dma_wait3A_70, %dma_wait3A_71] : memref<2x2x128xi32, #tpu.memory_space<vmem>> -> memref<1x1x128xi32, #tpu.memory_space<vmem>>
    %dma_wait3A_73 = tpu.memref_squeeze %dma_wait3A_72 : memref<1x1x128xi32, #tpu.memory_space<vmem>> -> memref<128xi32, #tpu.memory_space<vmem>>
    %dma_wait3A_74 = arith.constant 0 : i32
    %dma_wait3A_75 = arith.constant 0 : i32
    %dma_wait3A_76 = tpu.memref_slice %arg2[%dma_wait3A_74, %dma_wait3A_75] : memref<10112x64xf32, #tpu.memory_space<hbm>> -> memref<10112x64xf32, #tpu.memory_space<hbm>>
    tpu.wait_indirect_dma semaphore(%arg11 : memref<!tpu.dma_semaphore, #tpu.memory_space<semaphore_mem>>) src(%dma_wait3A_76 : memref<10112x64xf32, #tpu.memory_space<hbm>>) dst(%arg8 : memref<128x64xf32, #tpu.memory_space<vmem>>)
    %run_scoped3A_77 = arith.constant 1 : i32
    %run_scoped3A_78 = arith.constant 1 : i32
    "tpu.region"() ({
      %run_scoped3A_111 = tpu.sem_alloc : memref<!tpu.dma_semaphore, #tpu.memory_space<semaphore_mem>>
      %dma_start3A_112 = arith.constant 0 : i32
      %dma_start3A_113 = tpu.memref_slice %arg5[%run_scoped3A_77, %run_scoped3A_78, %dma_start3A_112] : memref<2x2x128xi32, #tpu.memory_space<vmem>> -> memref<1x1x128xi32, #tpu.memory_space<vmem>>
      %dma_start3A_114 = tpu.memref_squeeze %dma_start3A_113 : memref<1x1x128xi32, #tpu.memory_space<vmem>> -> memref<128xi32, #tpu.memory_space<vmem>>
      %dma_start3A_115 = arith.constant 0 : i32
      %dma_start3A_116 = arith.constant 0 : i32
      %dma_start3A_117 = tpu.memref_slice %arg9[%dma_start3A_115, %dma_start3A_116] : memref<10112x64xf32, #tpu.memory_space<vmem_shared>> -> memref<10112x64xf32, #tpu.memory_space<vmem_shared>>
      tpu.enqueue_indirect_dma source(%arg8 : memref<128x64xf32, #tpu.memory_space<vmem>>) target(%dma_start3A_117 : memref<10112x64xf32, #tpu.memory_space<vmem_shared>>) offsets(%dma_start3A_114 : memref<128xi32, #tpu.memory_space<vmem>>) semaphore(%run_scoped3A_111 : memref<!tpu.dma_semaphore, #tpu.memory_space<semaphore_mem>>) {add = true}
      %dma_wait3A_118 = arith.constant 0 : i32
      %dma_wait3A_119 = tpu.memref_slice %arg5[%run_scoped3A_77, %run_scoped3A_78, %dma_wait3A_118] : memref<2x2x128xi32, #tpu.memory_space<vmem>> -> memref<1x1x128xi32, #tpu.memory_space<vmem>>
      %dma_wait3A_120 = tpu.memref_squeeze %dma_wait3A_119 : memref<1x1x128xi32, #tpu.memory_space<vmem>> -> memref<128xi32, #tpu.memory_space<vmem>>
      %dma_wait3A_121 = arith.constant 0 : i32
      %dma_wait3A_122 = arith.constant 0 : i32
      %dma_wait3A_123 = tpu.memref_slice %arg9[%dma_wait3A_121, %dma_wait3A_122] : memref<10112x64xf32, #tpu.memory_space<vmem_shared>> -> memref<10112x64xf32, #tpu.memory_space<vmem_shared>>
      tpu.wait_indirect_dma semaphore(%run_scoped3A_111 : memref<!tpu.dma_semaphore, #tpu.memory_space<semaphore_mem>>) src(%arg8 : memref<128x64xf32, #tpu.memory_space<vmem>>) dst(%dma_wait3A_123 : memref<10112x64xf32, #tpu.memory_space<vmem_shared>>)
      tpu.yield
    }) : () -> ()
    %dma_start3A_79 = arith.constant 1 : i32
    %dma_start3A_80 = arith.constant 0 : i32
    %dma_start3A_81 = arith.constant 0 : i32
    %dma_start3A_82 = tpu.memref_slice %arg6[%dma_start3A_79, %dma_start3A_80, %dma_start3A_81] : memref<2x2x128xi32, #tpu.memory_space<vmem>> -> memref<1x1x128xi32, #tpu.memory_space<vmem>>
    %dma_start3A_83 = tpu.memref_squeeze %dma_start3A_82 : memref<1x1x128xi32, #tpu.memory_space<vmem>> -> memref<128xi32, #tpu.memory_space<vmem>>
    %dma_start3A_84 = arith.constant 0 : i32
    %dma_start3A_85 = arith.constant 0 : i32
    %dma_start3A_86 = tpu.memref_slice %arg2[%dma_start3A_84, %dma_start3A_85] : memref<10112x64xf32, #tpu.memory_space<hbm>> -> memref<10112x64xf32, #tpu.memory_space<hbm>>
    tpu.enqueue_indirect_dma source(%dma_start3A_86 : memref<10112x64xf32, #tpu.memory_space<hbm>>) target(%arg8 : memref<128x64xf32, #tpu.memory_space<vmem>>) offsets(%dma_start3A_83 : memref<128xi32, #tpu.memory_space<vmem>>) semaphore(%arg11 : memref<!tpu.dma_semaphore, #tpu.memory_space<semaphore_mem>>)
    %dma_wait3A_87 = arith.constant 0 : i32
    %dma_wait3A_88 = arith.constant 0 : i32
    %dma_wait3A_89 = arith.constant 0 : i32
    %dma_wait3A_90 = tpu.memref_slice %arg5[%dma_wait3A_87, %dma_wait3A_88, %dma_wait3A_89] : memref<2x2x128xi32, #tpu.memory_space<vmem>> -> memref<1x1x128xi32, #tpu.memory_space<vmem>>
    %dma_wait3A_91 = tpu.memref_squeeze %dma_wait3A_90 : memref<1x1x128xi32, #tpu.memory_space<vmem>> -> memref<128xi32, #tpu.memory_space<vmem>>
    %dma_wait3A_92 = arith.constant 0 : i32
    %dma_wait3A_93 = arith.constant 0 : i32
    %dma_wait3A_94 = tpu.memref_slice %arg2[%dma_wait3A_92, %dma_wait3A_93] : memref<10112x64xf32, #tpu.memory_space<hbm>> -> memref<10112x64xf32, #tpu.memory_space<hbm>>
    tpu.wait_indirect_dma semaphore(%arg10 : memref<!tpu.dma_semaphore, #tpu.memory_space<semaphore_mem>>) src(%dma_wait3A_94 : memref<10112x64xf32, #tpu.memory_space<hbm>>) dst(%arg7 : memref<128x64xf32, #tpu.memory_space<vmem>>)
    %run_scoped3A_95 = arith.constant 0 : i32
    %run_scoped3A_96 = arith.constant 1 : i32
    "tpu.region"() ({
      %run_scoped3A_111 = tpu.sem_alloc : memref<!tpu.dma_semaphore, #tpu.memory_space<semaphore_mem>>
      %dma_start3A_112 = arith.constant 0 : i32
      %dma_start3A_113 = tpu.memref_slice %arg6[%run_scoped3A_95, %run_scoped3A_96, %dma_start3A_112] : memref<2x2x128xi32, #tpu.memory_space<vmem>> -> memref<1x1x128xi32, #tpu.memory_space<vmem>>
      %dma_start3A_114 = tpu.memref_squeeze %dma_start3A_113 : memref<1x1x128xi32, #tpu.memory_space<vmem>> -> memref<128xi32, #tpu.memory_space<vmem>>
      %dma_start3A_115 = arith.constant 0 : i32
      %dma_start3A_116 = arith.constant 0 : i32
      %dma_start3A_117 = tpu.memref_slice %arg9[%dma_start3A_115, %dma_start3A_116] : memref<10112x64xf32, #tpu.memory_space<vmem_shared>> -> memref<10112x64xf32, #tpu.memory_space<vmem_shared>>
      tpu.enqueue_indirect_dma source(%arg7 : memref<128x64xf32, #tpu.memory_space<vmem>>) target(%dma_start3A_117 : memref<10112x64xf32, #tpu.memory_space<vmem_shared>>) offsets(%dma_start3A_114 : memref<128xi32, #tpu.memory_space<vmem>>) semaphore(%run_scoped3A_111 : memref<!tpu.dma_semaphore, #tpu.memory_space<semaphore_mem>>) {add = true}
      %dma_wait3A_118 = arith.constant 0 : i32
      %dma_wait3A_119 = tpu.memref_slice %arg6[%run_scoped3A_95, %run_scoped3A_96, %dma_wait3A_118] : memref<2x2x128xi32, #tpu.memory_space<vmem>> -> memref<1x1x128xi32, #tpu.memory_space<vmem>>
      %dma_wait3A_120 = tpu.memref_squeeze %dma_wait3A_119 : memref<1x1x128xi32, #tpu.memory_space<vmem>> -> memref<128xi32, #tpu.memory_space<vmem>>
      %dma_wait3A_121 = arith.constant 0 : i32
      %dma_wait3A_122 = arith.constant 0 : i32
      %dma_wait3A_123 = tpu.memref_slice %arg9[%dma_wait3A_121, %dma_wait3A_122] : memref<10112x64xf32, #tpu.memory_space<vmem_shared>> -> memref<10112x64xf32, #tpu.memory_space<vmem_shared>>
      tpu.wait_indirect_dma semaphore(%run_scoped3A_111 : memref<!tpu.dma_semaphore, #tpu.memory_space<semaphore_mem>>) src(%arg7 : memref<128x64xf32, #tpu.memory_space<vmem>>) dst(%dma_wait3A_123 : memref<10112x64xf32, #tpu.memory_space<vmem_shared>>)
      tpu.yield
    }) : () -> ()
    %dma_wait3A_97 = arith.constant 0 : i32
    %dma_wait3A_98 = arith.constant 0 : i32
    %dma_wait3A_99 = arith.constant 0 : i32
    %dma_wait3A_100 = tpu.memref_slice %arg5[%dma_wait3A_97, %dma_wait3A_98, %dma_wait3A_99] : memref<2x2x128xi32, #tpu.memory_space<vmem>> -> memref<1x1x128xi32, #tpu.memory_space<vmem>>
    %dma_wait3A_101 = tpu.memref_squeeze %dma_wait3A_100 : memref<1x1x128xi32, #tpu.memory_space<vmem>> -> memref<128xi32, #tpu.memory_space<vmem>>
    %dma_wait3A_102 = arith.constant 0 : i32
    %dma_wait3A_103 = arith.constant 0 : i32
    %dma_wait3A_104 = tpu.memref_slice %arg2[%dma_wait3A_102, %dma_wait3A_103] : memref<10112x64xf32, #tpu.memory_space<hbm>> -> memref<10112x64xf32, #tpu.memory_space<hbm>>
    tpu.wait_indirect_dma semaphore(%arg11 : memref<!tpu.dma_semaphore, #tpu.memory_space<semaphore_mem>>) src(%dma_wait3A_104 : memref<10112x64xf32, #tpu.memory_space<hbm>>) dst(%arg8 : memref<128x64xf32, #tpu.memory_space<vmem>>)
    %run_scoped3A_105 = arith.constant 1 : i32
    %run_scoped3A_106 = arith.constant 1 : i32
    "tpu.region"() ({
      %run_scoped3A_111 = tpu.sem_alloc : memref<!tpu.dma_semaphore, #tpu.memory_space<semaphore_mem>>
      %dma_start3A_112 = arith.constant 0 : i32
      %dma_start3A_113 = tpu.memref_slice %arg6[%run_scoped3A_105, %run_scoped3A_106, %dma_start3A_112] : memref<2x2x128xi32, #tpu.memory_space<vmem>> -> memref<1x1x128xi32, #tpu.memory_space<vmem>>
      %dma_start3A_114 = tpu.memref_squeeze %dma_start3A_113 : memref<1x1x128xi32, #tpu.memory_space<vmem>> -> memref<128xi32, #tpu.memory_space<vmem>>
      %dma_start3A_115 = arith.constant 0 : i32
      %dma_start3A_116 = arith.constant 0 : i32
      %dma_start3A_117 = tpu.memref_slice %arg9[%dma_start3A_115, %dma_start3A_116] : memref<10112x64xf32, #tpu.memory_space<vmem_shared>> -> memref<10112x64xf32, #tpu.memory_space<vmem_shared>>
      tpu.enqueue_indirect_dma source(%arg8 : memref<128x64xf32, #tpu.memory_space<vmem>>) target(%dma_start3A_117 : memref<10112x64xf32, #tpu.memory_space<vmem_shared>>) offsets(%dma_start3A_114 : memref<128xi32, #tpu.memory_space<vmem>>) semaphore(%run_scoped3A_111 : memref<!tpu.dma_semaphore, #tpu.memory_space<semaphore_mem>>) {add = true}
      %dma_wait3A_118 = arith.constant 0 : i32
      %dma_wait3A_119 = tpu.memref_slice %arg6[%run_scoped3A_105, %run_scoped3A_106, %dma_wait3A_118] : memref<2x2x128xi32, #tpu.memory_space<vmem>> -> memref<1x1x128xi32, #tpu.memory_space<vmem>>
      %dma_wait3A_120 = tpu.memref_squeeze %dma_wait3A_119 : memref<1x1x128xi32, #tpu.memory_space<vmem>> -> memref<128xi32, #tpu.memory_space<vmem>>
      %dma_wait3A_121 = arith.constant 0 : i32
      %dma_wait3A_122 = arith.constant 0 : i32
      %dma_wait3A_123 = tpu.memref_slice %arg9[%dma_wait3A_121, %dma_wait3A_122] : memref<10112x64xf32, #tpu.memory_space<vmem_shared>> -> memref<10112x64xf32, #tpu.memory_space<vmem_shared>>
      tpu.wait_indirect_dma semaphore(%run_scoped3A_111 : memref<!tpu.dma_semaphore, #tpu.memory_space<semaphore_mem>>) src(%arg8 : memref<128x64xf32, #tpu.memory_space<vmem>>) dst(%dma_wait3A_123 : memref<10112x64xf32, #tpu.memory_space<vmem_shared>>)
      tpu.yield
    }) : () -> ()
    %barrier3A_107 = arith.constant 0 : index
    tpu.barrier barrier_id(%barrier3A_107)
    %mul3A_108 = arith.constant 10112 : i32
    %mul3A_109 = arith.muli %arg0, %mul3A_108 : i32
    %add3A_110 = arith.addi %mul3A_109, %mul3A_2 : i32
    "tpu.region"() ({
      %run_scoped3A_111 = tpu.sem_alloc : memref<!tpu.dma_semaphore, #tpu.memory_space<semaphore_mem>>
      %dma_start3A_112 = arith.constant 0 : i32
      %dma_start3A_113 = tpu.memref_slice %arg4[%add3A_110, %dma_start3A_112] : memref<20224x64xf32, #tpu.memory_space<hbm>> -> memref<632x64xf32, #tpu.memory_space<hbm>>
      %dma_start3A_114 = arith.constant 0 : i32
      %dma_start3A_115 = tpu.memref_slice %arg9[%mul3A_2, %dma_start3A_114] : memref<10112x64xf32, #tpu.memory_space<vmem_shared>> -> memref<632x64xf32, #tpu.memory_space<vmem_shared>>
      tpu.enqueue_dma source(%dma_start3A_115 : memref<632x64xf32, #tpu.memory_space<vmem_shared>>) target(%dma_start3A_113 : memref<632x64xf32, #tpu.memory_space<hbm>>) target_semaphore(%run_scoped3A_111 : memref<!tpu.dma_semaphore, #tpu.memory_space<semaphore_mem>>)
      %dma_wait3A_116 = arith.constant 0 : i32
      %dma_wait3A_117 = tpu.memref_slice %arg4[%add3A_110, %dma_wait3A_116] : memref<20224x64xf32, #tpu.memory_space<hbm>> -> memref<632x64xf32, #tpu.memory_space<hbm>>
      %dma_wait3A_118 = arith.constant 0 : i32
      %dma_wait3A_119 = tpu.memref_slice %arg9[%mul3A_2, %dma_wait3A_118] : memref<10112x64xf32, #tpu.memory_space<vmem_shared>> -> memref<632x64xf32, #tpu.memory_space<vmem_shared>>
      tpu.wait_dma2 semaphore(%run_scoped3A_111 : memref<!tpu.dma_semaphore, #tpu.memory_space<semaphore_mem>>) src(%dma_wait3A_119 : memref<632x64xf32, #tpu.memory_space<vmem_shared>>) dst(%dma_wait3A_117 : memref<632x64xf32, #tpu.memory_space<hbm>>)
      tpu.yield
    }) : () -> ()
    return
  }
}

#map = affine_map<(d0, d1) -> (0, 0)>
#map1 = affine_map<(d0, d1) -> (0, 0, 0)>
module attributes {stable_mosaic.version = 14 : i64} {
  func.func @agg_kernel(%arg0: i32, %arg1: i32, %arg2: memref<10112x128xf32, #tpu.memory_space<hbm>>, %arg3: memref<2560x2x128xi32, #tpu.memory_space<hbm>>, %arg4: memref<20224x128xf32, #tpu.memory_space<hbm>>, %arg5: memref<2x2x128xi32, #tpu.memory_space<vmem>>, %arg6: memref<2x2x128xi32, #tpu.memory_space<vmem>>, %arg7: memref<128x128xf32, #tpu.memory_space<vmem>>, %arg8: memref<128x128xf32, #tpu.memory_space<vmem>>, %arg9: memref<10112x128xf32, #tpu.memory_space<vmem_shared>>, %arg10: memref<!tpu.dma_semaphore, #tpu.memory_space<semaphore_mem>>, %arg11: memref<!tpu.dma_semaphore, #tpu.memory_space<semaphore_mem>>, %arg12: memref<!tpu.dma_semaphore, #tpu.memory_space<semaphore_mem>>, %arg13: memref<!tpu.dma_semaphore, #tpu.memory_space<semaphore_mem>>) attributes {dimension_semantics = [#tpu.dimension_semantics<core_parallel>, #tpu.dimension_semantics<subcore_parallel>], iteration_bounds = array<i64: 2, 16>, scalar_prefetch = 0 : i64, scratch_operands = 9 : i64, tpu.core_type = #tpu.core_type<sc_vector_subcore>, window_params = [{transform_indices = #map}, {transform_indices = #map1}, {transform_indices = #map}]} {
    %mul3A = arith.constant 16 : i32
    %mul3A_0 = arith.muli %arg0, %mul3A : i32
    %add3A = arith.addi %mul3A_0, %arg1 : i32
    %mul3A_1 = arith.constant 632 : i32
    %mul3A_2 = arith.muli %arg1, %mul3A_1 : i32
    %scan3A = arith.constant 0 : i32
    %scan3A_3 = arith.constant 128 : i32
    %scan3A_4 = arith.addi %scan3A, %scan3A_3 : i32
    %scan3A_5 = arith.constant 1 : i32
    scf.for %scan3A_111 = %scan3A to %scan3A_4 step %scan3A_5  : i32 {
      %mul3A_112 = arith.constant 1 : i32
      %mul3A_113 = arith.muli %scan3A_111, %mul3A_112 : i32
      %add3A_114 = arith.constant 0 : i32
      %add3A_115 = arith.addi %add3A_114, %mul3A_113 : i32
      %scan3A_116 = arith.constant 0 : i32
      %scan3A_117 = arith.constant 8 : i32
      %scan3A_118 = arith.addi %scan3A_116, %scan3A_117 : i32
      %scan3A_119 = arith.constant 1 : i32
      scf.for %scan3A_121 = %scan3A_116 to %scan3A_118 step %scan3A_119  : i32 {
        %mul3A_122 = arith.constant 16 : i32
        %mul3A_123 = arith.muli %scan3A_121, %mul3A_122 : i32
        %add3A_124 = arith.constant 0 : i32
        %add3A_125 = arith.addi %add3A_124, %mul3A_123 : i32
        %broadcast_in_dim3A = arith.constant 0.000000e+00 : f32
        %broadcast_in_dim3A_126 = vector.broadcast %broadcast_in_dim3A : f32 to vector<16xf32>
        %swap3A = arith.index_cast %add3A_115 : i32 to index
        %swap3A_127 = arith.index_cast %add3A_125 : i32 to index
        %swap3A_128 = tpu.vector_load %arg7[%swap3A, %swap3A_127] {strides = array<i32>} : memref<128x128xf32, #tpu.memory_space<vmem>>, vector<1x16xf32>,
        %swap3A_129 = vector.shape_cast %swap3A_128 : vector<1x16xf32> to vector<16xf32>
        %swap3A_130 = vector.shape_cast %broadcast_in_dim3A_126 : vector<16xf32> to vector<1x16xf32>
        tpu.vector_store %arg7[%swap3A, %swap3A_127], %swap3A_130 {strides = array<i32>} : memref<128x128xf32, #tpu.memory_space<vmem>>, vector<1x16xf32>,
      }
      %scan3A_120 = arith.constant 8 : i32
    }
    %scan3A_6 = arith.constant 128 : i32
    %add3A_7 = arith.constant 0 : i32
    %add3A_8 = arith.addi %mul3A_2, %add3A_7 : i32
    "tpu.region"() ({
      %run_scoped3A_111 = tpu.sem_alloc : memref<!tpu.dma_semaphore, #tpu.memory_space<semaphore_mem>>
      %dma_start3A_112 = arith.constant 0 : i32
      %dma_start3A_113 = tpu.memref_slice %arg9[%add3A_8, %dma_start3A_112] : memref<10112x128xf32, #tpu.memory_space<vmem_shared>> -> memref<128x128xf32, #tpu.memory_space<vmem_shared>>
      %dma_start3A_114 = arith.constant 0 : i32
      %dma_start3A_115 = tpu.memref_slice %arg9[%add3A_8, %dma_start3A_114] : memref<10112x128xf32, #tpu.memory_space<vmem_shared>> -> memref<128x128xf32, #tpu.memory_space<vmem_shared>>
      tpu.enqueue_dma source(%arg7 : memref<128x128xf32, #tpu.memory_space<vmem>>) target(%dma_start3A_115 : memref<128x128xf32, #tpu.memory_space<vmem_shared>>) target_semaphore(%run_scoped3A_111 : memref<!tpu.dma_semaphore, #tpu.memory_space<semaphore_mem>>)
      %dma_wait3A_116 = arith.constant 0 : i32
      %dma_wait3A_117 = tpu.memref_slice %arg9[%add3A_8, %dma_wait3A_116] : memref<10112x128xf32, #tpu.memory_space<vmem_shared>> -> memref<128x128xf32, #tpu.memory_space<vmem_shared>>
      %dma_wait3A_118 = arith.constant 0 : i32
      %dma_wait3A_119 = tpu.memref_slice %arg9[%add3A_8, %dma_wait3A_118] : memref<10112x128xf32, #tpu.memory_space<vmem_shared>> -> memref<128x128xf32, #tpu.memory_space<vmem_shared>>
      tpu.wait_dma2 semaphore(%run_scoped3A_111 : memref<!tpu.dma_semaphore, #tpu.memory_space<semaphore_mem>>) src(%arg7 : memref<128x128xf32, #tpu.memory_space<vmem>>) dst(%dma_wait3A_119 : memref<128x128xf32, #tpu.memory_space<vmem_shared>>)
      tpu.yield
    }) : () -> ()
    %add3A_9 = arith.constant 128 : i32
    %add3A_10 = arith.addi %mul3A_2, %add3A_9 : i32
    "tpu.region"() ({
      %run_scoped3A_111 = tpu.sem_alloc : memref<!tpu.dma_semaphore, #tpu.memory_space<semaphore_mem>>
      %dma_start3A_112 = arith.constant 0 : i32
      %dma_start3A_113 = tpu.memref_slice %arg9[%add3A_10, %dma_start3A_112] : memref<10112x128xf32, #tpu.memory_space<vmem_shared>> -> memref<128x128xf32, #tpu.memory_space<vmem_shared>>
      %dma_start3A_114 = arith.constant 0 : i32
      %dma_start3A_115 = tpu.memref_slice %arg9[%add3A_10, %dma_start3A_114] : memref<10112x128xf32, #tpu.memory_space<vmem_shared>> -> memref<128x128xf32, #tpu.memory_space<vmem_shared>>
      tpu.enqueue_dma source(%arg7 : memref<128x128xf32, #tpu.memory_space<vmem>>) target(%dma_start3A_115 : memref<128x128xf32, #tpu.memory_space<vmem_shared>>) target_semaphore(%run_scoped3A_111 : memref<!tpu.dma_semaphore, #tpu.memory_space<semaphore_mem>>)
      %dma_wait3A_116 = arith.constant 0 : i32
      %dma_wait3A_117 = tpu.memref_slice %arg9[%add3A_10, %dma_wait3A_116] : memref<10112x128xf32, #tpu.memory_space<vmem_shared>> -> memref<128x128xf32, #tpu.memory_space<vmem_shared>>
      %dma_wait3A_118 = arith.constant 0 : i32
      %dma_wait3A_119 = tpu.memref_slice %arg9[%add3A_10, %dma_wait3A_118] : memref<10112x128xf32, #tpu.memory_space<vmem_shared>> -> memref<128x128xf32, #tpu.memory_space<vmem_shared>>
      tpu.wait_dma2 semaphore(%run_scoped3A_111 : memref<!tpu.dma_semaphore, #tpu.memory_space<semaphore_mem>>) src(%arg7 : memref<128x128xf32, #tpu.memory_space<vmem>>) dst(%dma_wait3A_119 : memref<128x128xf32, #tpu.memory_space<vmem_shared>>)
      tpu.yield
    }) : () -> ()
    %add3A_11 = arith.constant 256 : i32
    %add3A_12 = arith.addi %mul3A_2, %add3A_11 : i32
    "tpu.region"() ({
      %run_scoped3A_111 = tpu.sem_alloc : memref<!tpu.dma_semaphore, #tpu.memory_space<semaphore_mem>>
      %dma_start3A_112 = arith.constant 0 : i32
      %dma_start3A_113 = tpu.memref_slice %arg9[%add3A_12, %dma_start3A_112] : memref<10112x128xf32, #tpu.memory_space<vmem_shared>> -> memref<128x128xf32, #tpu.memory_space<vmem_shared>>
      %dma_start3A_114 = arith.constant 0 : i32
      %dma_start3A_115 = tpu.memref_slice %arg9[%add3A_12, %dma_start3A_114] : memref<10112x128xf32, #tpu.memory_space<vmem_shared>> -> memref<128x128xf32, #tpu.memory_space<vmem_shared>>
      tpu.enqueue_dma source(%arg7 : memref<128x128xf32, #tpu.memory_space<vmem>>) target(%dma_start3A_115 : memref<128x128xf32, #tpu.memory_space<vmem_shared>>) target_semaphore(%run_scoped3A_111 : memref<!tpu.dma_semaphore, #tpu.memory_space<semaphore_mem>>)
      %dma_wait3A_116 = arith.constant 0 : i32
      %dma_wait3A_117 = tpu.memref_slice %arg9[%add3A_12, %dma_wait3A_116] : memref<10112x128xf32, #tpu.memory_space<vmem_shared>> -> memref<128x128xf32, #tpu.memory_space<vmem_shared>>
      %dma_wait3A_118 = arith.constant 0 : i32
      %dma_wait3A_119 = tpu.memref_slice %arg9[%add3A_12, %dma_wait3A_118] : memref<10112x128xf32, #tpu.memory_space<vmem_shared>> -> memref<128x128xf32, #tpu.memory_space<vmem_shared>>
      tpu.wait_dma2 semaphore(%run_scoped3A_111 : memref<!tpu.dma_semaphore, #tpu.memory_space<semaphore_mem>>) src(%arg7 : memref<128x128xf32, #tpu.memory_space<vmem>>) dst(%dma_wait3A_119 : memref<128x128xf32, #tpu.memory_space<vmem_shared>>)
      tpu.yield
    }) : () -> ()
    %add3A_13 = arith.constant 384 : i32
    %add3A_14 = arith.addi %mul3A_2, %add3A_13 : i32
    "tpu.region"() ({
      %run_scoped3A_111 = tpu.sem_alloc : memref<!tpu.dma_semaphore, #tpu.memory_space<semaphore_mem>>
      %dma_start3A_112 = arith.constant 0 : i32
      %dma_start3A_113 = tpu.memref_slice %arg9[%add3A_14, %dma_start3A_112] : memref<10112x128xf32, #tpu.memory_space<vmem_shared>> -> memref<128x128xf32, #tpu.memory_space<vmem_shared>>
      %dma_start3A_114 = arith.constant 0 : i32
      %dma_start3A_115 = tpu.memref_slice %arg9[%add3A_14, %dma_start3A_114] : memref<10112x128xf32, #tpu.memory_space<vmem_shared>> -> memref<128x128xf32, #tpu.memory_space<vmem_shared>>
      tpu.enqueue_dma source(%arg7 : memref<128x128xf32, #tpu.memory_space<vmem>>) target(%dma_start3A_115 : memref<128x128xf32, #tpu.memory_space<vmem_shared>>) target_semaphore(%run_scoped3A_111 : memref<!tpu.dma_semaphore, #tpu.memory_space<semaphore_mem>>)
      %dma_wait3A_116 = arith.constant 0 : i32
      %dma_wait3A_117 = tpu.memref_slice %arg9[%add3A_14, %dma_wait3A_116] : memref<10112x128xf32, #tpu.memory_space<vmem_shared>> -> memref<128x128xf32, #tpu.memory_space<vmem_shared>>
      %dma_wait3A_118 = arith.constant 0 : i32
      %dma_wait3A_119 = tpu.memref_slice %arg9[%add3A_14, %dma_wait3A_118] : memref<10112x128xf32, #tpu.memory_space<vmem_shared>> -> memref<128x128xf32, #tpu.memory_space<vmem_shared>>
      tpu.wait_dma2 semaphore(%run_scoped3A_111 : memref<!tpu.dma_semaphore, #tpu.memory_space<semaphore_mem>>) src(%arg7 : memref<128x128xf32, #tpu.memory_space<vmem>>) dst(%dma_wait3A_119 : memref<128x128xf32, #tpu.memory_space<vmem_shared>>)
      tpu.yield
    }) : () -> ()
    %add3A_15 = arith.constant 512 : i32
    %add3A_16 = arith.addi %mul3A_2, %add3A_15 : i32
    "tpu.region"() ({
      %run_scoped3A_111 = tpu.sem_alloc : memref<!tpu.dma_semaphore, #tpu.memory_space<semaphore_mem>>
      %dma_start3A_112 = arith.constant 0 : i32
      %dma_start3A_113 = arith.constant 0 : i32
      %dma_start3A_114 = tpu.memref_slice %arg7[%dma_start3A_112, %dma_start3A_113] : memref<128x128xf32, #tpu.memory_space<vmem>> -> memref<120x128xf32, #tpu.memory_space<vmem>>
      %dma_start3A_115 = arith.constant 0 : i32
      %dma_start3A_116 = tpu.memref_slice %arg9[%add3A_16, %dma_start3A_115] : memref<10112x128xf32, #tpu.memory_space<vmem_shared>> -> memref<120x128xf32, #tpu.memory_space<vmem_shared>>
      %dma_start3A_117 = arith.constant 0 : i32
      %dma_start3A_118 = tpu.memref_slice %arg9[%add3A_16, %dma_start3A_117] : memref<10112x128xf32, #tpu.memory_space<vmem_shared>> -> memref<120x128xf32, #tpu.memory_space<vmem_shared>>
      %dma_start3A_119 = arith.constant 0 : i32
      %dma_start3A_120 = arith.constant 0 : i32
      %dma_start3A_121 = tpu.memref_slice %arg7[%dma_start3A_119, %dma_start3A_120] : memref<128x128xf32, #tpu.memory_space<vmem>> -> memref<120x128xf32, #tpu.memory_space<vmem>>
      tpu.enqueue_dma source(%dma_start3A_121 : memref<120x128xf32, #tpu.memory_space<vmem>>) target(%dma_start3A_118 : memref<120x128xf32, #tpu.memory_space<vmem_shared>>) target_semaphore(%run_scoped3A_111 : memref<!tpu.dma_semaphore, #tpu.memory_space<semaphore_mem>>)
      %dma_wait3A_122 = arith.constant 0 : i32
      %dma_wait3A_123 = arith.constant 0 : i32
      %dma_wait3A_124 = tpu.memref_slice %arg7[%dma_wait3A_122, %dma_wait3A_123] : memref<128x128xf32, #tpu.memory_space<vmem>> -> memref<120x128xf32, #tpu.memory_space<vmem>>
      %dma_wait3A_125 = arith.constant 0 : i32
      %dma_wait3A_126 = tpu.memref_slice %arg9[%add3A_16, %dma_wait3A_125] : memref<10112x128xf32, #tpu.memory_space<vmem_shared>> -> memref<120x128xf32, #tpu.memory_space<vmem_shared>>
      %dma_wait3A_127 = arith.constant 0 : i32
      %dma_wait3A_128 = tpu.memref_slice %arg9[%add3A_16, %dma_wait3A_127] : memref<10112x128xf32, #tpu.memory_space<vmem_shared>> -> memref<120x128xf32, #tpu.memory_space<vmem_shared>>
      %dma_wait3A_129 = arith.constant 0 : i32
      %dma_wait3A_130 = arith.constant 0 : i32
      %dma_wait3A_131 = tpu.memref_slice %arg7[%dma_wait3A_129, %dma_wait3A_130] : memref<128x128xf32, #tpu.memory_space<vmem>> -> memref<120x128xf32, #tpu.memory_space<vmem>>
      tpu.wait_dma2 semaphore(%run_scoped3A_111 : memref<!tpu.dma_semaphore, #tpu.memory_space<semaphore_mem>>) src(%dma_wait3A_131 : memref<120x128xf32, #tpu.memory_space<vmem>>) dst(%dma_wait3A_128 : memref<120x128xf32, #tpu.memory_space<vmem_shared>>)
      tpu.yield
    }) : () -> ()
    %barrier3A = arith.constant 0 : index
    tpu.barrier barrier_id(%barrier3A)
    %mul3A_17 = arith.constant 80 : i32
    %mul3A_18 = arith.muli %add3A, %mul3A_17 : i32
    "tpu.region"() ({
      %run_scoped3A_111 = tpu.sem_alloc : memref<!tpu.dma_semaphore, #tpu.memory_space<semaphore_mem>>
      %dma_start3A_112 = arith.constant 0 : i32
      %dma_start3A_113 = arith.constant 0 : i32
      %dma_start3A_114 = tpu.memref_slice %arg3[%mul3A_18, %dma_start3A_112, %dma_start3A_113] : memref<2560x2x128xi32, #tpu.memory_space<hbm>> -> memref<2x2x128xi32, #tpu.memory_space<hbm>>
      %dma_start3A_115 = arith.constant 0 : i32
      %dma_start3A_116 = arith.constant 0 : i32
      %dma_start3A_117 = tpu.memref_slice %arg3[%mul3A_18, %dma_start3A_115, %dma_start3A_116] : memref<2560x2x128xi32, #tpu.memory_space<hbm>> -> memref<2x2x128xi32, #tpu.memory_space<hbm>>
      tpu.enqueue_dma source(%dma_start3A_117 : memref<2x2x128xi32, #tpu.memory_space<hbm>>) target(%arg5 : memref<2x2x128xi32, #tpu.memory_space<vmem>>) target_semaphore(%run_scoped3A_111 : memref<!tpu.dma_semaphore, #tpu.memory_space<semaphore_mem>>)
      %dma_wait3A_118 = arith.constant 0 : i32
      %dma_wait3A_119 = arith.constant 0 : i32
      %dma_wait3A_120 = tpu.memref_slice %arg3[%mul3A_18, %dma_wait3A_118, %dma_wait3A_119] : memref<2560x2x128xi32, #tpu.memory_space<hbm>> -> memref<2x2x128xi32, #tpu.memory_space<hbm>>
      %dma_wait3A_121 = arith.constant 0 : i32
      %dma_wait3A_122 = arith.constant 0 : i32
      %dma_wait3A_123 = tpu.memref_slice %arg3[%mul3A_18, %dma_wait3A_121, %dma_wait3A_122] : memref<2560x2x128xi32, #tpu.memory_space<hbm>> -> memref<2x2x128xi32, #tpu.memory_space<hbm>>
      tpu.wait_dma2 semaphore(%run_scoped3A_111 : memref<!tpu.dma_semaphore, #tpu.memory_space<semaphore_mem>>) src(%dma_wait3A_123 : memref<2x2x128xi32, #tpu.memory_space<hbm>>) dst(%arg5 : memref<2x2x128xi32, #tpu.memory_space<vmem>>)
      tpu.yield
    }) : () -> ()
    %add3A_19 = arith.constant 2 : i32
    %add3A_20 = arith.addi %mul3A_18, %add3A_19 : i32
    %dma_start3A = arith.constant 0 : i32
    %dma_start3A_21 = arith.constant 0 : i32
    %dma_start3A_22 = tpu.memref_slice %arg3[%add3A_20, %dma_start3A, %dma_start3A_21] : memref<2560x2x128xi32, #tpu.memory_space<hbm>> -> memref<2x2x128xi32, #tpu.memory_space<hbm>>
    %dma_start3A_23 = arith.constant 0 : i32
    %dma_start3A_24 = arith.constant 0 : i32
    %dma_start3A_25 = tpu.memref_slice %arg3[%add3A_20, %dma_start3A_23, %dma_start3A_24] : memref<2560x2x128xi32, #tpu.memory_space<hbm>> -> memref<2x2x128xi32, #tpu.memory_space<hbm>>
    tpu.enqueue_dma source(%dma_start3A_25 : memref<2x2x128xi32, #tpu.memory_space<hbm>>) target(%arg6 : memref<2x2x128xi32, #tpu.memory_space<vmem>>) target_semaphore(%arg13 : memref<!tpu.dma_semaphore, #tpu.memory_space<semaphore_mem>>)
    %dma_start3A_26 = arith.constant 0 : i32
    %dma_start3A_27 = arith.constant 0 : i32
    %dma_start3A_28 = arith.constant 0 : i32
    %dma_start3A_29 = tpu.memref_slice %arg5[%dma_start3A_26, %dma_start3A_27, %dma_start3A_28] : memref<2x2x128xi32, #tpu.memory_space<vmem>> -> memref<1x1x128xi32, #tpu.memory_space<vmem>>
    %dma_start3A_30 = tpu.memref_squeeze %dma_start3A_29 : memref<1x1x128xi32, #tpu.memory_space<vmem>> -> memref<128xi32, #tpu.memory_space<vmem>>
    %dma_start3A_31 = arith.constant 0 : i32
    %dma_start3A_32 = arith.constant 0 : i32
    %dma_start3A_33 = tpu.memref_slice %arg2[%dma_start3A_31, %dma_start3A_32] : memref<10112x128xf32, #tpu.memory_space<hbm>> -> memref<10112x128xf32, #tpu.memory_space<hbm>>
    tpu.enqueue_indirect_dma source(%dma_start3A_33 : memref<10112x128xf32, #tpu.memory_space<hbm>>) target(%arg7 : memref<128x128xf32, #tpu.memory_space<vmem>>) offsets(%dma_start3A_30 : memref<128xi32, #tpu.memory_space<vmem>>) semaphore(%arg10 : memref<!tpu.dma_semaphore, #tpu.memory_space<semaphore_mem>>)
    %dma_start3A_34 = arith.constant 1 : i32
    %dma_start3A_35 = arith.constant 0 : i32
    %dma_start3A_36 = arith.constant 0 : i32
    %dma_start3A_37 = tpu.memref_slice %arg5[%dma_start3A_34, %dma_start3A_35, %dma_start3A_36] : memref<2x2x128xi32, #tpu.memory_space<vmem>> -> memref<1x1x128xi32, #tpu.memory_space<vmem>>
    %dma_start3A_38 = tpu.memref_squeeze %dma_start3A_37 : memref<1x1x128xi32, #tpu.memory_space<vmem>> -> memref<128xi32, #tpu.memory_space<vmem>>
    %dma_start3A_39 = arith.constant 0 : i32
    %dma_start3A_40 = arith.constant 0 : i32
    %dma_start3A_41 = tpu.memref_slice %arg2[%dma_start3A_39, %dma_start3A_40] : memref<10112x128xf32, #tpu.memory_space<hbm>> -> memref<10112x128xf32, #tpu.memory_space<hbm>>
    tpu.enqueue_indirect_dma source(%dma_start3A_41 : memref<10112x128xf32, #tpu.memory_space<hbm>>) target(%arg8 : memref<128x128xf32, #tpu.memory_space<vmem>>) offsets(%dma_start3A_38 : memref<128xi32, #tpu.memory_space<vmem>>) semaphore(%arg11 : memref<!tpu.dma_semaphore, #tpu.memory_space<semaphore_mem>>)
    %scan3A_42 = arith.constant 0 : i32
    %scan3A_43 = arith.constant 19 : i32
    %scan3A_44 = arith.addi %scan3A_42, %scan3A_43 : i32
    %scan3A_45 = arith.constant 1 : i32
    scf.for %scan3A_111 = %scan3A_42 to %scan3A_44 step %scan3A_45  : i32 {
      %mul3A_112 = arith.constant 4 : i32
      %mul3A_113 = arith.muli %scan3A_111, %mul3A_112 : i32
      %add3A_114 = arith.constant 0 : i32
      %add3A_115 = arith.addi %add3A_114, %mul3A_113 : i32
      %dma_wait3A_116 = arith.constant 0 : i32
      %dma_wait3A_117 = arith.constant 0 : i32
      %dma_wait3A_118 = arith.constant 0 : i32
      %dma_wait3A_119 = tpu.memref_slice %arg5[%dma_wait3A_116, %dma_wait3A_117, %dma_wait3A_118] : memref<2x2x128xi32, #tpu.memory_space<vmem>> -> memref<1x1x128xi32, #tpu.memory_space<vmem>>
      %dma_wait3A_120 = tpu.memref_squeeze %dma_wait3A_119 : memref<1x1x128xi32, #tpu.memory_space<vmem>> -> memref<128xi32, #tpu.memory_space<vmem>>
      %dma_wait3A_121 = arith.constant 0 : i32
      %dma_wait3A_122 = arith.constant 0 : i32
      %dma_wait3A_123 = tpu.memref_slice %arg2[%dma_wait3A_121, %dma_wait3A_122] : memref<10112x128xf32, #tpu.memory_space<hbm>> -> memref<10112x128xf32, #tpu.memory_space<hbm>>
      tpu.wait_indirect_dma semaphore(%arg10 : memref<!tpu.dma_semaphore, #tpu.memory_space<semaphore_mem>>) src(%dma_wait3A_123 : memref<10112x128xf32, #tpu.memory_space<hbm>>) dst(%arg7 : memref<128x128xf32, #tpu.memory_space<vmem>>)
      %run_scoped3A_124 = arith.constant 0 : i32
      %run_scoped3A_125 = arith.constant 1 : i32
      "tpu.region"() ({
        %run_scoped3A_218 = tpu.sem_alloc : memref<!tpu.dma_semaphore, #tpu.memory_space<semaphore_mem>>
        %dma_start3A_219 = arith.constant 0 : i32
        %dma_start3A_220 = tpu.memref_slice %arg5[%run_scoped3A_124, %run_scoped3A_125, %dma_start3A_219] : memref<2x2x128xi32, #tpu.memory_space<vmem>> -> memref<1x1x128xi32, #tpu.memory_space<vmem>>
        %dma_start3A_221 = tpu.memref_squeeze %dma_start3A_220 : memref<1x1x128xi32, #tpu.memory_space<vmem>> -> memref<128xi32, #tpu.memory_space<vmem>>
        %dma_start3A_222 = arith.constant 0 : i32
        %dma_start3A_223 = arith.constant 0 : i32
        %dma_start3A_224 = tpu.memref_slice %arg9[%dma_start3A_222, %dma_start3A_223] : memref<10112x128xf32, #tpu.memory_space<vmem_shared>> -> memref<10112x128xf32, #tpu.memory_space<vmem_shared>>
        tpu.enqueue_indirect_dma source(%arg7 : memref<128x128xf32, #tpu.memory_space<vmem>>) target(%dma_start3A_224 : memref<10112x128xf32, #tpu.memory_space<vmem_shared>>) offsets(%dma_start3A_221 : memref<128xi32, #tpu.memory_space<vmem>>) semaphore(%run_scoped3A_218 : memref<!tpu.dma_semaphore, #tpu.memory_space<semaphore_mem>>) {add = true}
        %dma_wait3A_225 = arith.constant 0 : i32
        %dma_wait3A_226 = tpu.memref_slice %arg5[%run_scoped3A_124, %run_scoped3A_125, %dma_wait3A_225] : memref<2x2x128xi32, #tpu.memory_space<vmem>> -> memref<1x1x128xi32, #tpu.memory_space<vmem>>
        %dma_wait3A_227 = tpu.memref_squeeze %dma_wait3A_226 : memref<1x1x128xi32, #tpu.memory_space<vmem>> -> memref<128xi32, #tpu.memory_space<vmem>>
        %dma_wait3A_228 = arith.constant 0 : i32
        %dma_wait3A_229 = arith.constant 0 : i32
        %dma_wait3A_230 = tpu.memref_slice %arg9[%dma_wait3A_228, %dma_wait3A_229] : memref<10112x128xf32, #tpu.memory_space<vmem_shared>> -> memref<10112x128xf32, #tpu.memory_space<vmem_shared>>
        tpu.wait_indirect_dma semaphore(%run_scoped3A_218 : memref<!tpu.dma_semaphore, #tpu.memory_space<semaphore_mem>>) src(%arg7 : memref<128x128xf32, #tpu.memory_space<vmem>>) dst(%dma_wait3A_230 : memref<10112x128xf32, #tpu.memory_space<vmem_shared>>)
        tpu.yield
      }) : () -> ()
      %dma_wait3A_126 = arith.constant 0 : i32
      %dma_wait3A_127 = arith.constant 0 : i32
      %dma_wait3A_128 = tpu.memref_slice %arg3[%mul3A_18, %dma_wait3A_126, %dma_wait3A_127] : memref<2560x2x128xi32, #tpu.memory_space<hbm>> -> memref<2x2x128xi32, #tpu.memory_space<hbm>>
      %dma_wait3A_129 = arith.constant 0 : i32
      %dma_wait3A_130 = arith.constant 0 : i32
      %dma_wait3A_131 = tpu.memref_slice %arg3[%mul3A_18, %dma_wait3A_129, %dma_wait3A_130] : memref<2560x2x128xi32, #tpu.memory_space<hbm>> -> memref<2x2x128xi32, #tpu.memory_space<hbm>>
      tpu.wait_dma2 semaphore(%arg13 : memref<!tpu.dma_semaphore, #tpu.memory_space<semaphore_mem>>) src(%dma_wait3A_131 : memref<2x2x128xi32, #tpu.memory_space<hbm>>) dst(%arg6 : memref<2x2x128xi32, #tpu.memory_space<vmem>>)
      %dma_start3A_132 = arith.constant 0 : i32
      %dma_start3A_133 = arith.constant 0 : i32
      %dma_start3A_134 = arith.constant 0 : i32
      %dma_start3A_135 = tpu.memref_slice %arg6[%dma_start3A_132, %dma_start3A_133, %dma_start3A_134] : memref<2x2x128xi32, #tpu.memory_space<vmem>> -> memref<1x1x128xi32, #tpu.memory_space<vmem>>
      %dma_start3A_136 = tpu.memref_squeeze %dma_start3A_135 : memref<1x1x128xi32, #tpu.memory_space<vmem>> -> memref<128xi32, #tpu.memory_space<vmem>>
      %dma_start3A_137 = arith.constant 0 : i32
      %dma_start3A_138 = arith.constant 0 : i32
      %dma_start3A_139 = tpu.memref_slice %arg2[%dma_start3A_137, %dma_start3A_138] : memref<10112x128xf32, #tpu.memory_space<hbm>> -> memref<10112x128xf32, #tpu.memory_space<hbm>>
      tpu.enqueue_indirect_dma source(%dma_start3A_139 : memref<10112x128xf32, #tpu.memory_space<hbm>>) target(%arg7 : memref<128x128xf32, #tpu.memory_space<vmem>>) offsets(%dma_start3A_136 : memref<128xi32, #tpu.memory_space<vmem>>) semaphore(%arg10 : memref<!tpu.dma_semaphore, #tpu.memory_space<semaphore_mem>>)
      %dma_wait3A_140 = arith.constant 0 : i32
      %dma_wait3A_141 = arith.constant 0 : i32
      %dma_wait3A_142 = arith.constant 0 : i32
      %dma_wait3A_143 = tpu.memref_slice %arg5[%dma_wait3A_140, %dma_wait3A_141, %dma_wait3A_142] : memref<2x2x128xi32, #tpu.memory_space<vmem>> -> memref<1x1x128xi32, #tpu.memory_space<vmem>>
      %dma_wait3A_144 = tpu.memref_squeeze %dma_wait3A_143 : memref<1x1x128xi32, #tpu.memory_space<vmem>> -> memref<128xi32, #tpu.memory_space<vmem>>
      %dma_wait3A_145 = arith.constant 0 : i32
      %dma_wait3A_146 = arith.constant 0 : i32
      %dma_wait3A_147 = tpu.memref_slice %arg2[%dma_wait3A_145, %dma_wait3A_146] : memref<10112x128xf32, #tpu.memory_space<hbm>> -> memref<10112x128xf32, #tpu.memory_space<hbm>>
      tpu.wait_indirect_dma semaphore(%arg11 : memref<!tpu.dma_semaphore, #tpu.memory_space<semaphore_mem>>) src(%dma_wait3A_147 : memref<10112x128xf32, #tpu.memory_space<hbm>>) dst(%arg8 : memref<128x128xf32, #tpu.memory_space<vmem>>)
      %run_scoped3A_148 = arith.constant 1 : i32
      %run_scoped3A_149 = arith.constant 1 : i32
      "tpu.region"() ({
        %run_scoped3A_218 = tpu.sem_alloc : memref<!tpu.dma_semaphore, #tpu.memory_space<semaphore_mem>>
        %dma_start3A_219 = arith.constant 0 : i32
        %dma_start3A_220 = tpu.memref_slice %arg5[%run_scoped3A_148, %run_scoped3A_149, %dma_start3A_219] : memref<2x2x128xi32, #tpu.memory_space<vmem>> -> memref<1x1x128xi32, #tpu.memory_space<vmem>>
        %dma_start3A_221 = tpu.memref_squeeze %dma_start3A_220 : memref<1x1x128xi32, #tpu.memory_space<vmem>> -> memref<128xi32, #tpu.memory_space<vmem>>
        %dma_start3A_222 = arith.constant 0 : i32
        %dma_start3A_223 = arith.constant 0 : i32
        %dma_start3A_224 = tpu.memref_slice %arg9[%dma_start3A_222, %dma_start3A_223] : memref<10112x128xf32, #tpu.memory_space<vmem_shared>> -> memref<10112x128xf32, #tpu.memory_space<vmem_shared>>
        tpu.enqueue_indirect_dma source(%arg8 : memref<128x128xf32, #tpu.memory_space<vmem>>) target(%dma_start3A_224 : memref<10112x128xf32, #tpu.memory_space<vmem_shared>>) offsets(%dma_start3A_221 : memref<128xi32, #tpu.memory_space<vmem>>) semaphore(%run_scoped3A_218 : memref<!tpu.dma_semaphore, #tpu.memory_space<semaphore_mem>>) {add = true}
        %dma_wait3A_225 = arith.constant 0 : i32
        %dma_wait3A_226 = tpu.memref_slice %arg5[%run_scoped3A_148, %run_scoped3A_149, %dma_wait3A_225] : memref<2x2x128xi32, #tpu.memory_space<vmem>> -> memref<1x1x128xi32, #tpu.memory_space<vmem>>
        %dma_wait3A_227 = tpu.memref_squeeze %dma_wait3A_226 : memref<1x1x128xi32, #tpu.memory_space<vmem>> -> memref<128xi32, #tpu.memory_space<vmem>>
        %dma_wait3A_228 = arith.constant 0 : i32
        %dma_wait3A_229 = arith.constant 0 : i32
        %dma_wait3A_230 = tpu.memref_slice %arg9[%dma_wait3A_228, %dma_wait3A_229] : memref<10112x128xf32, #tpu.memory_space<vmem_shared>> -> memref<10112x128xf32, #tpu.memory_space<vmem_shared>>
        tpu.wait_indirect_dma semaphore(%run_scoped3A_218 : memref<!tpu.dma_semaphore, #tpu.memory_space<semaphore_mem>>) src(%arg8 : memref<128x128xf32, #tpu.memory_space<vmem>>) dst(%dma_wait3A_230 : memref<10112x128xf32, #tpu.memory_space<vmem_shared>>)
        tpu.yield
      }) : () -> ()
      %add3A_150 = arith.addi %mul3A_18, %add3A_115 : i32
      %add3A_151 = arith.constant 4 : i32
      %add3A_152 = arith.addi %add3A_150, %add3A_151 : i32
      %dma_start3A_153 = arith.constant 0 : i32
      %dma_start3A_154 = arith.constant 0 : i32
      %dma_start3A_155 = tpu.memref_slice %arg3[%add3A_152, %dma_start3A_153, %dma_start3A_154] : memref<2560x2x128xi32, #tpu.memory_space<hbm>> -> memref<2x2x128xi32, #tpu.memory_space<hbm>>
      %dma_start3A_156 = arith.constant 0 : i32
      %dma_start3A_157 = arith.constant 0 : i32
      %dma_start3A_158 = tpu.memref_slice %arg3[%add3A_152, %dma_start3A_156, %dma_start3A_157] : memref<2560x2x128xi32, #tpu.memory_space<hbm>> -> memref<2x2x128xi32, #tpu.memory_space<hbm>>
      tpu.enqueue_dma source(%dma_start3A_158 : memref<2x2x128xi32, #tpu.memory_space<hbm>>) target(%arg5 : memref<2x2x128xi32, #tpu.memory_space<vmem>>) target_semaphore(%arg12 : memref<!tpu.dma_semaphore, #tpu.memory_space<semaphore_mem>>)
      %dma_start3A_159 = arith.constant 1 : i32
      %dma_start3A_160 = arith.constant 0 : i32
      %dma_start3A_161 = arith.constant 0 : i32
      %dma_start3A_162 = tpu.memref_slice %arg6[%dma_start3A_159, %dma_start3A_160, %dma_start3A_161] : memref<2x2x128xi32, #tpu.memory_space<vmem>> -> memref<1x1x128xi32, #tpu.memory_space<vmem>>
      %dma_start3A_163 = tpu.memref_squeeze %dma_start3A_162 : memref<1x1x128xi32, #tpu.memory_space<vmem>> -> memref<128xi32, #tpu.memory_space<vmem>>
      %dma_start3A_164 = arith.constant 0 : i32
      %dma_start3A_165 = arith.constant 0 : i32
      %dma_start3A_166 = tpu.memref_slice %arg2[%dma_start3A_164, %dma_start3A_165] : memref<10112x128xf32, #tpu.memory_space<hbm>> -> memref<10112x128xf32, #tpu.memory_space<hbm>>
      tpu.enqueue_indirect_dma source(%dma_start3A_166 : memref<10112x128xf32, #tpu.memory_space<hbm>>) target(%arg8 : memref<128x128xf32, #tpu.memory_space<vmem>>) offsets(%dma_start3A_163 : memref<128xi32, #tpu.memory_space<vmem>>) semaphore(%arg11 : memref<!tpu.dma_semaphore, #tpu.memory_space<semaphore_mem>>)
      %dma_wait3A_167 = arith.constant 0 : i32
      %dma_wait3A_168 = arith.constant 0 : i32
      %dma_wait3A_169 = arith.constant 0 : i32
      %dma_wait3A_170 = tpu.memref_slice %arg5[%dma_wait3A_167, %dma_wait3A_168, %dma_wait3A_169] : memref<2x2x128xi32, #tpu.memory_space<vmem>> -> memref<1x1x128xi32, #tpu.memory_space<vmem>>
      %dma_wait3A_171 = tpu.memref_squeeze %dma_wait3A_170 : memref<1x1x128xi32, #tpu.memory_space<vmem>> -> memref<128xi32, #tpu.memory_space<vmem>>
      %dma_wait3A_172 = arith.constant 0 : i32
      %dma_wait3A_173 = arith.constant 0 : i32
      %dma_wait3A_174 = tpu.memref_slice %arg2[%dma_wait3A_172, %dma_wait3A_173] : memref<10112x128xf32, #tpu.memory_space<hbm>> -> memref<10112x128xf32, #tpu.memory_space<hbm>>
      tpu.wait_indirect_dma semaphore(%arg10 : memref<!tpu.dma_semaphore, #tpu.memory_space<semaphore_mem>>) src(%dma_wait3A_174 : memref<10112x128xf32, #tpu.memory_space<hbm>>) dst(%arg7 : memref<128x128xf32, #tpu.memory_space<vmem>>)
      %run_scoped3A_175 = arith.constant 0 : i32
      %run_scoped3A_176 = arith.constant 1 : i32
      "tpu.region"() ({
        %run_scoped3A_218 = tpu.sem_alloc : memref<!tpu.dma_semaphore, #tpu.memory_space<semaphore_mem>>
        %dma_start3A_219 = arith.constant 0 : i32
        %dma_start3A_220 = tpu.memref_slice %arg6[%run_scoped3A_175, %run_scoped3A_176, %dma_start3A_219] : memref<2x2x128xi32, #tpu.memory_space<vmem>> -> memref<1x1x128xi32, #tpu.memory_space<vmem>>
        %dma_start3A_221 = tpu.memref_squeeze %dma_start3A_220 : memref<1x1x128xi32, #tpu.memory_space<vmem>> -> memref<128xi32, #tpu.memory_space<vmem>>
        %dma_start3A_222 = arith.constant 0 : i32
        %dma_start3A_223 = arith.constant 0 : i32
        %dma_start3A_224 = tpu.memref_slice %arg9[%dma_start3A_222, %dma_start3A_223] : memref<10112x128xf32, #tpu.memory_space<vmem_shared>> -> memref<10112x128xf32, #tpu.memory_space<vmem_shared>>
        tpu.enqueue_indirect_dma source(%arg7 : memref<128x128xf32, #tpu.memory_space<vmem>>) target(%dma_start3A_224 : memref<10112x128xf32, #tpu.memory_space<vmem_shared>>) offsets(%dma_start3A_221 : memref<128xi32, #tpu.memory_space<vmem>>) semaphore(%run_scoped3A_218 : memref<!tpu.dma_semaphore, #tpu.memory_space<semaphore_mem>>) {add = true}
        %dma_wait3A_225 = arith.constant 0 : i32
        %dma_wait3A_226 = tpu.memref_slice %arg6[%run_scoped3A_175, %run_scoped3A_176, %dma_wait3A_225] : memref<2x2x128xi32, #tpu.memory_space<vmem>> -> memref<1x1x128xi32, #tpu.memory_space<vmem>>
        %dma_wait3A_227 = tpu.memref_squeeze %dma_wait3A_226 : memref<1x1x128xi32, #tpu.memory_space<vmem>> -> memref<128xi32, #tpu.memory_space<vmem>>
        %dma_wait3A_228 = arith.constant 0 : i32
        %dma_wait3A_229 = arith.constant 0 : i32
        %dma_wait3A_230 = tpu.memref_slice %arg9[%dma_wait3A_228, %dma_wait3A_229] : memref<10112x128xf32, #tpu.memory_space<vmem_shared>> -> memref<10112x128xf32, #tpu.memory_space<vmem_shared>>
        tpu.wait_indirect_dma semaphore(%run_scoped3A_218 : memref<!tpu.dma_semaphore, #tpu.memory_space<semaphore_mem>>) src(%arg7 : memref<128x128xf32, #tpu.memory_space<vmem>>) dst(%dma_wait3A_230 : memref<10112x128xf32, #tpu.memory_space<vmem_shared>>)
        tpu.yield
      }) : () -> ()
      %dma_wait3A_177 = arith.constant 0 : i32
      %dma_wait3A_178 = arith.constant 0 : i32
      %dma_wait3A_179 = tpu.memref_slice %arg3[%mul3A_18, %dma_wait3A_177, %dma_wait3A_178] : memref<2560x2x128xi32, #tpu.memory_space<hbm>> -> memref<2x2x128xi32, #tpu.memory_space<hbm>>
      %dma_wait3A_180 = arith.constant 0 : i32
      %dma_wait3A_181 = arith.constant 0 : i32
      %dma_wait3A_182 = tpu.memref_slice %arg3[%mul3A_18, %dma_wait3A_180, %dma_wait3A_181] : memref<2560x2x128xi32, #tpu.memory_space<hbm>> -> memref<2x2x128xi32, #tpu.memory_space<hbm>>
      tpu.wait_dma2 semaphore(%arg12 : memref<!tpu.dma_semaphore, #tpu.memory_space<semaphore_mem>>) src(%dma_wait3A_182 : memref<2x2x128xi32, #tpu.memory_space<hbm>>) dst(%arg5 : memref<2x2x128xi32, #tpu.memory_space<vmem>>)
      %dma_start3A_183 = arith.constant 0 : i32
      %dma_start3A_184 = arith.constant 0 : i32
      %dma_start3A_185 = arith.constant 0 : i32
      %dma_start3A_186 = tpu.memref_slice %arg5[%dma_start3A_183, %dma_start3A_184, %dma_start3A_185] : memref<2x2x128xi32, #tpu.memory_space<vmem>> -> memref<1x1x128xi32, #tpu.memory_space<vmem>>
      %dma_start3A_187 = tpu.memref_squeeze %dma_start3A_186 : memref<1x1x128xi32, #tpu.memory_space<vmem>> -> memref<128xi32, #tpu.memory_space<vmem>>
      %dma_start3A_188 = arith.constant 0 : i32
      %dma_start3A_189 = arith.constant 0 : i32
      %dma_start3A_190 = tpu.memref_slice %arg2[%dma_start3A_188, %dma_start3A_189] : memref<10112x128xf32, #tpu.memory_space<hbm>> -> memref<10112x128xf32, #tpu.memory_space<hbm>>
      tpu.enqueue_indirect_dma source(%dma_start3A_190 : memref<10112x128xf32, #tpu.memory_space<hbm>>) target(%arg7 : memref<128x128xf32, #tpu.memory_space<vmem>>) offsets(%dma_start3A_187 : memref<128xi32, #tpu.memory_space<vmem>>) semaphore(%arg10 : memref<!tpu.dma_semaphore, #tpu.memory_space<semaphore_mem>>)
      %dma_wait3A_191 = arith.constant 0 : i32
      %dma_wait3A_192 = arith.constant 0 : i32
      %dma_wait3A_193 = arith.constant 0 : i32
      %dma_wait3A_194 = tpu.memref_slice %arg5[%dma_wait3A_191, %dma_wait3A_192, %dma_wait3A_193] : memref<2x2x128xi32, #tpu.memory_space<vmem>> -> memref<1x1x128xi32, #tpu.memory_space<vmem>>
      %dma_wait3A_195 = tpu.memref_squeeze %dma_wait3A_194 : memref<1x1x128xi32, #tpu.memory_space<vmem>> -> memref<128xi32, #tpu.memory_space<vmem>>
      %dma_wait3A_196 = arith.constant 0 : i32
      %dma_wait3A_197 = arith.constant 0 : i32
      %dma_wait3A_198 = tpu.memref_slice %arg2[%dma_wait3A_196, %dma_wait3A_197] : memref<10112x128xf32, #tpu.memory_space<hbm>> -> memref<10112x128xf32, #tpu.memory_space<hbm>>
      tpu.wait_indirect_dma semaphore(%arg11 : memref<!tpu.dma_semaphore, #tpu.memory_space<semaphore_mem>>) src(%dma_wait3A_198 : memref<10112x128xf32, #tpu.memory_space<hbm>>) dst(%arg8 : memref<128x128xf32, #tpu.memory_space<vmem>>)
      %run_scoped3A_199 = arith.constant 1 : i32
      %run_scoped3A_200 = arith.constant 1 : i32
      "tpu.region"() ({
        %run_scoped3A_218 = tpu.sem_alloc : memref<!tpu.dma_semaphore, #tpu.memory_space<semaphore_mem>>
        %dma_start3A_219 = arith.constant 0 : i32
        %dma_start3A_220 = tpu.memref_slice %arg6[%run_scoped3A_199, %run_scoped3A_200, %dma_start3A_219] : memref<2x2x128xi32, #tpu.memory_space<vmem>> -> memref<1x1x128xi32, #tpu.memory_space<vmem>>
        %dma_start3A_221 = tpu.memref_squeeze %dma_start3A_220 : memref<1x1x128xi32, #tpu.memory_space<vmem>> -> memref<128xi32, #tpu.memory_space<vmem>>
        %dma_start3A_222 = arith.constant 0 : i32
        %dma_start3A_223 = arith.constant 0 : i32
        %dma_start3A_224 = tpu.memref_slice %arg9[%dma_start3A_222, %dma_start3A_223] : memref<10112x128xf32, #tpu.memory_space<vmem_shared>> -> memref<10112x128xf32, #tpu.memory_space<vmem_shared>>
        tpu.enqueue_indirect_dma source(%arg8 : memref<128x128xf32, #tpu.memory_space<vmem>>) target(%dma_start3A_224 : memref<10112x128xf32, #tpu.memory_space<vmem_shared>>) offsets(%dma_start3A_221 : memref<128xi32, #tpu.memory_space<vmem>>) semaphore(%run_scoped3A_218 : memref<!tpu.dma_semaphore, #tpu.memory_space<semaphore_mem>>) {add = true}
        %dma_wait3A_225 = arith.constant 0 : i32
        %dma_wait3A_226 = tpu.memref_slice %arg6[%run_scoped3A_199, %run_scoped3A_200, %dma_wait3A_225] : memref<2x2x128xi32, #tpu.memory_space<vmem>> -> memref<1x1x128xi32, #tpu.memory_space<vmem>>
        %dma_wait3A_227 = tpu.memref_squeeze %dma_wait3A_226 : memref<1x1x128xi32, #tpu.memory_space<vmem>> -> memref<128xi32, #tpu.memory_space<vmem>>
        %dma_wait3A_228 = arith.constant 0 : i32
        %dma_wait3A_229 = arith.constant 0 : i32
        %dma_wait3A_230 = tpu.memref_slice %arg9[%dma_wait3A_228, %dma_wait3A_229] : memref<10112x128xf32, #tpu.memory_space<vmem_shared>> -> memref<10112x128xf32, #tpu.memory_space<vmem_shared>>
        tpu.wait_indirect_dma semaphore(%run_scoped3A_218 : memref<!tpu.dma_semaphore, #tpu.memory_space<semaphore_mem>>) src(%arg8 : memref<128x128xf32, #tpu.memory_space<vmem>>) dst(%dma_wait3A_230 : memref<10112x128xf32, #tpu.memory_space<vmem_shared>>)
        tpu.yield
      }) : () -> ()
      %add3A_201 = arith.addi %mul3A_18, %add3A_115 : i32
      %add3A_202 = arith.constant 6 : i32
      %add3A_203 = arith.addi %add3A_201, %add3A_202 : i32
      %dma_start3A_204 = arith.constant 0 : i32
      %dma_start3A_205 = arith.constant 0 : i32
      %dma_start3A_206 = tpu.memref_slice %arg3[%add3A_203, %dma_start3A_204, %dma_start3A_205] : memref<2560x2x128xi32, #tpu.memory_space<hbm>> -> memref<2x2x128xi32, #tpu.memory_space<hbm>>
      %dma_start3A_207 = arith.constant 0 : i32
      %dma_start3A_208 = arith.constant 0 : i32
      %dma_start3A_209 = tpu.memref_slice %arg3[%add3A_203, %dma_start3A_207, %dma_start3A_208] : memref<2560x2x128xi32, #tpu.memory_space<hbm>> -> memref<2x2x128xi32, #tpu.memory_space<hbm>>
      tpu.enqueue_dma source(%dma_start3A_209 : memref<2x2x128xi32, #tpu.memory_space<hbm>>) target(%arg6 : memref<2x2x128xi32, #tpu.memory_space<vmem>>) target_semaphore(%arg13 : memref<!tpu.dma_semaphore, #tpu.memory_space<semaphore_mem>>)
      %dma_start3A_210 = arith.constant 1 : i32
      %dma_start3A_211 = arith.constant 0 : i32
      %dma_start3A_212 = arith.constant 0 : i32
      %dma_start3A_213 = tpu.memref_slice %arg5[%dma_start3A_210, %dma_start3A_211, %dma_start3A_212] : memref<2x2x128xi32, #tpu.memory_space<vmem>> -> memref<1x1x128xi32, #tpu.memory_space<vmem>>
      %dma_start3A_214 = tpu.memref_squeeze %dma_start3A_213 : memref<1x1x128xi32, #tpu.memory_space<vmem>> -> memref<128xi32, #tpu.memory_space<vmem>>
      %dma_start3A_215 = arith.constant 0 : i32
      %dma_start3A_216 = arith.constant 0 : i32
      %dma_start3A_217 = tpu.memref_slice %arg2[%dma_start3A_215, %dma_start3A_216] : memref<10112x128xf32, #tpu.memory_space<hbm>> -> memref<10112x128xf32, #tpu.memory_space<hbm>>
      tpu.enqueue_indirect_dma source(%dma_start3A_217 : memref<10112x128xf32, #tpu.memory_space<hbm>>) target(%arg8 : memref<128x128xf32, #tpu.memory_space<vmem>>) offsets(%dma_start3A_214 : memref<128xi32, #tpu.memory_space<vmem>>) semaphore(%arg11 : memref<!tpu.dma_semaphore, #tpu.memory_space<semaphore_mem>>)
    }
    %scan3A_46 = arith.constant 19 : i32
    %dma_wait3A = arith.constant 0 : i32
    %dma_wait3A_47 = arith.constant 0 : i32
    %dma_wait3A_48 = arith.constant 0 : i32
    %dma_wait3A_49 = tpu.memref_slice %arg5[%dma_wait3A, %dma_wait3A_47, %dma_wait3A_48] : memref<2x2x128xi32, #tpu.memory_space<vmem>> -> memref<1x1x128xi32, #tpu.memory_space<vmem>>
    %dma_wait3A_50 = tpu.memref_squeeze %dma_wait3A_49 : memref<1x1x128xi32, #tpu.memory_space<vmem>> -> memref<128xi32, #tpu.memory_space<vmem>>
    %dma_wait3A_51 = arith.constant 0 : i32
    %dma_wait3A_52 = arith.constant 0 : i32
    %dma_wait3A_53 = tpu.memref_slice %arg2[%dma_wait3A_51, %dma_wait3A_52] : memref<10112x128xf32, #tpu.memory_space<hbm>> -> memref<10112x128xf32, #tpu.memory_space<hbm>>
    tpu.wait_indirect_dma semaphore(%arg10 : memref<!tpu.dma_semaphore, #tpu.memory_space<semaphore_mem>>) src(%dma_wait3A_53 : memref<10112x128xf32, #tpu.memory_space<hbm>>) dst(%arg7 : memref<128x128xf32, #tpu.memory_space<vmem>>)
    %run_scoped3A = arith.constant 0 : i32
    %run_scoped3A_54 = arith.constant 1 : i32
    "tpu.region"() ({
      %run_scoped3A_111 = tpu.sem_alloc : memref<!tpu.dma_semaphore, #tpu.memory_space<semaphore_mem>>
      %dma_start3A_112 = arith.constant 0 : i32
      %dma_start3A_113 = tpu.memref_slice %arg5[%run_scoped3A, %run_scoped3A_54, %dma_start3A_112] : memref<2x2x128xi32, #tpu.memory_space<vmem>> -> memref<1x1x128xi32, #tpu.memory_space<vmem>>
      %dma_start3A_114 = tpu.memref_squeeze %dma_start3A_113 : memref<1x1x128xi32, #tpu.memory_space<vmem>> -> memref<128xi32, #tpu.memory_space<vmem>>
      %dma_start3A_115 = arith.constant 0 : i32
      %dma_start3A_116 = arith.constant 0 : i32
      %dma_start3A_117 = tpu.memref_slice %arg9[%dma_start3A_115, %dma_start3A_116] : memref<10112x128xf32, #tpu.memory_space<vmem_shared>> -> memref<10112x128xf32, #tpu.memory_space<vmem_shared>>
      tpu.enqueue_indirect_dma source(%arg7 : memref<128x128xf32, #tpu.memory_space<vmem>>) target(%dma_start3A_117 : memref<10112x128xf32, #tpu.memory_space<vmem_shared>>) offsets(%dma_start3A_114 : memref<128xi32, #tpu.memory_space<vmem>>) semaphore(%run_scoped3A_111 : memref<!tpu.dma_semaphore, #tpu.memory_space<semaphore_mem>>) {add = true}
      %dma_wait3A_118 = arith.constant 0 : i32
      %dma_wait3A_119 = tpu.memref_slice %arg5[%run_scoped3A, %run_scoped3A_54, %dma_wait3A_118] : memref<2x2x128xi32, #tpu.memory_space<vmem>> -> memref<1x1x128xi32, #tpu.memory_space<vmem>>
      %dma_wait3A_120 = tpu.memref_squeeze %dma_wait3A_119 : memref<1x1x128xi32, #tpu.memory_space<vmem>> -> memref<128xi32, #tpu.memory_space<vmem>>
      %dma_wait3A_121 = arith.constant 0 : i32
      %dma_wait3A_122 = arith.constant 0 : i32
      %dma_wait3A_123 = tpu.memref_slice %arg9[%dma_wait3A_121, %dma_wait3A_122] : memref<10112x128xf32, #tpu.memory_space<vmem_shared>> -> memref<10112x128xf32, #tpu.memory_space<vmem_shared>>
      tpu.wait_indirect_dma semaphore(%run_scoped3A_111 : memref<!tpu.dma_semaphore, #tpu.memory_space<semaphore_mem>>) src(%arg7 : memref<128x128xf32, #tpu.memory_space<vmem>>) dst(%dma_wait3A_123 : memref<10112x128xf32, #tpu.memory_space<vmem_shared>>)
      tpu.yield
    }) : () -> ()
    %dma_wait3A_55 = arith.constant 0 : i32
    %dma_wait3A_56 = arith.constant 0 : i32
    %dma_wait3A_57 = tpu.memref_slice %arg3[%mul3A_18, %dma_wait3A_55, %dma_wait3A_56] : memref<2560x2x128xi32, #tpu.memory_space<hbm>> -> memref<2x2x128xi32, #tpu.memory_space<hbm>>
    %dma_wait3A_58 = arith.constant 0 : i32
    %dma_wait3A_59 = arith.constant 0 : i32
    %dma_wait3A_60 = tpu.memref_slice %arg3[%mul3A_18, %dma_wait3A_58, %dma_wait3A_59] : memref<2560x2x128xi32, #tpu.memory_space<hbm>> -> memref<2x2x128xi32, #tpu.memory_space<hbm>>
    tpu.wait_dma2 semaphore(%arg13 : memref<!tpu.dma_semaphore, #tpu.memory_space<semaphore_mem>>) src(%dma_wait3A_60 : memref<2x2x128xi32, #tpu.memory_space<hbm>>) dst(%arg6 : memref<2x2x128xi32, #tpu.memory_space<vmem>>)
    %dma_start3A_61 = arith.constant 0 : i32
    %dma_start3A_62 = arith.constant 0 : i32
    %dma_start3A_63 = arith.constant 0 : i32
    %dma_start3A_64 = tpu.memref_slice %arg6[%dma_start3A_61, %dma_start3A_62, %dma_start3A_63] : memref<2x2x128xi32, #tpu.memory_space<vmem>> -> memref<1x1x128xi32, #tpu.memory_space<vmem>>
    %dma_start3A_65 = tpu.memref_squeeze %dma_start3A_64 : memref<1x1x128xi32, #tpu.memory_space<vmem>> -> memref<128xi32, #tpu.memory_space<vmem>>
    %dma_start3A_66 = arith.constant 0 : i32
    %dma_start3A_67 = arith.constant 0 : i32
    %dma_start3A_68 = tpu.memref_slice %arg2[%dma_start3A_66, %dma_start3A_67] : memref<10112x128xf32, #tpu.memory_space<hbm>> -> memref<10112x128xf32, #tpu.memory_space<hbm>>
    tpu.enqueue_indirect_dma source(%dma_start3A_68 : memref<10112x128xf32, #tpu.memory_space<hbm>>) target(%arg7 : memref<128x128xf32, #tpu.memory_space<vmem>>) offsets(%dma_start3A_65 : memref<128xi32, #tpu.memory_space<vmem>>) semaphore(%arg10 : memref<!tpu.dma_semaphore, #tpu.memory_space<semaphore_mem>>)
    %dma_wait3A_69 = arith.constant 0 : i32
    %dma_wait3A_70 = arith.constant 0 : i32
    %dma_wait3A_71 = arith.constant 0 : i32
    %dma_wait3A_72 = tpu.memref_slice %arg5[%dma_wait3A_69, %dma_wait3A_70, %dma_wait3A_71] : memref<2x2x128xi32, #tpu.memory_space<vmem>> -> memref<1x1x128xi32, #tpu.memory_space<vmem>>
    %dma_wait3A_73 = tpu.memref_squeeze %dma_wait3A_72 : memref<1x1x128xi32, #tpu.memory_space<vmem>> -> memref<128xi32, #tpu.memory_space<vmem>>
    %dma_wait3A_74 = arith.constant 0 : i32
    %dma_wait3A_75 = arith.constant 0 : i32
    %dma_wait3A_76 = tpu.memref_slice %arg2[%dma_wait3A_74, %dma_wait3A_75] : memref<10112x128xf32, #tpu.memory_space<hbm>> -> memref<10112x128xf32, #tpu.memory_space<hbm>>
    tpu.wait_indirect_dma semaphore(%arg11 : memref<!tpu.dma_semaphore, #tpu.memory_space<semaphore_mem>>) src(%dma_wait3A_76 : memref<10112x128xf32, #tpu.memory_space<hbm>>) dst(%arg8 : memref<128x128xf32, #tpu.memory_space<vmem>>)
    %run_scoped3A_77 = arith.constant 1 : i32
    %run_scoped3A_78 = arith.constant 1 : i32
    "tpu.region"() ({
      %run_scoped3A_111 = tpu.sem_alloc : memref<!tpu.dma_semaphore, #tpu.memory_space<semaphore_mem>>
      %dma_start3A_112 = arith.constant 0 : i32
      %dma_start3A_113 = tpu.memref_slice %arg5[%run_scoped3A_77, %run_scoped3A_78, %dma_start3A_112] : memref<2x2x128xi32, #tpu.memory_space<vmem>> -> memref<1x1x128xi32, #tpu.memory_space<vmem>>
      %dma_start3A_114 = tpu.memref_squeeze %dma_start3A_113 : memref<1x1x128xi32, #tpu.memory_space<vmem>> -> memref<128xi32, #tpu.memory_space<vmem>>
      %dma_start3A_115 = arith.constant 0 : i32
      %dma_start3A_116 = arith.constant 0 : i32
      %dma_start3A_117 = tpu.memref_slice %arg9[%dma_start3A_115, %dma_start3A_116] : memref<10112x128xf32, #tpu.memory_space<vmem_shared>> -> memref<10112x128xf32, #tpu.memory_space<vmem_shared>>
      tpu.enqueue_indirect_dma source(%arg8 : memref<128x128xf32, #tpu.memory_space<vmem>>) target(%dma_start3A_117 : memref<10112x128xf32, #tpu.memory_space<vmem_shared>>) offsets(%dma_start3A_114 : memref<128xi32, #tpu.memory_space<vmem>>) semaphore(%run_scoped3A_111 : memref<!tpu.dma_semaphore, #tpu.memory_space<semaphore_mem>>) {add = true}
      %dma_wait3A_118 = arith.constant 0 : i32
      %dma_wait3A_119 = tpu.memref_slice %arg5[%run_scoped3A_77, %run_scoped3A_78, %dma_wait3A_118] : memref<2x2x128xi32, #tpu.memory_space<vmem>> -> memref<1x1x128xi32, #tpu.memory_space<vmem>>
      %dma_wait3A_120 = tpu.memref_squeeze %dma_wait3A_119 : memref<1x1x128xi32, #tpu.memory_space<vmem>> -> memref<128xi32, #tpu.memory_space<vmem>>
      %dma_wait3A_121 = arith.constant 0 : i32
      %dma_wait3A_122 = arith.constant 0 : i32
      %dma_wait3A_123 = tpu.memref_slice %arg9[%dma_wait3A_121, %dma_wait3A_122] : memref<10112x128xf32, #tpu.memory_space<vmem_shared>> -> memref<10112x128xf32, #tpu.memory_space<vmem_shared>>
      tpu.wait_indirect_dma semaphore(%run_scoped3A_111 : memref<!tpu.dma_semaphore, #tpu.memory_space<semaphore_mem>>) src(%arg8 : memref<128x128xf32, #tpu.memory_space<vmem>>) dst(%dma_wait3A_123 : memref<10112x128xf32, #tpu.memory_space<vmem_shared>>)
      tpu.yield
    }) : () -> ()
    %dma_start3A_79 = arith.constant 1 : i32
    %dma_start3A_80 = arith.constant 0 : i32
    %dma_start3A_81 = arith.constant 0 : i32
    %dma_start3A_82 = tpu.memref_slice %arg6[%dma_start3A_79, %dma_start3A_80, %dma_start3A_81] : memref<2x2x128xi32, #tpu.memory_space<vmem>> -> memref<1x1x128xi32, #tpu.memory_space<vmem>>
    %dma_start3A_83 = tpu.memref_squeeze %dma_start3A_82 : memref<1x1x128xi32, #tpu.memory_space<vmem>> -> memref<128xi32, #tpu.memory_space<vmem>>
    %dma_start3A_84 = arith.constant 0 : i32
    %dma_start3A_85 = arith.constant 0 : i32
    %dma_start3A_86 = tpu.memref_slice %arg2[%dma_start3A_84, %dma_start3A_85] : memref<10112x128xf32, #tpu.memory_space<hbm>> -> memref<10112x128xf32, #tpu.memory_space<hbm>>
    tpu.enqueue_indirect_dma source(%dma_start3A_86 : memref<10112x128xf32, #tpu.memory_space<hbm>>) target(%arg8 : memref<128x128xf32, #tpu.memory_space<vmem>>) offsets(%dma_start3A_83 : memref<128xi32, #tpu.memory_space<vmem>>) semaphore(%arg11 : memref<!tpu.dma_semaphore, #tpu.memory_space<semaphore_mem>>)
    %dma_wait3A_87 = arith.constant 0 : i32
    %dma_wait3A_88 = arith.constant 0 : i32
    %dma_wait3A_89 = arith.constant 0 : i32
    %dma_wait3A_90 = tpu.memref_slice %arg5[%dma_wait3A_87, %dma_wait3A_88, %dma_wait3A_89] : memref<2x2x128xi32, #tpu.memory_space<vmem>> -> memref<1x1x128xi32, #tpu.memory_space<vmem>>
    %dma_wait3A_91 = tpu.memref_squeeze %dma_wait3A_90 : memref<1x1x128xi32, #tpu.memory_space<vmem>> -> memref<128xi32, #tpu.memory_space<vmem>>
    %dma_wait3A_92 = arith.constant 0 : i32
    %dma_wait3A_93 = arith.constant 0 : i32
    %dma_wait3A_94 = tpu.memref_slice %arg2[%dma_wait3A_92, %dma_wait3A_93] : memref<10112x128xf32, #tpu.memory_space<hbm>> -> memref<10112x128xf32, #tpu.memory_space<hbm>>
    tpu.wait_indirect_dma semaphore(%arg10 : memref<!tpu.dma_semaphore, #tpu.memory_space<semaphore_mem>>) src(%dma_wait3A_94 : memref<10112x128xf32, #tpu.memory_space<hbm>>) dst(%arg7 : memref<128x128xf32, #tpu.memory_space<vmem>>)
    %run_scoped3A_95 = arith.constant 0 : i32
    %run_scoped3A_96 = arith.constant 1 : i32
    "tpu.region"() ({
      %run_scoped3A_111 = tpu.sem_alloc : memref<!tpu.dma_semaphore, #tpu.memory_space<semaphore_mem>>
      %dma_start3A_112 = arith.constant 0 : i32
      %dma_start3A_113 = tpu.memref_slice %arg6[%run_scoped3A_95, %run_scoped3A_96, %dma_start3A_112] : memref<2x2x128xi32, #tpu.memory_space<vmem>> -> memref<1x1x128xi32, #tpu.memory_space<vmem>>
      %dma_start3A_114 = tpu.memref_squeeze %dma_start3A_113 : memref<1x1x128xi32, #tpu.memory_space<vmem>> -> memref<128xi32, #tpu.memory_space<vmem>>
      %dma_start3A_115 = arith.constant 0 : i32
      %dma_start3A_116 = arith.constant 0 : i32
      %dma_start3A_117 = tpu.memref_slice %arg9[%dma_start3A_115, %dma_start3A_116] : memref<10112x128xf32, #tpu.memory_space<vmem_shared>> -> memref<10112x128xf32, #tpu.memory_space<vmem_shared>>
      tpu.enqueue_indirect_dma source(%arg7 : memref<128x128xf32, #tpu.memory_space<vmem>>) target(%dma_start3A_117 : memref<10112x128xf32, #tpu.memory_space<vmem_shared>>) offsets(%dma_start3A_114 : memref<128xi32, #tpu.memory_space<vmem>>) semaphore(%run_scoped3A_111 : memref<!tpu.dma_semaphore, #tpu.memory_space<semaphore_mem>>) {add = true}
      %dma_wait3A_118 = arith.constant 0 : i32
      %dma_wait3A_119 = tpu.memref_slice %arg6[%run_scoped3A_95, %run_scoped3A_96, %dma_wait3A_118] : memref<2x2x128xi32, #tpu.memory_space<vmem>> -> memref<1x1x128xi32, #tpu.memory_space<vmem>>
      %dma_wait3A_120 = tpu.memref_squeeze %dma_wait3A_119 : memref<1x1x128xi32, #tpu.memory_space<vmem>> -> memref<128xi32, #tpu.memory_space<vmem>>
      %dma_wait3A_121 = arith.constant 0 : i32
      %dma_wait3A_122 = arith.constant 0 : i32
      %dma_wait3A_123 = tpu.memref_slice %arg9[%dma_wait3A_121, %dma_wait3A_122] : memref<10112x128xf32, #tpu.memory_space<vmem_shared>> -> memref<10112x128xf32, #tpu.memory_space<vmem_shared>>
      tpu.wait_indirect_dma semaphore(%run_scoped3A_111 : memref<!tpu.dma_semaphore, #tpu.memory_space<semaphore_mem>>) src(%arg7 : memref<128x128xf32, #tpu.memory_space<vmem>>) dst(%dma_wait3A_123 : memref<10112x128xf32, #tpu.memory_space<vmem_shared>>)
      tpu.yield
    }) : () -> ()
    %dma_wait3A_97 = arith.constant 0 : i32
    %dma_wait3A_98 = arith.constant 0 : i32
    %dma_wait3A_99 = arith.constant 0 : i32
    %dma_wait3A_100 = tpu.memref_slice %arg5[%dma_wait3A_97, %dma_wait3A_98, %dma_wait3A_99] : memref<2x2x128xi32, #tpu.memory_space<vmem>> -> memref<1x1x128xi32, #tpu.memory_space<vmem>>
    %dma_wait3A_101 = tpu.memref_squeeze %dma_wait3A_100 : memref<1x1x128xi32, #tpu.memory_space<vmem>> -> memref<128xi32, #tpu.memory_space<vmem>>
    %dma_wait3A_102 = arith.constant 0 : i32
    %dma_wait3A_103 = arith.constant 0 : i32
    %dma_wait3A_104 = tpu.memref_slice %arg2[%dma_wait3A_102, %dma_wait3A_103] : memref<10112x128xf32, #tpu.memory_space<hbm>> -> memref<10112x128xf32, #tpu.memory_space<hbm>>
    tpu.wait_indirect_dma semaphore(%arg11 : memref<!tpu.dma_semaphore, #tpu.memory_space<semaphore_mem>>) src(%dma_wait3A_104 : memref<10112x128xf32, #tpu.memory_space<hbm>>) dst(%arg8 : memref<128x128xf32, #tpu.memory_space<vmem>>)
    %run_scoped3A_105 = arith.constant 1 : i32
    %run_scoped3A_106 = arith.constant 1 : i32
    "tpu.region"() ({
      %run_scoped3A_111 = tpu.sem_alloc : memref<!tpu.dma_semaphore, #tpu.memory_space<semaphore_mem>>
      %dma_start3A_112 = arith.constant 0 : i32
      %dma_start3A_113 = tpu.memref_slice %arg6[%run_scoped3A_105, %run_scoped3A_106, %dma_start3A_112] : memref<2x2x128xi32, #tpu.memory_space<vmem>> -> memref<1x1x128xi32, #tpu.memory_space<vmem>>
      %dma_start3A_114 = tpu.memref_squeeze %dma_start3A_113 : memref<1x1x128xi32, #tpu.memory_space<vmem>> -> memref<128xi32, #tpu.memory_space<vmem>>
      %dma_start3A_115 = arith.constant 0 : i32
      %dma_start3A_116 = arith.constant 0 : i32
      %dma_start3A_117 = tpu.memref_slice %arg9[%dma_start3A_115, %dma_start3A_116] : memref<10112x128xf32, #tpu.memory_space<vmem_shared>> -> memref<10112x128xf32, #tpu.memory_space<vmem_shared>>
      tpu.enqueue_indirect_dma source(%arg8 : memref<128x128xf32, #tpu.memory_space<vmem>>) target(%dma_start3A_117 : memref<10112x128xf32, #tpu.memory_space<vmem_shared>>) offsets(%dma_start3A_114 : memref<128xi32, #tpu.memory_space<vmem>>) semaphore(%run_scoped3A_111 : memref<!tpu.dma_semaphore, #tpu.memory_space<semaphore_mem>>) {add = true}
      %dma_wait3A_118 = arith.constant 0 : i32
      %dma_wait3A_119 = tpu.memref_slice %arg6[%run_scoped3A_105, %run_scoped3A_106, %dma_wait3A_118] : memref<2x2x128xi32, #tpu.memory_space<vmem>> -> memref<1x1x128xi32, #tpu.memory_space<vmem>>
      %dma_wait3A_120 = tpu.memref_squeeze %dma_wait3A_119 : memref<1x1x128xi32, #tpu.memory_space<vmem>> -> memref<128xi32, #tpu.memory_space<vmem>>
      %dma_wait3A_121 = arith.constant 0 : i32
      %dma_wait3A_122 = arith.constant 0 : i32
      %dma_wait3A_123 = tpu.memref_slice %arg9[%dma_wait3A_121, %dma_wait3A_122] : memref<10112x128xf32, #tpu.memory_space<vmem_shared>> -> memref<10112x128xf32, #tpu.memory_space<vmem_shared>>
      tpu.wait_indirect_dma semaphore(%run_scoped3A_111 : memref<!tpu.dma_semaphore, #tpu.memory_space<semaphore_mem>>) src(%arg8 : memref<128x128xf32, #tpu.memory_space<vmem>>) dst(%dma_wait3A_123 : memref<10112x128xf32, #tpu.memory_space<vmem_shared>>)
      tpu.yield
    }) : () -> ()
    %barrier3A_107 = arith.constant 0 : index
    tpu.barrier barrier_id(%barrier3A_107)
    %mul3A_108 = arith.constant 10112 : i32
    %mul3A_109 = arith.muli %arg0, %mul3A_108 : i32
    %add3A_110 = arith.addi %mul3A_109, %mul3A_2 : i32
    "tpu.region"() ({
      %run_scoped3A_111 = tpu.sem_alloc : memref<!tpu.dma_semaphore, #tpu.memory_space<semaphore_mem>>
      %dma_start3A_112 = arith.constant 0 : i32
      %dma_start3A_113 = tpu.memref_slice %arg4[%add3A_110, %dma_start3A_112] : memref<20224x128xf32, #tpu.memory_space<hbm>> -> memref<632x128xf32, #tpu.memory_space<hbm>>
      %dma_start3A_114 = arith.constant 0 : i32
      %dma_start3A_115 = tpu.memref_slice %arg9[%mul3A_2, %dma_start3A_114] : memref<10112x128xf32, #tpu.memory_space<vmem_shared>> -> memref<632x128xf32, #tpu.memory_space<vmem_shared>>
      tpu.enqueue_dma source(%dma_start3A_115 : memref<632x128xf32, #tpu.memory_space<vmem_shared>>) target(%dma_start3A_113 : memref<632x128xf32, #tpu.memory_space<hbm>>) target_semaphore(%run_scoped3A_111 : memref<!tpu.dma_semaphore, #tpu.memory_space<semaphore_mem>>)
      %dma_wait3A_116 = arith.constant 0 : i32
      %dma_wait3A_117 = tpu.memref_slice %arg4[%add3A_110, %dma_wait3A_116] : memref<20224x128xf32, #tpu.memory_space<hbm>> -> memref<632x128xf32, #tpu.memory_space<hbm>>
      %dma_wait3A_118 = arith.constant 0 : i32
      %dma_wait3A_119 = tpu.memref_slice %arg9[%mul3A_2, %dma_wait3A_118] : memref<10112x128xf32, #tpu.memory_space<vmem_shared>> -> memref<632x128xf32, #tpu.memory_space<vmem_shared>>
      tpu.wait_dma2 semaphore(%run_scoped3A_111 : memref<!tpu.dma_semaphore, #tpu.memory_space<semaphore_mem>>) src(%dma_wait3A_119 : memref<632x128xf32, #tpu.memory_space<vmem_shared>>) dst(%dma_wait3A_117 : memref<632x128xf32, #tpu.memory_space<hbm>>)
      tpu.yield
    }) : () -> ()
    return
  }
}

module attributes {stable_mosaic.version = 14 : i64} {
  func.func @body(%arg0: i32, %arg1: memref<632x128xf32, #tpu.memory_space<vmem>>, %arg2: memref<128x128xf32, #tpu.memory_space<vmem>>, %arg3: memref<632x16xf32, #tpu.memory_space<vmem>>, %arg4: memref<632x16xf32, #tpu.memory_space<vmem>>, %arg5: memref<632x128xf32, #tpu.memory_space<vmem>>) attributes {dimension_semantics = [#tpu.dimension_semantics<arbitrary>], iteration_bounds = array<i64: 16>, scalar_prefetch = 0 : i64, scratch_operands = 0 : i64, tpu.core_type = #tpu.core_type<tc>, window_params = [{transform_indices = @transform_0, window_bounds = array<i64: 632, 128>}, {pipeline_mode = #tpu.pipeline_mode<synchronous>, transform_indices = @transform_1, window_bounds = array<i64: 128, 128>}, {transform_indices = @transform_2, window_bounds = array<i64: 632, 16>}, {transform_indices = @transform_3, window_bounds = array<i64: 632, 16>}, {transform_indices = @transform_4, window_bounds = array<i64: 632, 128>}]} {
    %get3A = arith.constant 0 : index
    %get3A_0 = arith.constant 0 : index
    %get3A_1 = vector.load %arg1[%get3A, %get3A_0] : memref<632x128xf32, #tpu.memory_space<vmem>>, vector<632x128xf32>
    %get3A_2 = arith.constant 0 : index
    %get3A_3 = arith.constant 0 : index
    %get3A_4 = vector.load %arg2[%get3A_2, %get3A_3] : memref<128x128xf32, #tpu.memory_space<vmem>>, vector<128x128xf32>
    %dot_general3A = arith.constant dense<0.000000e+00> : vector<632x128xf32>
    %dot_general3A_5 = tpu.matmul %get3A_1, %get3A_4, %dot_general3A {dimension_numbers = #tpu.dot_dimension_numbers<[1], [0], [0], [1], [0, 0, 1, 1], [], []>, transpose_lhs_hint = false} : vector<632x128xf32>, vector<128x128xf32>, vector<632x128xf32> -> vector<632x128xf32>
    %get3A_6 = arith.constant 0 : index
    %get3A_7 = arith.constant 0 : index
    %get3A_8 = vector.load %arg3[%get3A_6, %get3A_7] : memref<632x16xf32, #tpu.memory_space<vmem>>, vector<632x1xf32>
    %get3A_9 = arith.constant 0 : index
    %get3A_10 = arith.constant 0 : index
    %get3A_11 = vector.load %arg4[%get3A_9, %get3A_10] : memref<632x16xf32, #tpu.memory_space<vmem>>, vector<632x1xf32>
    %add3A = arith.addf %get3A_8, %get3A_11 : vector<632x1xf32>
    %add3A_12 = arith.constant 1.000000e+00 : f32
    %add3A_13 = vector.broadcast %add3A_12 : f32 to vector<632x1xf32>
    %add3A_14 = arith.addf %add3A, %add3A_13 : vector<632x1xf32>
    %rsqrt3A = math.rsqrt %add3A_14 : vector<632x1xf32>
    %mul3A = vector.broadcast %rsqrt3A : vector<632x1xf32> to vector<632x128xf32>
    %mul3A_15 = arith.mulf %dot_general3A_5, %mul3A : vector<632x128xf32>
    %swap3A = arith.constant 0 : index
    %swap3A_16 = arith.constant 0 : index
    %swap3A_17 = vector.load %arg5[%swap3A, %swap3A_16] : memref<632x128xf32, #tpu.memory_space<vmem>>, vector<632x128xf32>
    tpu.vector_store %arg5[%swap3A, %swap3A_16], %mul3A_15 {strides = array<i32>} : memref<632x128xf32, #tpu.memory_space<vmem>>, vector<632x128xf32>,
    return
  }
  func.func @transform_0(%arg0: i32) -> (i32, i32) {
    %c0_i32 = arith.constant 0 : i32
    %c0_i32_0 = arith.constant 0 : i32
    return %arg0, %c0_i32 : i32, i32
  }
  func.func @transform_1(%arg0: i32) -> (i32, i32) {
    %c0_i32 = arith.constant 0 : i32
    %c0_i32_0 = arith.constant 0 : i32
    %c0_i32_1 = arith.constant 0 : i32
    return %c0_i32, %c0_i32_0 : i32, i32
  }
  func.func @transform_2(%arg0: i32) -> (i32, i32) {
    %c0_i32 = arith.constant 0 : i32
    %c0_i32_0 = arith.constant 0 : i32
    return %arg0, %c0_i32 : i32, i32
  }
  func.func @transform_3(%arg0: i32) -> (i32, i32) {
    %add3A = arith.constant 16 : i32
    %add3A_0 = arith.addi %add3A, %arg0 : i32
    %c0_i32 = arith.constant 0 : i32
    %c0_i32_1 = arith.constant 0 : i32
    return %add3A_0, %c0_i32 : i32, i32
  }
  func.func @transform_4(%arg0: i32) -> (i32, i32) {
    %c0_i32 = arith.constant 0 : i32
    %c0_i32_0 = arith.constant 0 : i32
    return %arg0, %c0_i32 : i32, i32
  }
}

module attributes {stable_mosaic.version = 14 : i64} {
  func.func @body(%arg0: i32, %arg1: memref<632x128xf32, #tpu.memory_space<vmem>>, %arg2: memref<632x128xf32, #tpu.memory_space<vmem>>, %arg3: memref<632x128xf32, #tpu.memory_space<vmem>>, %arg4: memref<632x16xf32, #tpu.memory_space<vmem>>, %arg5: memref<632x16xf32, #tpu.memory_space<vmem>>, %arg6: memref<1x128xf32, #tpu.memory_space<vmem>>, %arg7: memref<128x64xf32, #tpu.memory_space<vmem>>, %arg8: memref<632x64xf32, #tpu.memory_space<vmem>>) attributes {dimension_semantics = [#tpu.dimension_semantics<arbitrary>], iteration_bounds = array<i64: 16>, scalar_prefetch = 0 : i64, scratch_operands = 0 : i64, tpu.core_type = #tpu.core_type<tc>, window_params = [{transform_indices = @transform_0, window_bounds = array<i64: 632, 128>}, {transform_indices = @transform_1, window_bounds = array<i64: 632, 128>}, {transform_indices = @transform_2, window_bounds = array<i64: 632, 128>}, {transform_indices = @transform_3, window_bounds = array<i64: 632, 16>}, {transform_indices = @transform_4, window_bounds = array<i64: 632, 16>}, {pipeline_mode = #tpu.pipeline_mode<synchronous>, transform_indices = @transform_5, window_bounds = array<i64: 1, 128>}, {pipeline_mode = #tpu.pipeline_mode<synchronous>, transform_indices = @transform_6, window_bounds = array<i64: 128, 64>}, {transform_indices = @transform_7, window_bounds = array<i64: 632, 64>}]} {
    %get3A = arith.constant 0 : index
    %get3A_0 = arith.constant 0 : index
    %get3A_1 = vector.load %arg4[%get3A, %get3A_0] : memref<632x16xf32, #tpu.memory_space<vmem>>, vector<632x1xf32>
    %get3A_2 = arith.constant 0 : index
    %get3A_3 = arith.constant 0 : index
    %get3A_4 = vector.load %arg5[%get3A_2, %get3A_3] : memref<632x16xf32, #tpu.memory_space<vmem>>, vector<632x1xf32>
    %add3A = arith.addf %get3A_1, %get3A_4 : vector<632x1xf32>
    %add3A_5 = arith.constant 1.000000e+00 : f32
    %add3A_6 = vector.broadcast %add3A_5 : f32 to vector<632x1xf32>
    %add3A_7 = arith.addf %add3A, %add3A_6 : vector<632x1xf32>
    %rsqrt3A = math.rsqrt %add3A_7 : vector<632x1xf32>
    %get3A_8 = arith.constant 0 : index
    %get3A_9 = arith.constant 0 : index
    %get3A_10 = vector.load %arg1[%get3A_8, %get3A_9] : memref<632x128xf32, #tpu.memory_space<vmem>>, vector<632x128xf32>
    %get3A_11 = arith.constant 0 : index
    %get3A_12 = arith.constant 0 : index
    %get3A_13 = vector.load %arg2[%get3A_11, %get3A_12] : memref<632x128xf32, #tpu.memory_space<vmem>>, vector<632x128xf32>
    %add3A_14 = arith.addf %get3A_10, %get3A_13 : vector<632x128xf32>
    %get3A_15 = arith.constant 0 : index
    %get3A_16 = arith.constant 0 : index
    %get3A_17 = vector.load %arg3[%get3A_15, %get3A_16] : memref<632x128xf32, #tpu.memory_space<vmem>>, vector<632x128xf32>
    %add3A_18 = arith.addf %add3A_14, %get3A_17 : vector<632x128xf32>
    %mul3A = vector.broadcast %rsqrt3A : vector<632x1xf32> to vector<632x128xf32>
    %mul3A_19 = arith.mulf %mul3A, %add3A_18 : vector<632x128xf32>
    %get3A_20 = arith.constant 0 : index
    %get3A_21 = arith.constant 0 : index
    %get3A_22 = vector.load %arg6[%get3A_20, %get3A_21] : memref<1x128xf32, #tpu.memory_space<vmem>>, vector<1x128xf32>
    %add3A_23 = vector.broadcast %get3A_22 : vector<1x128xf32> to vector<632x128xf32>
    %add3A_24 = arith.addf %mul3A_19, %add3A_23 : vector<632x128xf32>
    %max3A = arith.constant 0.000000e+00 : f32
    %max3A_25 = vector.broadcast %max3A : f32 to vector<632x128xf32>
    %max3A_26 = arith.maximumf %add3A_24, %max3A_25 : vector<632x128xf32>
    %get3A_27 = arith.constant 0 : index
    %get3A_28 = arith.constant 0 : index
    %get3A_29 = vector.load %arg7[%get3A_27, %get3A_28] : memref<128x64xf32, #tpu.memory_space<vmem>>, vector<128x64xf32>
    %dot_general3A = arith.constant dense<0.000000e+00> : vector<632x64xf32>
    %dot_general3A_30 = tpu.matmul %max3A_26, %get3A_29, %dot_general3A {dimension_numbers = #tpu.dot_dimension_numbers<[1], [0], [0], [1], [0, 0, 1, 1], [], []>, transpose_lhs_hint = false} : vector<632x128xf32>, vector<128x64xf32>, vector<632x64xf32> -> vector<632x64xf32>
    %mul3A_31 = vector.broadcast %rsqrt3A : vector<632x1xf32> to vector<632x64xf32>
    %mul3A_32 = arith.mulf %mul3A_31, %dot_general3A_30 : vector<632x64xf32>
    %swap3A = arith.constant 0 : index
    %swap3A_33 = arith.constant 0 : index
    %swap3A_34 = vector.load %arg8[%swap3A, %swap3A_33] : memref<632x64xf32, #tpu.memory_space<vmem>>, vector<632x64xf32>
    tpu.vector_store %arg8[%swap3A, %swap3A_33], %mul3A_32 {strides = array<i32>} : memref<632x64xf32, #tpu.memory_space<vmem>>, vector<632x64xf32>,
    return
  }
  func.func @transform_0(%arg0: i32) -> (i32, i32) {
    %c0_i32 = arith.constant 0 : i32
    %c0_i32_0 = arith.constant 0 : i32
    return %arg0, %c0_i32 : i32, i32
  }
  func.func @transform_1(%arg0: i32) -> (i32, i32) {
    %add3A = arith.constant 16 : i32
    %add3A_0 = arith.addi %add3A, %arg0 : i32
    %c0_i32 = arith.constant 0 : i32
    %c0_i32_1 = arith.constant 0 : i32
    return %add3A_0, %c0_i32 : i32, i32
  }
  func.func @transform_2(%arg0: i32) -> (i32, i32) {
    %c0_i32 = arith.constant 0 : i32
    %c0_i32_0 = arith.constant 0 : i32
    return %arg0, %c0_i32 : i32, i32
  }
  func.func @transform_3(%arg0: i32) -> (i32, i32) {
    %c0_i32 = arith.constant 0 : i32
    %c0_i32_0 = arith.constant 0 : i32
    return %arg0, %c0_i32 : i32, i32
  }
  func.func @transform_4(%arg0: i32) -> (i32, i32) {
    %add3A = arith.constant 16 : i32
    %add3A_0 = arith.addi %add3A, %arg0 : i32
    %c0_i32 = arith.constant 0 : i32
    %c0_i32_1 = arith.constant 0 : i32
    return %add3A_0, %c0_i32 : i32, i32
  }
  func.func @transform_5(%arg0: i32) -> (i32, i32) {
    %c0_i32 = arith.constant 0 : i32
    %c0_i32_0 = arith.constant 0 : i32
    %c0_i32_1 = arith.constant 0 : i32
    return %c0_i32, %c0_i32_0 : i32, i32
  }
  func.func @transform_6(%arg0: i32) -> (i32, i32) {
    %c0_i32 = arith.constant 0 : i32
    %c0_i32_0 = arith.constant 0 : i32
    %c0_i32_1 = arith.constant 0 : i32
    return %c0_i32, %c0_i32_0 : i32, i32
  }
  func.func @transform_7(%arg0: i32) -> (i32, i32) {
    %c0_i32 = arith.constant 0 : i32
    %c0_i32_0 = arith.constant 0 : i32
    return %arg0, %c0_i32 : i32, i32
  }
}

module attributes {stable_mosaic.version = 14 : i64} {
  func.func @body(%arg0: i32, %arg1: memref<632x64xf32, #tpu.memory_space<vmem>>, %arg2: memref<632x64xf32, #tpu.memory_space<vmem>>, %arg3: memref<632x64xf32, #tpu.memory_space<vmem>>, %arg4: memref<632x16xf32, #tpu.memory_space<vmem>>, %arg5: memref<632x16xf32, #tpu.memory_space<vmem>>, %arg6: memref<1x64xf32, #tpu.memory_space<vmem>>, %arg7: memref<632x64xf32, #tpu.memory_space<vmem>>) attributes {dimension_semantics = [#tpu.dimension_semantics<arbitrary>], iteration_bounds = array<i64: 16>, scalar_prefetch = 0 : i64, scratch_operands = 0 : i64, tpu.core_type = #tpu.core_type<tc>, window_params = [{transform_indices = @transform_0, window_bounds = array<i64: 632, 64>}, {transform_indices = @transform_1, window_bounds = array<i64: 632, 64>}, {transform_indices = @transform_2, window_bounds = array<i64: 632, 64>}, {transform_indices = @transform_3, window_bounds = array<i64: 632, 16>}, {transform_indices = @transform_4, window_bounds = array<i64: 632, 16>}, {pipeline_mode = #tpu.pipeline_mode<synchronous>, transform_indices = @transform_5, window_bounds = array<i64: 1, 64>}, {transform_indices = @transform_6, window_bounds = array<i64: 632, 64>}]} {
    %get3A = arith.constant 0 : index
    %get3A_0 = arith.constant 0 : index
    %get3A_1 = vector.load %arg4[%get3A, %get3A_0] : memref<632x16xf32, #tpu.memory_space<vmem>>, vector<632x1xf32>
    %get3A_2 = arith.constant 0 : index
    %get3A_3 = arith.constant 0 : index
    %get3A_4 = vector.load %arg5[%get3A_2, %get3A_3] : memref<632x16xf32, #tpu.memory_space<vmem>>, vector<632x1xf32>
    %add3A = arith.addf %get3A_1, %get3A_4 : vector<632x1xf32>
    %add3A_5 = arith.constant 1.000000e+00 : f32
    %add3A_6 = vector.broadcast %add3A_5 : f32 to vector<632x1xf32>
    %add3A_7 = arith.addf %add3A, %add3A_6 : vector<632x1xf32>
    %rsqrt3A = math.rsqrt %add3A_7 : vector<632x1xf32>
    %get3A_8 = arith.constant 0 : index
    %get3A_9 = arith.constant 0 : index
    %get3A_10 = vector.load %arg1[%get3A_8, %get3A_9] : memref<632x64xf32, #tpu.memory_space<vmem>>, vector<632x64xf32>
    %get3A_11 = arith.constant 0 : index
    %get3A_12 = arith.constant 0 : index
    %get3A_13 = vector.load %arg2[%get3A_11, %get3A_12] : memref<632x64xf32, #tpu.memory_space<vmem>>, vector<632x64xf32>
    %add3A_14 = arith.addf %get3A_10, %get3A_13 : vector<632x64xf32>
    %get3A_15 = arith.constant 0 : index
    %get3A_16 = arith.constant 0 : index
    %get3A_17 = vector.load %arg3[%get3A_15, %get3A_16] : memref<632x64xf32, #tpu.memory_space<vmem>>, vector<632x64xf32>
    %add3A_18 = arith.addf %add3A_14, %get3A_17 : vector<632x64xf32>
    %mul3A = vector.broadcast %rsqrt3A : vector<632x1xf32> to vector<632x64xf32>
    %mul3A_19 = arith.mulf %mul3A, %add3A_18 : vector<632x64xf32>
    %get3A_20 = arith.constant 0 : index
    %get3A_21 = arith.constant 0 : index
    %get3A_22 = vector.load %arg6[%get3A_20, %get3A_21] : memref<1x64xf32, #tpu.memory_space<vmem>>, vector<1x64xf32>
    %add3A_23 = vector.broadcast %get3A_22 : vector<1x64xf32> to vector<632x64xf32>
    %add3A_24 = arith.addf %mul3A_19, %add3A_23 : vector<632x64xf32>
    %swap3A = arith.constant 0 : index
    %swap3A_25 = arith.constant 0 : index
    %swap3A_26 = vector.load %arg7[%swap3A, %swap3A_25] : memref<632x64xf32, #tpu.memory_space<vmem>>, vector<632x64xf32>
    tpu.vector_store %arg7[%swap3A, %swap3A_25], %add3A_24 {strides = array<i32>} : memref<632x64xf32, #tpu.memory_space<vmem>>, vector<632x64xf32>,
    return
  }
  func.func @transform_0(%arg0: i32) -> (i32, i32) {
    %c0_i32 = arith.constant 0 : i32
    %c0_i32_0 = arith.constant 0 : i32
    return %arg0, %c0_i32 : i32, i32
  }
  func.func @transform_1(%arg0: i32) -> (i32, i32) {
    %add3A = arith.constant 16 : i32
    %add3A_0 = arith.addi %add3A, %arg0 : i32
    %c0_i32 = arith.constant 0 : i32
    %c0_i32_1 = arith.constant 0 : i32
    return %add3A_0, %c0_i32 : i32, i32
  }
  func.func @transform_2(%arg0: i32) -> (i32, i32) {
    %c0_i32 = arith.constant 0 : i32
    %c0_i32_0 = arith.constant 0 : i32
    return %arg0, %c0_i32 : i32, i32
  }
  func.func @transform_3(%arg0: i32) -> (i32, i32) {
    %c0_i32 = arith.constant 0 : i32
    %c0_i32_0 = arith.constant 0 : i32
    return %arg0, %c0_i32 : i32, i32
  }
  func.func @transform_4(%arg0: i32) -> (i32, i32) {
    %add3A = arith.constant 16 : i32
    %add3A_0 = arith.addi %add3A, %arg0 : i32
    %c0_i32 = arith.constant 0 : i32
    %c0_i32_1 = arith.constant 0 : i32
    return %add3A_0, %c0_i32 : i32, i32
  }
  func.func @transform_5(%arg0: i32) -> (i32, i32) {
    %c0_i32 = arith.constant 0 : i32
    %c0_i32_0 = arith.constant 0 : i32
    %c0_i32_1 = arith.constant 0 : i32
    return %c0_i32, %c0_i32_0 : i32, i32
  }
  func.func @transform_6(%arg0: i32) -> (i32, i32) {
    %c0_i32 = arith.constant 0 : i32
    %c0_i32_0 = arith.constant 0 : i32
    return %arg0, %c0_i32 : i32, i32
  }
}

</mosaic_0001>

<sc_bundles>
// kernel: kernel.11.cloned.1.call-start
scs
__scs_entry_jumppad:
0x0: {  	(pc) =	sbr.rel $0x88, $3  }
0x1: {  	(tag) =	ssettag $0x0;
	lr =	simm.s32 $0x1  }
0x2: {  	[smem:$0x3F9B] =	sst lr;
	_ =	strace $0xD0000000  }
0x3: {  	_ = 	snop  }
0x4: {  	_ = 	snop  }
0x5: {  	_ = 	snop  }
0x6: {  	_ = 	snop  }
0x7: {  	_ = 	snop  }
__scs_overlays_trampoline_lowered:
0x8: {  	[smem:$0x3FAA] =	sst s0  }
0x9: {  	[smem:$0x3FAB] =	sst s1  }
0xa: {  	[smem:$0x3FAC] =	sst s2  }
0xb: {  	[smem:$0x3FAD] =	sst s3  }
0xc: {  	[smem:$0x3FAE] =	sst s4  }
0xd: {  	[smem:$0x3FAF] =	sst s5  }
0xe: {  	[smem:$0x3FB0] =	sst s6  }
0xf: {  	[smem:$0x3FB1] =	sst s7  }
0x10: {  	[smem:$0x3FB2] =	sst s8  }
0x11: {  	[smem:$0x3FB3] =	sst s9;
	s0 =	simm.s32 @!p0 $0x0  }
0x12: {  	s1 =	sld [smem:$0x3F99];
	s0 =	simm.s32 @p0 $0x1  }
0x13: {  	[smem:$0x3FB4] =	sst s0;
	s0 =	simm.s32 @!p1 $0x0  }
0x14: {  	s2 =	sld [smem:$0x3F98];
	s0 =	simm.s32 @p1 $0x1  }
0x15: {  	[smem:$0x3FB5] =	sst s0;
	s0 =	simm.s32 @!p2 $0x0  }
0x16: {  	s3 =	sld [smem:$0x3FDB];
	s0 =	simm.s32 @p2 $0x1  }
0x17: {  	s4 =	simm.s32 $0x1BF5;
	[smem:$0x3FB7] =	sst s0  }
0x18: {  	s0 =	sld [smem:$0x3F9A];
	_ =	swait.ge [sflag:s4], $0x0  }
0x19: {  	s7 =	sld [smem:$0x3F9B]  }
0x1a: {  	s8 =	sadd.s32 $0xFFFFE003, lr  }
0x1b: {  	s9 =	sadd.s32 $0xFFFFFEF7, lr;
	s5 =	simm.s32 $0xFFFFFFFF;
	p2 =	slt.u32 s8, $0xFFFFF086  }
0x1c: {  	p1 =	slt.u32 s9, $0xF7A;
	s5 =	simm.s32 @!p2 $0x0  }
0x1d: {  	s5 =	simm.s32 @p1 $0x1;
	p0 =	seq.s32 s7, s2  }
0x1e: {  	s7 =	smul.u32 @!p0 $0xF7A, s2;
	p2 =	seq.s32 @!p0 s5, $0x0  }
0x1f: {  	s9 =	smul.u32 $0xF7A, s1;
	s8 =	simm.s32 @!p0 $0x1BF5;
	p2 =	por !p2, p0  }
0x20: {  	[sflag:s8] =	ssyncset.s32 @!p0 $0xFFFFF086;
	s6 =	sadd.s32 @!p0 s3, s7;
	s7 =	simm.s32 @!p0 $0x108  }
0x21: {  	s3 =	sadd.s32 s3, s9;
	s6 =	sadd.s32 @!p0 $0x88, s6;
	s7 =	simm.s32 @p2 $0x1082  }
0x22: {  	[simem:s7], [sflag:s8] =	dma.local @!p0 [hbm:s6], $0xF7A  }
0x23: {  	s9 =	sor.u32 $0xD0000000, s2;
	s6 =	simm.s32 $0x108;
	_ =	swait.ge @!p0 [sflag:s8], $0x0  }
0x24: {  	s3 =	sadd.s32 $0x88, s3;
	s6 =	simm.s32 @!p1 $0x1082;
	[sflag:s4] =	ssyncset.s32 $0xFFFFF086  }
0x25: {  	[simem:s6], [sflag:s4] =	dma.local [hbm:s3], $0xF7A  }
0x26: {  	[smem:$0x3F9B] =	sst s1;
	(tag) =	ssettag s2;
	_ =	strace s9  }
0x27: {  	s1 =	sld [smem:$0x3FAB]  }
0x28: {  	s2 =	sld [smem:$0x3FAC]  }
0x29: {  	s4 =	sld [smem:$0x3FAE]  }
0x2a: {  	p0 =	seq.s32 s5, $0x0;
	s5 =	sld [smem:$0x3FAF]  }
0x2b: {  	s6 =	sld [smem:$0x3FB0]  }
0x2c: {  	s7 =	sld [smem:$0x3FB1]  }
0x2d: {  	s3 =	simm.s32 $0x108;
	s8 =	sld [smem:$0x3FB2]  }
0x2e: {  	s3 =	simm.s32 @!p0 $0x1082;
	s9 =	sld [smem:$0x3FB3]  }
0x2f: {  	lr =	sadd.s32 s0, s3;
	s0 =	sld [smem:$0x3FAA]  }
0x30: {  	s3 =	sld [smem:$0x3FAD]  }
0x31: {  	[smem:$0x3FB6] =	sst s10  }
0x32: {  	s10 =	sld [smem:$0x3FB4];
	_ =	sdelay $0x3  }
0x33: {  	p0 =	seq.s32 s10, $0x1;
	s10 =	sld [smem:$0x3FB6];
	_ =	sdelay $0x3  }
0x34: {  	[smem:$0x3FB6] =	sst s10  }
0x35: {  	s10 =	sld [smem:$0x3FB5];
	_ =	sdelay $0x3  }
0x36: {  	p1 =	seq.s32 s10, $0x1;
	s10 =	sld [smem:$0x3FB6];
	_ =	sdelay $0x3  }
0x37: {  	[smem:$0x3FB6] =	sst s10  }
0x38: {  	s10 =	sld [smem:$0x3FB7]  }
0x39: {  	_ = 	snop;
	(pc) =	sbr.ind lr, $3  }
0x3a: {  	_ = 	snop  }
0x3b: {  	_ = 	snop  }
0x3c: {  	p2 =	seq.s32 s10, $0x1;
	s10 =	sld [smem:$0x3FB6]  }
0x3d: {  	_ =	shalt  }
0x3e: {  	_ =	shalt  }
0x3f: {  	_ =	shalt  }
0x40: {  	_ =	shalt  }
0x41: {  	_ =	shalt  }
0x42: {  	_ =	shalt  }
0x43: {  	_ =	shalt  }
0x44: {  	_ =	shalt  }
0x45: {  	_ =	shalt  }
0x46: {  	_ =	shalt  }
0x47: {  	_ =	shalt  }
0x48: {  	_ =	shalt  }
0x49: {  	_ =	shalt  }
0x4a: {  	_ =	shalt  }
0x4b: {  	_ =	shalt  }
0x4c: {  	_ =	shalt  }
0x4d: {  	_ =	shalt  }
0x4e: {  	_ =	shalt  }
0x4f: {  	_ =	shalt  }
0x50: {  	_ =	shalt  }
0x51: {  	_ =	shalt  }
0x52: {  	_ =	shalt  }
0x53: {  	_ =	shalt  }
0x54: {  	_ =	shalt  }
0x55: {  	_ =	shalt  }
0x56: {  	_ =	shalt  }
0x57: {  	_ =	shalt  }
0x58: {  	_ =	shalt  }
0x59: {  	_ =	shalt  }
0x5a: {  	_ =	shalt  }
0x5b: {  	_ =	shalt  }
0x5c: {  	_ =	shalt  }
0x5d: {  	_ =	shalt  }
0x5e: {  	_ =	shalt  }
0x5f: {  	_ =	shalt  }
0x60: {  	_ =	shalt  }
0x61: {  	_ =	shalt  }
0x62: {  	_ =	shalt  }
0x63: {  	_ =	shalt  }
0x64: {  	_ =	shalt  }
0x65: {  	_ =	shalt  }
0x66: {  	_ =	shalt  }
0x67: {  	_ =	shalt  }
0x68: {  	_ =	shalt  }
0x69: {  	_ =	shalt  }
0x6a: {  	_ =	shalt  }
0x6b: {  	_ =	shalt  }
0x6c: {  	_ =	shalt  }
0x6d: {  	_ =	shalt  }
0x6e: {  	_ =	shalt  }
0x6f: {  	_ =	shalt  }
0x70: {  	_ =	shalt  }
0x71: {  	_ =	shalt  }
0x72: {  	_ =	shalt  }
0x73: {  	_ =	shalt  }
0x74: {  	_ =	shalt  }
0x75: {  	_ =	shalt  }
0x76: {  	_ =	shalt  }
0x77: {  	_ =	shalt  }
0x78: {  	_ =	shalt  }
0x79: {  	_ =	shalt  }
0x7a: {  	_ =	shalt  }
0x7b: {  	_ =	shalt  }
0x7c: {  	_ =	shalt  }
0x7d: {  	_ =	shalt  }
0x7e: {  	_ =	shalt  }
0x7f: {  	_ =	shalt  }
0x80: {  	_ =	shalt  }
0x81: {  	_ =	shalt  }
0x82: {  	_ =	shalt  }
0x83: {  	_ =	shalt  }
0x84: {  	_ =	shalt  }
0x85: {  	_ =	shalt  }
0x86: {  	_ =	shalt  }
0x87: {  	_ =	shalt  }
.Lfunc_end0:
.L_simem_size_0:
called_computation.1_lowered:
.L_overlay_start_0:
0x88: {  	s2 =	sld [smem:$0x3FD9]  }
0x89: {  	s3 =	sld [smem:$0x3FFE];
	_ =	sdelay $0x1  }
0x8a: {  	s1 =	srdreg.scid  }
0x8b: {  	s0 =	sand.u32 $0x1, s1  }
0x8c: {  	s16 =	sshll.u32 s0, $0xA;
	s2 =	sadd.s32 s3, s2  }
0x8d: {  	s2 =	sadd.s32 s2, s16  }
0x8e: {  	[smem:$0x3FC2] =	sst s2  }
0x8f: {  	_ = 	snop  }
0x90: {  	(tm) =	ssettm $0x1  }
0x91: {  	s17 =	sld [smem:$0x3FFB];
	_ =	sdelay $0x3  }
0x92: {  	_ =	strace s17  }
0x93: {  	s2 =	sld [smem:$0x3FFC];
	_ =	sdelay $0x3  }
0x94: {  	_ =	strace s2  }
0x95: {  	s2 =	sld [smem:$0x3FFD];
	_ =	sdelay $0x3  }
0x96: {  	_ =	strace s2  }
0x97: {  	_ =	strace $0x8FFFFFFF  }
0x98: {  	s18 =	sld [smem:$0x3FDB];
	_ =	sdelay $0x1  }
0x99: {  	s19 =	simm.s32 $_scs_section_size  }
0x9a: {  	s4 =	simm.s32 $_size__tile_overlayer_lowered;
	s5 =	simm.s32 $_tile_overlayer_lowered  }
0x9b: {  	s22 =	simm.s32 $0x1BFF;
	s21 =	sshll.u32 s5, $0x1;
	s2 =	sadd.s32 s19, s18  }
0x9c: {  	s6 =	simm.s32 $0x0;
	s20 =	sshll.u32 s4, $0x1;
	s4 =	sadd.s32 s21, s2  }
0x9d: {  	[timem:s6], [sflag:s22] =	dma.local [hbm:s4], s20  }
0x9e: {  	_ =	swait.ge [sflag:s22], s20  }
0x9f: {  	s3 =	ssub.s32 $0x0, s20;
	[sflag:s22] =	ssyncset.done $0x0  }
0xa0: {  	[sflag:s22] =	ssyncadd.s32 s3;
	_ =	sdelay $0x1  }
0xa1: {  	s23 =	simm.s32 $0x1B8B  }
0xa2: {  	_ =	swait.ge [sflag:s23], $0x1  }
0xa3: {  	[sflag:s23] =	ssyncset.done $0x0  }
0xa4: {  	s25 =	simm.s32 $0x1B8E;
	s24 =	sld [smem:$0x3FFE];
	[sflag:s23] =	ssyncadd.s32 $0xFFFFFFFF  }
0xa5: {  	s26 =	simm.s32 $execute0_lowered;
	[smem:$0x3FD2] =	sst s25  }
0xa6: {  	s4 =	sshll.u32 s26, $0x1;
	_ =	strace $0x80000049;
	[dreg:$0x1] =	wrdreg $0xFFFFFFFF  }
0xa7: {  	s28 =	simm.s32 $_size_execute0_lowered;
	s2 =	sadd.s32 s2, s4;
	[dreg:$0x0] =	wrdreg $0x0  }
0xa8: {  	s4 =	sshll.u32 s28, $0x1;
	[dreg:$0x2] =	wrdreg s2  }
0xa9: {  	[dreg:$0x3] =	wrdreg s4  }
0xaa: {  	[dreg:$0x4] =	wrdreg $0xC0  }
0xab: {  	_ =	task [dreg:s6], $0x5FFFF  }
0xac: {  	[dreg:$0x1] =	wrdreg $0xFFFFFFFF  }
0xad: {  	[dreg:$0x0] =	wrdreg $0x60  }
0xae: {  	[dreg:$0x2] =	wrdreg s24  }
0xaf: {  	[dreg:$0x3] =	wrdreg $0x84000  }
0xb0: {  	[dreg:$0x4] =	wrdreg $0x9  }
0xb1: {  	_ =	task.clear_ibuf [dreg:s6], $0x5FFFF;
	_ =	strace $0x90000049  }
0xb2: {  	s29 =	simm.s32 $0x9;
	_ =	strace $0x8000004B  }
0xb3: {  	_ =	swait.ge [sflag:s29], $0x1  }
0xb4: {  	[sflag:s29] =	ssyncadd.s32 $0xFFFFFFFF  }
0xb5: {  	_ =	strace $0x9000004B  }
0xb6: {  	_ =	sfence  }
0xb7: {  	s30 =	sld [smem:$0x0];
	_ =	sdelay $0x2  }
0xb8: {  	s31 =	sshll.u32 s1, $0xD;
	s1 =	sshrl.u32 s1, $0x2  }
0xb9: {  	s3 =	sand.u32 $0x4000, s31;
	s1 =	sadd.s32 s1, s30  }
0xba: {  	s0 =	sor.u32 s3, s0;
	s1 =	sshll.u32 s1, $0x11  }
0xbb: {  	s0 =	sor.u32 s1, s0  }
0xbc: {  	s0 =	sadd.s32 $0x8F2B, s0  }
0xbd: {  	[sflag:s0] =	ssyncadd.remote.s32 $0x1  }
0xbe: {  	_ =	sfence.sel $0xFFFF  }
0xbf: {  	[dreg:$0x0] =	wrdreg $0xFFFFFFFF;
	(pc) =	sbr.abs _section_cstart, $3  }
0xc0: {  	[dreg:$0x1] =	wrdreg $0xFFFFFFFF  }
0xc1: {  	_ =	task.clear_ibuf [dreg:s6], $0x2FFFF;
	_ =	strace $0x9FFFFFFF  }
0xc2: {  	(tm) =	ssettm $0x7FFFFFFF  }
0xc3: {  	_ =	shalt  }
tec
execute0_lowered:
.L_overlay_start_1:
0x0: {  	(tag) =	ssettag $0x1  }
0x1: {  	s0 =	rddreg [dreg:$0x0]  }
0x2: {  	s2 =	rddreg [dreg:$0x1]  }
0x3: {  	s4 =	srdreg.scid;
	s1 =	stileid.u32;
	s3 =	simm.s32 $0x0  }
0x4: {  	s16 =	simm.s32 $0x5;
	s17 =	simm.s32 $0x200;
	s18 =	simm.s32 $0x80  }
0x5: {  	s19 =	simm.s32 $0x100;
	s20 =	simm.s32 $0x4400;
	s21 =	simm.s32 $0x1  }
0x6: {  	s22 =	simm.s32 $0x4;
	s23 =	simm.s32 $0x2;
	s24 =	simm.s32 $0x180  }
0x7: {  	s28 =	simm.s32 $0x3;
	s29 =	simm.s32 $0x380;
	s5 =	smul.u32 $0x2780, s1  }
0x8: {  	s30 =	simm.s32 $0x0;
	s8 =	sand.u32 $0x1, s4;
	s25 =	smul.u32 $0x4F000, s1  }
0x9: {  	[smem:$0x7FF] =	sst s3;
	s4 =	sadd.s32 $0x6F400, s0;
	s15 =	smul.u32 $0xA00, s1  }
0xa: {  	s12 =	sadd.s32 $0xC400, s0;
	s6 =	smul.u32 $0x27800, s8;
	_ =	strace $0x8000004A  }
0xb: {  	s26 =	ssub.s32 $0x2, s8;
	s7 =	sshll.u32 s8, $0x4;
	s14 =	smul.u32 $0xA000, s8  }
0xc: {  	s9 =	sshrl.u32 s26, $0x1;
	s7 =	sor.u32 s1, s7;
	s5 =	sadd.s32 s5, s6  }
0xd: {  	s6 =	sshrl.u32 s25, $0x2;
	s13 =	ssub.s32 s26, s9;
	s31 =	smul.u32 $0xA00, s7  }
0xe: {  	s14 =	sadd.s32 s14, s12;
	s25 =	simm.s32 $0x300;
	s26 =	simm.s32 $0x280  }
0xf: {  	s0 =	sadd.s32 s5, s0;
	s5 =	sadd.s32 s6, s2;
	s13 =	smax.u32 s13, $0x1  }
0x10: {  	s14 =	sadd.s32 s15, s14;
	s15 =	simm.s32 $0x400;
	s6 =	sadd.s32 $0x4000, s5  }
0x11: {  	s7 =	sadd.s32 $0x8000, s5;
	s8 =	sadd.s32 $0xC000, s5;
	s9 =	sadd.s32 s12, s31  }
0x12: {  	v0 =	vimm.f32 $0.0e+00;
	s10 =	sadd.s32 $0x10000, s5;
	s12 =	sadd.s32 $0x96C00, s0;
	s11 =	sadd.s32 $0x40, s9  }
.LBB2_1:
0x13: {  	s31 =	simm.s32 $0x0;
	s0 =	simm.s32 $0x200  }
.LBB2_2:
0x14: {  	p0 =	sne.s32 s0, $0xFE00;
	[tilespmem:s31+$0x470] =	vst v0  }
0x15: {  	[tilespmem:s31+$0x400] =	vst v0  }
0x16: {  	[tilespmem:s31+$0x410] =	vst v0  }
.Ltmp0:
0x17: {  	[tilespmem:s31+$0x420] =	vst v0;
	(pc) =	sbr.rel @p0 .LBB2_2-.Ltmp0, $4  }
0x18: {  	[tilespmem:s31+$0x430] =	vst v0  }
0x19: {  	[tilespmem:s31+$0x440] =	vst v0  }
0x1a: {  	[tilespmem:s31+$0x450] =	vst v0  }
0x1b: {  	[tilespmem:s31+$0x460] =	vst v0;
	s31 =	sshra.s32 s0, $0x2;
	s0 =	sadd.s32 $0x200, s0  }
0x1c: {  	[tilespmem:s31+$0x470] =	vst v0  }
0x1d: {  	[tilespmem:s31+$0x400] =	vst v0  }
0x1e: {  	[tilespmem:s31+$0x410] =	vst v0  }
0x1f: {  	[tilespmem:s31+$0x420] =	vst v0  }
0x20: {  	[tilespmem:s31+$0x430] =	vst v0  }
0x21: {  	[tilespmem:s31+$0x440] =	vst v0  }
0x22: {  	[tilespmem:s31+$0x450] =	vst v0  }
0x23: {  	[tilespmem:s31+$0x460] =	vst v0  }
0x24: {  	[spmem:s5] =	stream.linear.scatter [tilespmem:s15], [sflag:$0x5], $0x4000, $0x38;
	[tilespmem:$0x1C000] =	vst v63  }
0x25: {  	_ =	swait.ge [sflag:s16], $0x4000  }
0x26: {  	[sflag:s16] =	ssyncset.done $0x0  }
0x27: {  	[sflag:s16] =	ssyncadd.s32 $0xFFFFC000  }
0x28: {  	[spmem:s6] =	stream.linear.scatter [tilespmem:s15], [sflag:$0x5], $0x4000, $0x38;
	[tilespmem:$0x1C000] =	vst v63  }
0x29: {  	_ =	swait.ge [sflag:s16], $0x4000  }
0x2a: {  	[sflag:s16] =	ssyncset.done $0x0  }
0x2b: {  	[sflag:s16] =	ssyncadd.s32 $0xFFFFC000  }
0x2c: {  	[spmem:s7] =	stream.linear.scatter [tilespmem:s15], [sflag:$0x5], $0x4000, $0x38;
	[tilespmem:$0x1C000] =	vst v63  }
0x2d: {  	_ =	swait.ge [sflag:s16], $0x4000  }
0x2e: {  	[sflag:s16] =	ssyncset.done $0x0  }
0x2f: {  	[sflag:s16] =	ssyncadd.s32 $0xFFFFC000  }
0x30: {  	[spmem:s8] =	stream.linear.scatter [tilespmem:s15], [sflag:$0x5], $0x4000, $0x38;
	[tilespmem:$0x1C000] =	vst v63  }
0x31: {  	_ =	swait.ge [sflag:s16], $0x4000  }
0x32: {  	[sflag:s16] =	ssyncset.done $0x0  }
0x33: {  	[sflag:s16] =	ssyncadd.s32 $0xFFFFC000  }
0x34: {  	[spmem:s10] =	stream.linear.scatter [tilespmem:s15], [sflag:$0x5], $0x3C00, $0x38;
	[tilespmem:$0x1C000] =	vst v63  }
0x35: {  	_ =	swait.ge [sflag:s16], $0x3C00  }
0x36: {  	[sflag:s16] =	ssyncset.done $0x0  }
0x37: {  	[sflag:s16] =	ssyncadd.s32 $0xFFFFC400  }
0x38: {  	[bflag:$0x0] =	sbarrier.arrive $0xFFFF  }
0x39: {  	[tilespmem:s3], [sflag:$0x5] =	stream.linear.gather [hbm4b:s9+s3], $0x200, $0x38;
	[tilespmem:$0x1C000] =	vst v63  }
0x3a: {  	_ =	swait.ge [sflag:s16], $0x200  }
0x3b: {  	[sflag:s16] =	ssyncset.done $0x0  }
0x3c: {  	[sflag:s16] =	ssyncadd.s32 $0xFFFFFE00  }
0x3d: {  	[tilespmem:s17], [sflag:$0x4] =	stream.linear.gather [hbm4b:s11+s3], $0x200, $0x38;
	[tilespmem:$0x1C000] =	vst v63  }
0x3e: {  	_ = 	snop  }
0x3f: {  	[tilespmem:s15], [sflag:$0x1] =	stream.indirect.gather [hbm4b:s4+s18], $0x80, s3, s18, $0xb8;
	[tilespmem:$0x1C000] =	vst v63  }
0x40: {  	_ = 	snop  }
0x41: {  	[tilespmem:s20], [sflag:$0x2] =	stream.indirect.gather [hbm4b:s4+s18], $0x80, s19, s18, $0xb8;
	[tilespmem:$0x1C000] =	vst v63  }
0x42: {  	_ =	swait.ge [sflag:s21], $0x4000  }
0x43: {  	[sflag:s21] =	ssyncset.done $0x0  }
0x44: {  	[sflag:s21] =	ssyncadd.s32 $0xFFFFC000  }
0x45: {  	[spmem:s2] =	stream.indirect.scatter.add.f32 [tilespmem:s15], [sflag:$0x5], $0x80, s18, s18, $0xb8;
	[tilespmem:$0x1C000] =	vst v63  }
0x46: {  	_ =	swait.ge [sflag:s16], $0x4000  }
0x47: {  	[sflag:s16] =	ssyncset.done $0x0  }
0x48: {  	[sflag:s16] =	ssyncadd.s32 $0xFFFFC000  }
0x49: {  	_ =	swait.ge [sflag:s22], $0x200  }
0x4a: {  	[sflag:s22] =	ssyncset.done $0x0  }
0x4b: {  	[sflag:s22] =	ssyncadd.s32 $0xFFFFFE00  }
0x4c: {  	[tilespmem:s15], [sflag:$0x1] =	stream.indirect.gather [hbm4b:s4+s18], $0x80, s17, s18, $0xb8;
	[tilespmem:$0x1C000] =	vst v63  }
0x4d: {  	_ =	swait.ge [sflag:s23], $0x4000  }
0x4e: {  	[sflag:s23] =	ssyncset.done $0x0  }
0x4f: {  	[sflag:s23] =	ssyncadd.s32 $0xFFFFC000  }
0x50: {  	[spmem:s2] =	stream.indirect.scatter.add.f32 [tilespmem:s20], [sflag:$0x5], $0x80, s24, s18, $0xb8;
	[tilespmem:$0x1C000] =	vst v63  }
0x51: {  	_ =	swait.ge [sflag:s16], $0x4000  }
0x52: {  	s0 =	sadd.s32 $0xFFFFF680, s14;
	[sflag:s16] =	ssyncset.done $0x0  }
0x53: {  	s31 =	sadd.s32 $0xA00, s0;
	[sflag:s16] =	ssyncadd.s32 $0xFFFFC000  }
0x54: {  	[tilespmem:s3], [sflag:$0x3] =	stream.linear.gather [hbm4b:s31+s3], $0x200, $0x38;
	[tilespmem:$0x1C000] =	vst v63  }
0x55: {  	_ = 	snop  }
0x56: {  	[tilespmem:s20], [sflag:$0x2] =	stream.indirect.gather [hbm4b:s4+s18], $0x80, s25, s18, $0xb8;
	[tilespmem:$0x1C000] =	vst v63  }
0x57: {  	_ =	swait.ge [sflag:s21], $0x4000  }
0x58: {  	[sflag:s21] =	ssyncset.done $0x0  }
0x59: {  	[sflag:s21] =	ssyncadd.s32 $0xFFFFC000  }
0x5a: {  	[spmem:s2] =	stream.indirect.scatter.add.f32 [tilespmem:s15], [sflag:$0x5], $0x80, s26, s18, $0xb8;
	[tilespmem:$0x1C000] =	vst v63  }
0x5b: {  	_ =	swait.ge [sflag:s16], $0x4000  }
0x5c: {  	[sflag:s16] =	ssyncset.done $0x0  }
0x5d: {  	[sflag:s16] =	ssyncadd.s32 $0xFFFFC000  }
0x5e: {  	_ =	swait.ge [sflag:s28], $0x200  }
0x5f: {  	[sflag:s28] =	ssyncset.done $0x0  }
0x60: {  	[sflag:s28] =	ssyncadd.s32 $0xFFFFFE00  }
0x61: {  	[tilespmem:s15], [sflag:$0x1] =	stream.indirect.gather [hbm4b:s4+s18], $0x80, s3, s18, $0xb8;
	[tilespmem:$0x1C000] =	vst v63  }
0x62: {  	_ =	swait.ge [sflag:s23], $0x4000  }
0x63: {  	[sflag:s23] =	ssyncset.done $0x0  }
0x64: {  	[sflag:s23] =	ssyncadd.s32 $0xFFFFC000  }
0x65: {  	[spmem:s2] =	stream.indirect.scatter.add.f32 [tilespmem:s20], [sflag:$0x5], $0x80, s29, s18, $0xb8;
	[tilespmem:$0x1C000] =	vst v63  }
0x66: {  	_ =	swait.ge [sflag:s16], $0x4000  }
0x67: {  	[sflag:s16] =	ssyncset.done $0x0  }
0x68: {  	s0 =	sadd.s32 $0xA40, s0;
	s31 =	simm.s32 $0xFFFFF700;
	[sflag:s16] =	ssyncadd.s32 $0xFFFFC000  }
0x69: {  	[tilespmem:s17], [sflag:$0x4] =	stream.linear.gather [hbm4b:s0+s3], $0x200, $0x38;
	[tilespmem:$0x1C000] =	vst v63  }
.LBB2_4:
0x6a: {  	[tilespmem:s20], [sflag:$0x2] =	stream.indirect.gather [hbm4b:s4+s18], $0x80, s19, s18, $0xb8;
	[tilespmem:$0x1C000] =	vst v63  }
0x6b: {  	s0 =	smov.u32 s31  }
0x6c: {  	p0 =	sne.s32 s31, $0xFFFFFF80;
	s31 =	sadd.s32 $0x80, s31;
	_ =	swait.ge [sflag:s21], $0x4000  }
0x6d: {  	[sflag:s21] =	ssyncset.done $0x0  }
0x6e: {  	[sflag:s21] =	ssyncadd.s32 $0xFFFFC000  }
0x6f: {  	[spmem:s2] =	stream.indirect.scatter.add.f32 [tilespmem:s15], [sflag:$0x5], $0x80, s18, s18, $0xb8;
	[tilespmem:$0x1C000] =	vst v63  }
0x70: {  	_ =	swait.ge [sflag:s16], $0x4000  }
0x71: {  	[sflag:s16] =	ssyncset.done $0x0  }
0x72: {  	[sflag:s16] =	ssyncadd.s32 $0xFFFFC000  }
0x73: {  	_ =	swait.ge [sflag:s22], $0x200  }
0x74: {  	[sflag:s22] =	ssyncset.done $0x0  }
0x75: {  	[sflag:s22] =	ssyncadd.s32 $0xFFFFFE00  }
0x76: {  	[tilespmem:s15], [sflag:$0x1] =	stream.indirect.gather [hbm4b:s4+s18], $0x80, s17, s18, $0xb8;
	[tilespmem:$0x1C000] =	vst v63  }
0x77: {  	_ =	swait.ge [sflag:s23], $0x4000  }
0x78: {  	[sflag:s23] =	ssyncset.done $0x0  }
0x79: {  	[sflag:s23] =	ssyncadd.s32 $0xFFFFC000  }
0x7a: {  	[spmem:s2] =	stream.indirect.scatter.add.f32 [tilespmem:s20], [sflag:$0x5], $0x80, s24, s18, $0xb8;
	[tilespmem:$0x1C000] =	vst v63  }
0x7b: {  	_ =	swait.ge [sflag:s16], $0x4000  }
0x7c: {  	s0 =	sadd.s32 s0, s14;
	[sflag:s16] =	ssyncset.done $0x0  }
0x7d: {  	s1 =	sadd.s32 $0xA00, s0;
	[sflag:s16] =	ssyncadd.s32 $0xFFFFC000  }
0x7e: {  	[tilespmem:s3], [sflag:$0x3] =	stream.linear.gather [hbm4b:s1+s3], $0x200, $0x38;
	[tilespmem:$0x1C000] =	vst v63  }
0x7f: {  	_ = 	snop  }
0x80: {  	[tilespmem:s20], [sflag:$0x2] =	stream.indirect.gather [hbm4b:s4+s18], $0x80, s25, s18, $0xb8;
	[tilespmem:$0x1C000] =	vst v63  }
0x81: {  	_ =	swait.ge [sflag:s21], $0x4000  }
0x82: {  	[sflag:s21] =	ssyncset.done $0x0  }
0x83: {  	[sflag:s21] =	ssyncadd.s32 $0xFFFFC000  }
0x84: {  	[spmem:s2] =	stream.indirect.scatter.add.f32 [tilespmem:s15], [sflag:$0x5], $0x80, s26, s18, $0xb8;
	[tilespmem:$0x1C000] =	vst v63  }
0x85: {  	_ =	swait.ge [sflag:s16], $0x4000  }
0x86: {  	[sflag:s16] =	ssyncset.done $0x0  }
0x87: {  	[sflag:s16] =	ssyncadd.s32 $0xFFFFC000  }
0x88: {  	_ =	swait.ge [sflag:s28], $0x200  }
0x89: {  	[sflag:s28] =	ssyncset.done $0x0  }
0x8a: {  	[sflag:s28] =	ssyncadd.s32 $0xFFFFFE00  }
0x8b: {  	[tilespmem:s15], [sflag:$0x1] =	stream.indirect.gather [hbm4b:s4+s18], $0x80, s3, s18, $0xb8;
	[tilespmem:$0x1C000] =	vst v63  }
0x8c: {  	_ =	swait.ge [sflag:s23], $0x4000  }
0x8d: {  	[sflag:s23] =	ssyncset.done $0x0  }
0x8e: {  	[sflag:s23] =	ssyncadd.s32 $0xFFFFC000  }
0x8f: {  	[spmem:s2] =	stream.indirect.scatter.add.f32 [tilespmem:s20], [sflag:$0x5], $0x80, s29, s18, $0xb8;
	[tilespmem:$0x1C000] =	vst v63  }
.Ltmp1:
0x90: {  	_ = 	snop;
	(pc) =	sbr.rel @p0 .LBB2_4-.Ltmp1, $4  }
0x91: {  	_ =	swait.ge [sflag:s16], $0x4000  }
0x92: {  	[sflag:s16] =	ssyncset.done $0x0  }
0x93: {  	s0 =	sadd.s32 $0xA40, s0;
	[sflag:s16] =	ssyncadd.s32 $0xFFFFC000  }
0x94: {  	[tilespmem:s17], [sflag:$0x4] =	stream.linear.gather [hbm4b:s0+s3], $0x200, $0x38;
	[tilespmem:$0x1C000] =	vst v63  }
0x95: {  	[tilespmem:s20], [sflag:$0x2] =	stream.indirect.gather [hbm4b:s4+s18], $0x80, s19, s18, $0xb8;
	[tilespmem:$0x1C000] =	vst v63  }
0x96: {  	_ =	swait.ge [sflag:s21], $0x4000  }
0x97: {  	[sflag:s21] =	ssyncset.done $0x0  }
0x98: {  	[sflag:s21] =	ssyncadd.s32 $0xFFFFC000  }
0x99: {  	[spmem:s2] =	stream.indirect.scatter.add.f32 [tilespmem:s15], [sflag:$0x5], $0x80, s18, s18, $0xb8;
	[tilespmem:$0x1C000] =	vst v63  }
0x9a: {  	_ =	swait.ge [sflag:s16], $0x4000  }
0x9b: {  	[sflag:s16] =	ssyncset.done $0x0  }
0x9c: {  	[sflag:s16] =	ssyncadd.s32 $0xFFFFC000  }
0x9d: {  	_ =	swait.ge [sflag:s22], $0x200  }
0x9e: {  	[sflag:s22] =	ssyncset.done $0x0  }
0x9f: {  	[sflag:s22] =	ssyncadd.s32 $0xFFFFFE00  }
0xa0: {  	[tilespmem:s15], [sflag:$0x1] =	stream.indirect.gather [hbm4b:s4+s18], $0x80, s17, s18, $0xb8;
	[tilespmem:$0x1C000] =	vst v63  }
0xa1: {  	_ =	swait.ge [sflag:s23], $0x4000  }
0xa2: {  	[sflag:s23] =	ssyncset.done $0x0  }
0xa3: {  	[sflag:s23] =	ssyncadd.s32 $0xFFFFC000  }
0xa4: {  	[spmem:s2] =	stream.indirect.scatter.add.f32 [tilespmem:s20], [sflag:$0x5], $0x80, s24, s18, $0xb8;
	[tilespmem:$0x1C000] =	vst v63  }
0xa5: {  	_ =	swait.ge [sflag:s16], $0x4000  }
0xa6: {  	[sflag:s16] =	ssyncset.done $0x0  }
0xa7: {  	[sflag:s16] =	ssyncadd.s32 $0xFFFFC000  }
0xa8: {  	[tilespmem:s20], [sflag:$0x2] =	stream.indirect.gather [hbm4b:s4+s18], $0x80, s25, s18, $0xb8;
	[tilespmem:$0x1C000] =	vst v63  }
0xa9: {  	_ =	swait.ge [sflag:s21], $0x4000  }
0xaa: {  	[sflag:s21] =	ssyncset.done $0x0  }
0xab: {  	[sflag:s21] =	ssyncadd.s32 $0xFFFFC000  }
0xac: {  	[spmem:s2] =	stream.indirect.scatter.add.f32 [tilespmem:s15], [sflag:$0x5], $0x80, s26, s18, $0xb8;
	[tilespmem:$0x1C000] =	vst v63  }
0xad: {  	_ =	swait.ge [sflag:s16], $0x4000  }
0xae: {  	[sflag:s16] =	ssyncset.done $0x0  }
0xaf: {  	[sflag:s16] =	ssyncadd.s32 $0xFFFFC000  }
0xb0: {  	_ =	swait.ge [sflag:s23], $0x4000  }
0xb1: {  	[sflag:s23] =	ssyncset.done $0x0  }
0xb2: {  	[sflag:s23] =	ssyncadd.s32 $0xFFFFC000  }
0xb3: {  	[spmem:s2] =	stream.indirect.scatter.add.f32 [tilespmem:s20], [sflag:$0x5], $0x80, s29, s18, $0xb8;
	[tilespmem:$0x1C000] =	vst v63  }
0xb4: {  	s0 =	stileid.u32;
	_ =	swait.ge [sflag:s16], $0x4000  }
0xb5: {  	s1 =	sshrl.u32 s5, $0x3;
	s30 =	sadd.s32 $0x1, s30;
	[sflag:s16] =	ssyncset.done $0x0  }
0xb6: {  	s0 =	sshll.u32 s0, $0x6;
	p0 =	sne.s32 s30, s13;
	[sflag:s16] =	ssyncadd.s32 $0xFFFFC000  }
.Ltmp2:
0xb7: {  	s0 =	sor.u32 $0x1C05, s0;
	[bflag:$0x0] =	sbarrier.arrive $0xFFFF;
	(pc) =	sbr.rel @p0 .LBB2_1-.Ltmp2, $4  }
0xb8: {  	[hbm:s12], [sflag:s0] =	dma.local [spmem:s1], $0x2780  }
0xb9: {  	_ =	swait.ge [sflag:s16], $0x2780  }
0xba: {  	[sflag:s16] =	ssyncset.done $0x0  }
0xbb: {  	[sflag:s16] =	ssyncadd.s32 $0xFFFFD880  }
0xbc: {  	_ =	sfence.sel $0x180000  }
0xbd: {  	[bflag:$0x0] =	sbarrier.arrive $0xFFFF  }
0xbe: {  	_ =	strace $0x9000004A  }
0xbf: {  	s0 =	stileid.u32;
	[bflag:$0x2] =	sbarrier.arrive $0xFFFF  }
0xc0: {  	p0 =	sne.s32 s0, $0x0;
	s0 =	rddreg [dreg:$0x2]  }
0xc1: {  	s0 =	sadd.s32 @!p0 $0x100000, s0  }
0xc2: {  	[sflag:s0] =	ssyncadd.tile.s32 @!p0 $0x1;
	_ =	shalt  }
.Lfunc_end2:
_tile_overlayer_lowered:
.L_overlay_start_2:
0xc3: {  	(tag) =	ssettag $0x2  }
0xc4: {  	s0 =	rddreg [dreg:$0x0];
	s2 =	stileid.u32  }
0xc5: {  	s1 =	rddreg [dreg:$0x1];
	p0 =	sne.s32 s2, $0x0  }
0xc6: {  	s3 =	rddreg [dreg:$0x2];
	[bflag:$0x3] =	sbarrier.arrive $0xFFFF;
	s2 =	simm.s32 @!p0 $0x1C05  }
0xc7: {  	[timem:s3], [sflag:s2] =	dma.local @!p0 [hbm:s0], s1  }
0xc8: {  	s0 =	simm.s32 @!p0 $0x5  }
0xc9: {  	_ =	swait.ge @!p0 [sflag:s0], s1  }
0xca: {  	s1 =	ssub.s32 @!p0 $0x0, s1;
	[sflag:s0] =	ssyncset.done @!p0 $0x0  }
0xcb: {  	[sflag:s0] =	ssyncadd.s32 @!p0 s1  }
0xcc: {  	[bflag:$0x3] =	sbarrier.arrive $0xFFFF  }
0xcd: {  	_ =	shalt  }

// kernel: kernel.14.cloned.1.call-start
scs
__scs_entry_jumppad:
0x0: {  	(pc) =	sbr.rel $0x88, $3  }
0x1: {  	(tag) =	ssettag $0x0;
	lr =	simm.s32 $0x1  }
0x2: {  	[smem:$0x3F9B] =	sst lr;
	_ =	strace $0xD0000000  }
0x3: {  	_ = 	snop  }
0x4: {  	_ = 	snop  }
0x5: {  	_ = 	snop  }
0x6: {  	_ = 	snop  }
0x7: {  	_ = 	snop  }
__scs_overlays_trampoline_lowered:
0x8: {  	[smem:$0x3FAA] =	sst s0  }
0x9: {  	[smem:$0x3FAB] =	sst s1  }
0xa: {  	[smem:$0x3FAC] =	sst s2  }
0xb: {  	[smem:$0x3FAD] =	sst s3  }
0xc: {  	[smem:$0x3FAE] =	sst s4  }
0xd: {  	[smem:$0x3FAF] =	sst s5  }
0xe: {  	[smem:$0x3FB0] =	sst s6  }
0xf: {  	[smem:$0x3FB1] =	sst s7  }
0x10: {  	[smem:$0x3FB2] =	sst s8  }
0x11: {  	[smem:$0x3FB3] =	sst s9;
	s0 =	simm.s32 @!p0 $0x0  }
0x12: {  	s1 =	sld [smem:$0x3F99];
	s0 =	simm.s32 @p0 $0x1  }
0x13: {  	[smem:$0x3FB4] =	sst s0;
	s0 =	simm.s32 @!p1 $0x0  }
0x14: {  	s2 =	sld [smem:$0x3F98];
	s0 =	simm.s32 @p1 $0x1  }
0x15: {  	[smem:$0x3FB5] =	sst s0;
	s0 =	simm.s32 @!p2 $0x0  }
0x16: {  	s3 =	sld [smem:$0x3FDB];
	s0 =	simm.s32 @p2 $0x1  }
0x17: {  	s4 =	simm.s32 $0x1BF5;
	[smem:$0x3FB7] =	sst s0  }
0x18: {  	s0 =	sld [smem:$0x3F9A];
	_ =	swait.ge [sflag:s4], $0x0  }
0x19: {  	s7 =	sld [smem:$0x3F9B]  }
0x1a: {  	s8 =	sadd.s32 $0xFFFFE003, lr  }
0x1b: {  	s9 =	sadd.s32 $0xFFFFFEF7, lr;
	s5 =	simm.s32 $0xFFFFFFFF;
	p2 =	slt.u32 s8, $0xFFFFF086  }
0x1c: {  	p1 =	slt.u32 s9, $0xF7A;
	s5 =	simm.s32 @!p2 $0x0  }
0x1d: {  	s5 =	simm.s32 @p1 $0x1;
	p0 =	seq.s32 s7, s2  }
0x1e: {  	s7 =	smul.u32 @!p0 $0xF7A, s2;
	p2 =	seq.s32 @!p0 s5, $0x0  }
0x1f: {  	s9 =	smul.u32 $0xF7A, s1;
	s8 =	simm.s32 @!p0 $0x1BF5;
	p2 =	por !p2, p0  }
0x20: {  	[sflag:s8] =	ssyncset.s32 @!p0 $0xFFFFF086;
	s6 =	sadd.s32 @!p0 s3, s7;
	s7 =	simm.s32 @!p0 $0x108  }
0x21: {  	s3 =	sadd.s32 s3, s9;
	s6 =	sadd.s32 @!p0 $0x88, s6;
	s7 =	simm.s32 @p2 $0x1082  }
0x22: {  	[simem:s7], [sflag:s8] =	dma.local @!p0 [hbm:s6], $0xF7A  }
0x23: {  	s9 =	sor.u32 $0xD0000000, s2;
	s6 =	simm.s32 $0x108;
	_ =	swait.ge @!p0 [sflag:s8], $0x0  }
0x24: {  	s3 =	sadd.s32 $0x88, s3;
	s6 =	simm.s32 @!p1 $0x1082;
	[sflag:s4] =	ssyncset.s32 $0xFFFFF086  }
0x25: {  	[simem:s6], [sflag:s4] =	dma.local [hbm:s3], $0xF7A  }
0x26: {  	[smem:$0x3F9B] =	sst s1;
	(tag) =	ssettag s2;
	_ =	strace s9  }
0x27: {  	s1 =	sld [smem:$0x3FAB]  }
0x28: {  	s2 =	sld [smem:$0x3FAC]  }
0x29: {  	s4 =	sld [smem:$0x3FAE]  }
0x2a: {  	p0 =	seq.s32 s5, $0x0;
	s5 =	sld [smem:$0x3FAF]  }
0x2b: {  	s6 =	sld [smem:$0x3FB0]  }
0x2c: {  	s7 =	sld [smem:$0x3FB1]  }
0x2d: {  	s3 =	simm.s32 $0x108;
	s8 =	sld [smem:$0x3FB2]  }
0x2e: {  	s3 =	simm.s32 @!p0 $0x1082;
	s9 =	sld [smem:$0x3FB3]  }
0x2f: {  	lr =	sadd.s32 s0, s3;
	s0 =	sld [smem:$0x3FAA]  }
0x30: {  	s3 =	sld [smem:$0x3FAD]  }
0x31: {  	[smem:$0x3FB6] =	sst s10  }
0x32: {  	s10 =	sld [smem:$0x3FB4];
	_ =	sdelay $0x3  }
0x33: {  	p0 =	seq.s32 s10, $0x1;
	s10 =	sld [smem:$0x3FB6];
	_ =	sdelay $0x3  }
0x34: {  	[smem:$0x3FB6] =	sst s10  }
0x35: {  	s10 =	sld [smem:$0x3FB5];
	_ =	sdelay $0x3  }
0x36: {  	p1 =	seq.s32 s10, $0x1;
	s10 =	sld [smem:$0x3FB6];
	_ =	sdelay $0x3  }
0x37: {  	[smem:$0x3FB6] =	sst s10  }
0x38: {  	s10 =	sld [smem:$0x3FB7]  }
0x39: {  	_ = 	snop;
	(pc) =	sbr.ind lr, $3  }
0x3a: {  	_ = 	snop  }
0x3b: {  	_ = 	snop  }
0x3c: {  	p2 =	seq.s32 s10, $0x1;
	s10 =	sld [smem:$0x3FB6]  }
0x3d: {  	_ =	shalt  }
0x3e: {  	_ =	shalt  }
0x3f: {  	_ =	shalt  }
0x40: {  	_ =	shalt  }
0x41: {  	_ =	shalt  }
0x42: {  	_ =	shalt  }
0x43: {  	_ =	shalt  }
0x44: {  	_ =	shalt  }
0x45: {  	_ =	shalt  }
0x46: {  	_ =	shalt  }
0x47: {  	_ =	shalt  }
0x48: {  	_ =	shalt  }
0x49: {  	_ =	shalt  }
0x4a: {  	_ =	shalt  }
0x4b: {  	_ =	shalt  }
0x4c: {  	_ =	shalt  }
0x4d: {  	_ =	shalt  }
0x4e: {  	_ =	shalt  }
0x4f: {  	_ =	shalt  }
0x50: {  	_ =	shalt  }
0x51: {  	_ =	shalt  }
0x52: {  	_ =	shalt  }
0x53: {  	_ =	shalt  }
0x54: {  	_ =	shalt  }
0x55: {  	_ =	shalt  }
0x56: {  	_ =	shalt  }
0x57: {  	_ =	shalt  }
0x58: {  	_ =	shalt  }
0x59: {  	_ =	shalt  }
0x5a: {  	_ =	shalt  }
0x5b: {  	_ =	shalt  }
0x5c: {  	_ =	shalt  }
0x5d: {  	_ =	shalt  }
0x5e: {  	_ =	shalt  }
0x5f: {  	_ =	shalt  }
0x60: {  	_ =	shalt  }
0x61: {  	_ =	shalt  }
0x62: {  	_ =	shalt  }
0x63: {  	_ =	shalt  }
0x64: {  	_ =	shalt  }
0x65: {  	_ =	shalt  }
0x66: {  	_ =	shalt  }
0x67: {  	_ =	shalt  }
0x68: {  	_ =	shalt  }
0x69: {  	_ =	shalt  }
0x6a: {  	_ =	shalt  }
0x6b: {  	_ =	shalt  }
0x6c: {  	_ =	shalt  }
0x6d: {  	_ =	shalt  }
0x6e: {  	_ =	shalt  }
0x6f: {  	_ =	shalt  }
0x70: {  	_ =	shalt  }
0x71: {  	_ =	shalt  }
0x72: {  	_ =	shalt  }
0x73: {  	_ =	shalt  }
0x74: {  	_ =	shalt  }
0x75: {  	_ =	shalt  }
0x76: {  	_ =	shalt  }
0x77: {  	_ =	shalt  }
0x78: {  	_ =	shalt  }
0x79: {  	_ =	shalt  }
0x7a: {  	_ =	shalt  }
0x7b: {  	_ =	shalt  }
0x7c: {  	_ =	shalt  }
0x7d: {  	_ =	shalt  }
0x7e: {  	_ =	shalt  }
0x7f: {  	_ =	shalt  }
0x80: {  	_ =	shalt  }
0x81: {  	_ =	shalt  }
0x82: {  	_ =	shalt  }
0x83: {  	_ =	shalt  }
0x84: {  	_ =	shalt  }
0x85: {  	_ =	shalt  }
0x86: {  	_ =	shalt  }
0x87: {  	_ =	shalt  }
.Lfunc_end0:
.L_simem_size_0:
called_computation.2_lowered:
.L_overlay_start_0:
0x88: {  	s2 =	sld [smem:$0x3FD9]  }
0x89: {  	s3 =	sld [smem:$0x3FFE];
	_ =	sdelay $0x1  }
0x8a: {  	s1 =	srdreg.scid  }
0x8b: {  	s0 =	sand.u32 $0x1, s1  }
0x8c: {  	s17 =	sshll.u32 s0, $0xA;
	s2 =	sadd.s32 s3, s2  }
0x8d: {  	s2 =	sadd.s32 s2, s17  }
0x8e: {  	[smem:$0x3FC2] =	sst s2  }
0x8f: {  	_ = 	snop  }
0x90: {  	s2 =	sld [smem:$0x3FD0];
	(tm) =	ssettm $0x1  }
0x91: {  	s18 =	sld [smem:$0x3FFB];
	_ =	sdelay $0x3  }
0x92: {  	_ =	strace s18  }
0x93: {  	s3 =	sld [smem:$0x3FFC];
	_ =	sdelay $0x3  }
0x94: {  	_ =	strace s3  }
0x95: {  	s3 =	sld [smem:$0x3FFD];
	_ =	sdelay $0x3  }
0x96: {  	_ =	strace s3  }
0x97: {  	_ =	strace $0x8FFFFFFF  }
0x98: {  	s19 =	sld [smem:$0x3FDB];
	_ =	sdelay $0x1  }
0x99: {  	s4 =	simm.s32 $_scs_section_size  }
0x9a: {  	s5 =	simm.s32 $_size__tile_overlayer_lowered;
	s6 =	simm.s32 $_tile_overlayer_lowered  }
0x9b: {  	s22 =	simm.s32 $0x1BFF;
	s21 =	sshll.u32 s6, $0x1;
	s3 =	sadd.s32 s4, s19  }
0x9c: {  	s7 =	simm.s32 $0x0;
	s20 =	sshll.u32 s5, $0x1;
	s5 =	sadd.s32 s21, s3  }
0x9d: {  	[timem:s7], [sflag:s22] =	dma.local [hbm:s5], s20  }
0x9e: {  	_ =	swait.ge [sflag:s22], s20  }
0x9f: {  	s4 =	ssub.s32 $0x0, s20;
	[sflag:s22] =	ssyncset.done $0x0  }
0xa0: {  	[sflag:s22] =	ssyncadd.s32 s4;
	_ =	sdelay $0x1  }
0xa1: {  	s23 =	simm.s32 $0x1B8B  }
0xa2: {  	_ =	swait.ge [sflag:s23], $0x1  }
0xa3: {  	[sflag:s23] =	ssyncset.done $0x0  }
0xa4: {  	s25 =	simm.s32 $0x1B8E;
	s24 =	sld [smem:$0x3FFE];
	[sflag:s23] =	ssyncadd.s32 $0xFFFFFFFF  }
0xa5: {  	s26 =	simm.s32 $execute0_lowered;
	[smem:$0x3FD2] =	sst s25  }
0xa6: {  	s5 =	sshll.u32 s26, $0x1;
	_ =	strace $0x8000004C;
	[dreg:$0x1] =	wrdreg $0xFFFFFFFF  }
0xa7: {  	s28 =	simm.s32 $_size_execute0_lowered;
	s3 =	sadd.s32 s3, s5;
	[dreg:$0x0] =	wrdreg $0x0  }
0xa8: {  	s5 =	sshll.u32 s28, $0x1;
	[dreg:$0x2] =	wrdreg s3  }
0xa9: {  	[dreg:$0x3] =	wrdreg s5  }
0xaa: {  	[dreg:$0x4] =	wrdreg $0xC0  }
0xab: {  	_ =	task [dreg:s7], $0x5FFFF  }
0xac: {  	[dreg:$0x1] =	wrdreg $0xFFFFFFFF  }
0xad: {  	[dreg:$0x0] =	wrdreg $0x60  }
0xae: {  	[dreg:$0x2] =	wrdreg s2  }
0xaf: {  	[dreg:$0x3] =	wrdreg s24  }
0xb0: {  	[dreg:$0x4] =	wrdreg $0x44000  }
0xb1: {  	[dreg:$0x5] =	wrdreg $0x9  }
0xb2: {  	_ =	task.clear_ibuf [dreg:s7], $0x6FFFF;
	_ =	strace $0x9000004C  }
0xb3: {  	s29 =	simm.s32 $0x9;
	_ =	strace $0x8000004E  }
0xb4: {  	_ =	swait.ge [sflag:s29], $0x1  }
0xb5: {  	[sflag:s29] =	ssyncadd.s32 $0xFFFFFFFF  }
0xb6: {  	_ =	strace $0x9000004E  }
0xb7: {  	_ =	sfence  }
0xb8: {  	s30 =	sld [smem:$0x0];
	_ =	sdelay $0x2  }
0xb9: {  	s31 =	sshll.u32 s1, $0xD;
	s1 =	sshrl.u32 s1, $0x2  }
0xba: {  	s3 =	sand.u32 $0x4000, s31;
	s1 =	sadd.s32 s1, s30  }
0xbb: {  	s0 =	sor.u32 s3, s0;
	s1 =	sshll.u32 s1, $0x11  }
0xbc: {  	s0 =	sor.u32 s1, s0  }
0xbd: {  	s0 =	sadd.s32 $0x8F2B, s0  }
0xbe: {  	[sflag:s0] =	ssyncadd.remote.s32 $0x1  }
0xbf: {  	_ =	sfence.sel $0xFFFF  }
0xc0: {  	[dreg:$0x0] =	wrdreg $0xFFFFFFFF;
	(pc) =	sbr.abs _section_cstart, $3  }
0xc1: {  	[dreg:$0x1] =	wrdreg $0xFFFFFFFF  }
0xc2: {  	_ =	task.clear_ibuf [dreg:s7], $0x2FFFF;
	_ =	strace $0x9FFFFFFF  }
0xc3: {  	(tm) =	ssettm $0x7FFFFFFF  }
tec
execute0_lowered:
.L_overlay_start_1:
0x0: {  	(tag) =	ssettag $0x1  }
0x1: {  	s1 =	rddreg [dreg:$0x0]  }
0x2: {  	s0 =	rddreg [dreg:$0x1]  }
0x3: {  	s3 =	rddreg [dreg:$0x2]  }
0x4: {  	s5 =	srdreg.scid;
	s2 =	stileid.u32  }
0x5: {  	s4 =	simm.s32 $0x0;
	s16 =	simm.s32 $0x5;
	s17 =	simm.s32 $0x200  }
0x6: {  	s18 =	simm.s32 $0x80;
	s19 =	simm.s32 $0x100;
	s20 =	simm.s32 $0x2400  }
0x7: {  	s21 =	simm.s32 $0x1;
	s22 =	simm.s32 $0x4;
	s23 =	simm.s32 $0x2  }
0x8: {  	s28 =	simm.s32 $0x3;
	s29 =	simm.s32 $0x380;
	s24 =	smul.u32 $0x13C0, s2  }
0x9: {  	s30 =	simm.s32 $0x0;
	s8 =	sand.u32 $0x1, s5;
	s25 =	smul.u32 $0x27800, s2  }
0xa: {  	[smem:$0x7FF] =	sst s4;
	s12 =	sadd.s32 $0xC400, s0;
	s15 =	smul.u32 $0xA00, s2  }
0xb: {  	s6 =	smul.u32 $0x13C00, s8;
	_ =	strace $0x8000004D;
	s26 =	ssub.s32 $0x2, s8  }
0xc: {  	s7 =	sshll.u32 s8, $0x4;
	s14 =	smul.u32 $0xA000, s8;
	s9 =	sshrl.u32 s26, $0x1  }
0xd: {  	s7 =	sor.u32 s2, s7;
	s5 =	sadd.s32 s24, s6;
	s6 =	sshrl.u32 s25, $0x2  }
0xe: {  	s13 =	ssub.s32 s26, s9;
	s31 =	smul.u32 $0xA00, s7;
	s14 =	sadd.s32 s14, s12  }
0xf: {  	s24 =	simm.s32 $0x180;
	s25 =	simm.s32 $0x300;
	s26 =	simm.s32 $0x280  }
0x10: {  	s0 =	sadd.s32 s5, s0;
	s5 =	sadd.s32 s6, s3;
	s13 =	smax.u32 s13, $0x1  }
0x11: {  	s14 =	sadd.s32 s15, s14;
	s15 =	simm.s32 $0x400;
	s6 =	sadd.s32 $0x2000, s5  }
0x12: {  	s7 =	sadd.s32 $0x4000, s5;
	s8 =	sadd.s32 $0x6000, s5;
	s9 =	sadd.s32 s12, s31  }
0x13: {  	v0 =	vimm.f32 $0.0e+00;
	s10 =	sadd.s32 $0x8000, s5;
	s12 =	sadd.s32 $0x6F400, s0;
	s11 =	sadd.s32 $0x40, s9  }
.LBB2_1:
0x14: {  	s0 =	simm.s32 $0x100;
	s31 =	simm.s32 $0x0  }
.LBB2_2:
0x15: {  	p0 =	sne.s32 s0, $0x7F00;
	[tilespmem:s31+$0x430] =	vst v0;
	s2 =	smov.u32 s0;
	s0 =	sadd.s32 $0x100, s0  }
.Ltmp0:
0x16: {  	[tilespmem:s31+$0x420] =	vst v0;
	(pc) =	sbr.rel @p0 .LBB2_2-.Ltmp0, $3  }
0x17: {  	[tilespmem:s31+$0x400] =	vst v0  }
0x18: {  	[tilespmem:s31+$0x410] =	vst v0;
	_ =	sdelay $0x1  }
0x19: {  	s31 =	sshra.s32 s2, $0x2  }
0x1a: {  	[tilespmem:s31+$0x430] =	vst v0  }
0x1b: {  	[tilespmem:s31+$0x420] =	vst v0  }
0x1c: {  	[tilespmem:s31+$0x400] =	vst v0  }
0x1d: {  	[tilespmem:s31+$0x410] =	vst v0  }
0x1e: {  	[spmem:s5] =	stream.linear.scatter [tilespmem:s15], [sflag:$0x5], $0x2000, $0x38;
	[tilespmem:$0xE200] =	vst v63  }
0x1f: {  	_ =	swait.ge [sflag:s16], $0x2000  }
0x20: {  	[sflag:s16] =	ssyncset.done $0x0  }
0x21: {  	[sflag:s16] =	ssyncadd.s32 $0xFFFFE000  }
0x22: {  	[spmem:s6] =	stream.linear.scatter [tilespmem:s15], [sflag:$0x5], $0x2000, $0x38;
	[tilespmem:$0xE200] =	vst v63  }
0x23: {  	_ =	swait.ge [sflag:s16], $0x2000  }
0x24: {  	[sflag:s16] =	ssyncset.done $0x0  }
0x25: {  	[sflag:s16] =	ssyncadd.s32 $0xFFFFE000  }
0x26: {  	[spmem:s7] =	stream.linear.scatter [tilespmem:s15], [sflag:$0x5], $0x2000, $0x38;
	[tilespmem:$0xE200] =	vst v63  }
0x27: {  	_ =	swait.ge [sflag:s16], $0x2000  }
0x28: {  	[sflag:s16] =	ssyncset.done $0x0  }
0x29: {  	[sflag:s16] =	ssyncadd.s32 $0xFFFFE000  }
0x2a: {  	[spmem:s8] =	stream.linear.scatter [tilespmem:s15], [sflag:$0x5], $0x2000, $0x38;
	[tilespmem:$0xE200] =	vst v63  }
0x2b: {  	_ =	swait.ge [sflag:s16], $0x2000  }
0x2c: {  	[sflag:s16] =	ssyncset.done $0x0  }
0x2d: {  	[sflag:s16] =	ssyncadd.s32 $0xFFFFE000  }
0x2e: {  	[spmem:s10] =	stream.linear.scatter [tilespmem:s15], [sflag:$0x5], $0x1E00, $0x38;
	[tilespmem:$0xE200] =	vst v63  }
0x2f: {  	_ =	swait.ge [sflag:s16], $0x1E00  }
0x30: {  	[sflag:s16] =	ssyncset.done $0x0  }
0x31: {  	[sflag:s16] =	ssyncadd.s32 $0xFFFFE200  }
0x32: {  	[bflag:$0x0] =	sbarrier.arrive $0xFFFF  }
0x33: {  	[tilespmem:s4], [sflag:$0x5] =	stream.linear.gather [hbm4b:s9+s4], $0x200, $0x38;
	[tilespmem:$0xE200] =	vst v63  }
0x34: {  	_ =	swait.ge [sflag:s16], $0x200  }
0x35: {  	[sflag:s16] =	ssyncset.done $0x0  }
0x36: {  	[sflag:s16] =	ssyncadd.s32 $0xFFFFFE00  }
0x37: {  	[tilespmem:s17], [sflag:$0x4] =	stream.linear.gather [hbm4b:s11+s4], $0x200, $0x38;
	[tilespmem:$0xE200] =	vst v63  }
0x38: {  	_ = 	snop  }
0x39: {  	[tilespmem:s15], [sflag:$0x1] =	stream.indirect.gather [hbm4b:s1+s18], $0x40, s4, s18, $0xb8;
	[tilespmem:$0xE200] =	vst v63  }
0x3a: {  	_ = 	snop  }
0x3b: {  	[tilespmem:s20], [sflag:$0x2] =	stream.indirect.gather [hbm4b:s1+s18], $0x40, s19, s18, $0xb8;
	[tilespmem:$0xE200] =	vst v63  }
0x3c: {  	_ =	swait.ge [sflag:s21], $0x2000  }
0x3d: {  	[sflag:s21] =	ssyncset.done $0x0  }
0x3e: {  	[sflag:s21] =	ssyncadd.s32 $0xFFFFE000  }
0x3f: {  	[spmem:s3] =	stream.indirect.scatter.add.f32 [tilespmem:s15], [sflag:$0x5], $0x40, s18, s18, $0xb8;
	[tilespmem:$0xE200] =	vst v63  }
0x40: {  	_ =	swait.ge [sflag:s16], $0x2000  }
0x41: {  	[sflag:s16] =	ssyncset.done $0x0  }
0x42: {  	[sflag:s16] =	ssyncadd.s32 $0xFFFFE000  }
0x43: {  	_ =	swait.ge [sflag:s22], $0x200  }
0x44: {  	[sflag:s22] =	ssyncset.done $0x0  }
0x45: {  	[sflag:s22] =	ssyncadd.s32 $0xFFFFFE00  }
0x46: {  	[tilespmem:s15], [sflag:$0x1] =	stream.indirect.gather [hbm4b:s1+s18], $0x40, s17, s18, $0xb8;
	[tilespmem:$0xE200] =	vst v63  }
0x47: {  	_ =	swait.ge [sflag:s23], $0x2000  }
0x48: {  	[sflag:s23] =	ssyncset.done $0x0  }
0x49: {  	[sflag:s23] =	ssyncadd.s32 $0xFFFFE000  }
0x4a: {  	[spmem:s3] =	stream.indirect.scatter.add.f32 [tilespmem:s20], [sflag:$0x5], $0x40, s24, s18, $0xb8;
	[tilespmem:$0xE200] =	vst v63  }
0x4b: {  	_ =	swait.ge [sflag:s16], $0x2000  }
0x4c: {  	s0 =	sadd.s32 $0xFFFFF680, s14;
	[sflag:s16] =	ssyncset.done $0x0  }
0x4d: {  	s2 =	sadd.s32 $0xA00, s0;
	[sflag:s16] =	ssyncadd.s32 $0xFFFFE000  }
0x4e: {  	[tilespmem:s4], [sflag:$0x3] =	stream.linear.gather [hbm4b:s2+s4], $0x200, $0x38;
	[tilespmem:$0xE200] =	vst v63  }
0x4f: {  	_ = 	snop  }
0x50: {  	[tilespmem:s20], [sflag:$0x2] =	stream.indirect.gather [hbm4b:s1+s18], $0x40, s25, s18, $0xb8;
	[tilespmem:$0xE200] =	vst v63  }
0x51: {  	_ =	swait.ge [sflag:s21], $0x2000  }
0x52: {  	[sflag:s21] =	ssyncset.done $0x0  }
0x53: {  	[sflag:s21] =	ssyncadd.s32 $0xFFFFE000  }
0x54: {  	[spmem:s3] =	stream.indirect.scatter.add.f32 [tilespmem:s15], [sflag:$0x5], $0x40, s26, s18, $0xb8;
	[tilespmem:$0xE200] =	vst v63  }
0x55: {  	_ =	swait.ge [sflag:s16], $0x2000  }
0x56: {  	[sflag:s16] =	ssyncset.done $0x0  }
0x57: {  	[sflag:s16] =	ssyncadd.s32 $0xFFFFE000  }
0x58: {  	_ =	swait.ge [sflag:s28], $0x200  }
0x59: {  	[sflag:s28] =	ssyncset.done $0x0  }
0x5a: {  	[sflag:s28] =	ssyncadd.s32 $0xFFFFFE00  }
0x5b: {  	[tilespmem:s15], [sflag:$0x1] =	stream.indirect.gather [hbm4b:s1+s18], $0x40, s4, s18, $0xb8;
	[tilespmem:$0xE200] =	vst v63  }
0x5c: {  	_ =	swait.ge [sflag:s23], $0x2000  }
0x5d: {  	[sflag:s23] =	ssyncset.done $0x0  }
0x5e: {  	[sflag:s23] =	ssyncadd.s32 $0xFFFFE000  }
0x5f: {  	[spmem:s3] =	stream.indirect.scatter.add.f32 [tilespmem:s20], [sflag:$0x5], $0x40, s29, s18, $0xb8;
	[tilespmem:$0xE200] =	vst v63  }
0x60: {  	_ =	swait.ge [sflag:s16], $0x2000  }
0x61: {  	[sflag:s16] =	ssyncset.done $0x0  }
0x62: {  	s31 =	simm.s32 $0xFFFFF700;
	s0 =	sadd.s32 $0xA40, s0;
	[sflag:s16] =	ssyncadd.s32 $0xFFFFE000  }
0x63: {  	[tilespmem:s17], [sflag:$0x4] =	stream.linear.gather [hbm4b:s0+s4], $0x200, $0x38;
	[tilespmem:$0xE200] =	vst v63  }
.LBB2_4:
0x64: {  	[tilespmem:s20], [sflag:$0x2] =	stream.indirect.gather [hbm4b:s1+s18], $0x40, s19, s18, $0xb8;
	[tilespmem:$0xE200] =	vst v63  }
0x65: {  	s0 =	smov.u32 s31  }
0x66: {  	p0 =	sne.s32 s31, $0xFFFFFF80;
	s31 =	sadd.s32 $0x80, s31;
	_ =	swait.ge [sflag:s21], $0x2000  }
0x67: {  	[sflag:s21] =	ssyncset.done $0x0  }
0x68: {  	[sflag:s21] =	ssyncadd.s32 $0xFFFFE000  }
0x69: {  	[spmem:s3] =	stream.indirect.scatter.add.f32 [tilespmem:s15], [sflag:$0x5], $0x40, s18, s18, $0xb8;
	[tilespmem:$0xE200] =	vst v63  }
0x6a: {  	_ =	swait.ge [sflag:s16], $0x2000  }
0x6b: {  	[sflag:s16] =	ssyncset.done $0x0  }
0x6c: {  	[sflag:s16] =	ssyncadd.s32 $0xFFFFE000  }
0x6d: {  	_ =	swait.ge [sflag:s22], $0x200  }
0x6e: {  	[sflag:s22] =	ssyncset.done $0x0  }
0x6f: {  	[sflag:s22] =	ssyncadd.s32 $0xFFFFFE00  }
0x70: {  	[tilespmem:s15], [sflag:$0x1] =	stream.indirect.gather [hbm4b:s1+s18], $0x40, s17, s18, $0xb8;
	[tilespmem:$0xE200] =	vst v63  }
0x71: {  	_ =	swait.ge [sflag:s23], $0x2000  }
0x72: {  	[sflag:s23] =	ssyncset.done $0x0  }
0x73: {  	[sflag:s23] =	ssyncadd.s32 $0xFFFFE000  }
0x74: {  	[spmem:s3] =	stream.indirect.scatter.add.f32 [tilespmem:s20], [sflag:$0x5], $0x40, s24, s18, $0xb8;
	[tilespmem:$0xE200] =	vst v63  }
0x75: {  	_ =	swait.ge [sflag:s16], $0x2000  }
0x76: {  	s0 =	sadd.s32 s0, s14;
	[sflag:s16] =	ssyncset.done $0x0  }
0x77: {  	s2 =	sadd.s32 $0xA00, s0;
	[sflag:s16] =	ssyncadd.s32 $0xFFFFE000  }
0x78: {  	[tilespmem:s4], [sflag:$0x3] =	stream.linear.gather [hbm4b:s2+s4], $0x200, $0x38;
	[tilespmem:$0xE200] =	vst v63  }
0x79: {  	_ = 	snop  }
0x7a: {  	[tilespmem:s20], [sflag:$0x2] =	stream.indirect.gather [hbm4b:s1+s18], $0x40, s25, s18, $0xb8;
	[tilespmem:$0xE200] =	vst v63  }
0x7b: {  	_ =	swait.ge [sflag:s21], $0x2000  }
0x7c: {  	[sflag:s21] =	ssyncset.done $0x0  }
0x7d: {  	[sflag:s21] =	ssyncadd.s32 $0xFFFFE000  }
0x7e: {  	[spmem:s3] =	stream.indirect.scatter.add.f32 [tilespmem:s15], [sflag:$0x5], $0x40, s26, s18, $0xb8;
	[tilespmem:$0xE200] =	vst v63  }
0x7f: {  	_ =	swait.ge [sflag:s16], $0x2000  }
0x80: {  	[sflag:s16] =	ssyncset.done $0x0  }
0x81: {  	[sflag:s16] =	ssyncadd.s32 $0xFFFFE000  }
0x82: {  	_ =	swait.ge [sflag:s28], $0x200  }
0x83: {  	[sflag:s28] =	ssyncset.done $0x0  }
0x84: {  	[sflag:s28] =	ssyncadd.s32 $0xFFFFFE00  }
0x85: {  	[tilespmem:s15], [sflag:$0x1] =	stream.indirect.gather [hbm4b:s1+s18], $0x40, s4, s18, $0xb8;
	[tilespmem:$0xE200] =	vst v63  }
0x86: {  	_ =	swait.ge [sflag:s23], $0x2000  }
0x87: {  	[sflag:s23] =	ssyncset.done $0x0  }
0x88: {  	[sflag:s23] =	ssyncadd.s32 $0xFFFFE000  }
0x89: {  	[spmem:s3] =	stream.indirect.scatter.add.f32 [tilespmem:s20], [sflag:$0x5], $0x40, s29, s18, $0xb8;
	[tilespmem:$0xE200] =	vst v63  }
.Ltmp1:
0x8a: {  	_ = 	snop;
	(pc) =	sbr.rel @p0 .LBB2_4-.Ltmp1, $4  }
0x8b: {  	_ =	swait.ge [sflag:s16], $0x2000  }
0x8c: {  	[sflag:s16] =	ssyncset.done $0x0  }
0x8d: {  	s0 =	sadd.s32 $0xA40, s0;
	[sflag:s16] =	ssyncadd.s32 $0xFFFFE000  }
0x8e: {  	[tilespmem:s17], [sflag:$0x4] =	stream.linear.gather [hbm4b:s0+s4], $0x200, $0x38;
	[tilespmem:$0xE200] =	vst v63  }
0x8f: {  	[tilespmem:s20], [sflag:$0x2] =	stream.indirect.gather [hbm4b:s1+s18], $0x40, s19, s18, $0xb8;
	[tilespmem:$0xE200] =	vst v63  }
0x90: {  	_ =	swait.ge [sflag:s21], $0x2000  }
0x91: {  	[sflag:s21] =	ssyncset.done $0x0  }
0x92: {  	[sflag:s21] =	ssyncadd.s32 $0xFFFFE000  }
0x93: {  	[spmem:s3] =	stream.indirect.scatter.add.f32 [tilespmem:s15], [sflag:$0x5], $0x40, s18, s18, $0xb8;
	[tilespmem:$0xE200] =	vst v63  }
0x94: {  	_ =	swait.ge [sflag:s16], $0x2000  }
0x95: {  	[sflag:s16] =	ssyncset.done $0x0  }
0x96: {  	[sflag:s16] =	ssyncadd.s32 $0xFFFFE000  }
0x97: {  	_ =	swait.ge [sflag:s22], $0x200  }
0x98: {  	[sflag:s22] =	ssyncset.done $0x0  }
0x99: {  	[sflag:s22] =	ssyncadd.s32 $0xFFFFFE00  }
0x9a: {  	[tilespmem:s15], [sflag:$0x1] =	stream.indirect.gather [hbm4b:s1+s18], $0x40, s17, s18, $0xb8;
	[tilespmem:$0xE200] =	vst v63  }
0x9b: {  	_ =	swait.ge [sflag:s23], $0x2000  }
0x9c: {  	[sflag:s23] =	ssyncset.done $0x0  }
0x9d: {  	[sflag:s23] =	ssyncadd.s32 $0xFFFFE000  }
0x9e: {  	[spmem:s3] =	stream.indirect.scatter.add.f32 [tilespmem:s20], [sflag:$0x5], $0x40, s24, s18, $0xb8;
	[tilespmem:$0xE200] =	vst v63  }
0x9f: {  	_ =	swait.ge [sflag:s16], $0x2000  }
0xa0: {  	[sflag:s16] =	ssyncset.done $0x0  }
0xa1: {  	[sflag:s16] =	ssyncadd.s32 $0xFFFFE000  }
0xa2: {  	[tilespmem:s20], [sflag:$0x2] =	stream.indirect.gather [hbm4b:s1+s18], $0x40, s25, s18, $0xb8;
	[tilespmem:$0xE200] =	vst v63  }
0xa3: {  	_ =	swait.ge [sflag:s21], $0x2000  }
0xa4: {  	[sflag:s21] =	ssyncset.done $0x0  }
0xa5: {  	[sflag:s21] =	ssyncadd.s32 $0xFFFFE000  }
0xa6: {  	[spmem:s3] =	stream.indirect.scatter.add.f32 [tilespmem:s15], [sflag:$0x5], $0x40, s26, s18, $0xb8;
	[tilespmem:$0xE200] =	vst v63  }
0xa7: {  	_ =	swait.ge [sflag:s16], $0x2000  }
0xa8: {  	[sflag:s16] =	ssyncset.done $0x0  }
0xa9: {  	[sflag:s16] =	ssyncadd.s32 $0xFFFFE000  }
0xaa: {  	_ =	swait.ge [sflag:s23], $0x2000  }
0xab: {  	[sflag:s23] =	ssyncset.done $0x0  }
0xac: {  	[sflag:s23] =	ssyncadd.s32 $0xFFFFE000  }
0xad: {  	[spmem:s3] =	stream.indirect.scatter.add.f32 [tilespmem:s20], [sflag:$0x5], $0x40, s29, s18, $0xb8;
	[tilespmem:$0xE200] =	vst v63  }
0xae: {  	s0 =	stileid.u32;
	_ =	swait.ge [sflag:s16], $0x2000  }
0xaf: {  	s2 =	sshrl.u32 s5, $0x3;
	s30 =	sadd.s32 $0x1, s30;
	[sflag:s16] =	ssyncset.done $0x0  }
0xb0: {  	s0 =	sshll.u32 s0, $0x6;
	p0 =	sne.s32 s30, s13;
	[sflag:s16] =	ssyncadd.s32 $0xFFFFE000  }
.Ltmp2:
0xb1: {  	s0 =	sor.u32 $0x1C05, s0;
	[bflag:$0x0] =	sbarrier.arrive $0xFFFF;
	(pc) =	sbr.rel @p0 .LBB2_1-.Ltmp2, $4  }
0xb2: {  	[hbm:s12], [sflag:s0] =	dma.local [spmem:s2], $0x13C0  }
0xb3: {  	_ =	swait.ge [sflag:s16], $0x13C0  }
0xb4: {  	[sflag:s16] =	ssyncset.done $0x0  }
0xb5: {  	[sflag:s16] =	ssyncadd.s32 $0xFFFFEC40  }
0xb6: {  	_ =	sfence.sel $0x180000  }
0xb7: {  	[bflag:$0x0] =	sbarrier.arrive $0xFFFF  }
0xb8: {  	_ =	strace $0x9000004D  }
0xb9: {  	s0 =	stileid.u32;
	[bflag:$0x2] =	sbarrier.arrive $0xFFFF  }
0xba: {  	p0 =	sne.s32 s0, $0x0;
	s0 =	rddreg [dreg:$0x3]  }
0xbb: {  	s0 =	sadd.s32 @!p0 $0x100000, s0  }
0xbc: {  	[sflag:s0] =	ssyncadd.tile.s32 @!p0 $0x1;
	_ =	shalt  }
.Lfunc_end2:
_tile_overlayer_lowered:
.L_overlay_start_2:
0xbd: {  	(tag) =	ssettag $0x2  }
0xbe: {  	s0 =	rddreg [dreg:$0x0];
	s2 =	stileid.u32  }
0xbf: {  	s1 =	rddreg [dreg:$0x1];
	p0 =	sne.s32 s2, $0x0  }
0xc0: {  	s3 =	rddreg [dreg:$0x2];
	[bflag:$0x3] =	sbarrier.arrive $0xFFFF;
	s2 =	simm.s32 @!p0 $0x1C05  }
0xc1: {  	[timem:s3], [sflag:s2] =	dma.local @!p0 [hbm:s0], s1  }
0xc2: {  	s0 =	simm.s32 @!p0 $0x5  }
0xc3: {  	_ =	swait.ge @!p0 [sflag:s0], s1  }
0xc4: {  	s1 =	ssub.s32 @!p0 $0x0, s1;
	[sflag:s0] =	ssyncset.done @!p0 $0x0  }
0xc5: {  	[sflag:s0] =	ssyncadd.s32 @!p0 s1  }
0xc6: {  	[bflag:$0x3] =	sbarrier.arrive $0xFFFF  }
0xc7: {  	_ =	shalt  }

// kernel: kernel.8.cloned.1.call-start
scs
__scs_entry_jumppad:
0x0: {  	(pc) =	sbr.rel $0x88, $3  }
0x1: {  	(tag) =	ssettag $0x0;
	lr =	simm.s32 $0x1  }
0x2: {  	[smem:$0x3F9B] =	sst lr;
	_ =	strace $0xD0000000  }
0x3: {  	_ = 	snop  }
0x4: {  	_ = 	snop  }
0x5: {  	_ = 	snop  }
0x6: {  	_ = 	snop  }
0x7: {  	_ = 	snop  }
__scs_overlays_trampoline_lowered:
0x8: {  	[smem:$0x3FAA] =	sst s0  }
0x9: {  	[smem:$0x3FAB] =	sst s1  }
0xa: {  	[smem:$0x3FAC] =	sst s2  }
0xb: {  	[smem:$0x3FAD] =	sst s3  }
0xc: {  	[smem:$0x3FAE] =	sst s4  }
0xd: {  	[smem:$0x3FAF] =	sst s5  }
0xe: {  	[smem:$0x3FB0] =	sst s6  }
0xf: {  	[smem:$0x3FB1] =	sst s7  }
0x10: {  	[smem:$0x3FB2] =	sst s8  }
0x11: {  	[smem:$0x3FB3] =	sst s9;
	s0 =	simm.s32 @!p0 $0x0  }
0x12: {  	s1 =	sld [smem:$0x3F99];
	s0 =	simm.s32 @p0 $0x1  }
0x13: {  	[smem:$0x3FB4] =	sst s0;
	s0 =	simm.s32 @!p1 $0x0  }
0x14: {  	s2 =	sld [smem:$0x3F98];
	s0 =	simm.s32 @p1 $0x1  }
0x15: {  	[smem:$0x3FB5] =	sst s0;
	s0 =	simm.s32 @!p2 $0x0  }
0x16: {  	s3 =	sld [smem:$0x3FDB];
	s0 =	simm.s32 @p2 $0x1  }
0x17: {  	s4 =	simm.s32 $0x1BF5;
	[smem:$0x3FB7] =	sst s0  }
0x18: {  	s0 =	sld [smem:$0x3F9A];
	_ =	swait.ge [sflag:s4], $0x0  }
0x19: {  	s7 =	sld [smem:$0x3F9B]  }
0x1a: {  	s8 =	sadd.s32 $0xFFFFE003, lr  }
0x1b: {  	s9 =	sadd.s32 $0xFFFFFEF7, lr;
	s5 =	simm.s32 $0xFFFFFFFF;
	p2 =	slt.u32 s8, $0xFFFFF086  }
0x1c: {  	p1 =	slt.u32 s9, $0xF7A;
	s5 =	simm.s32 @!p2 $0x0  }
0x1d: {  	s5 =	simm.s32 @p1 $0x1;
	p0 =	seq.s32 s7, s2  }
0x1e: {  	s7 =	smul.u32 @!p0 $0xF7A, s2;
	p2 =	seq.s32 @!p0 s5, $0x0  }
0x1f: {  	s9 =	smul.u32 $0xF7A, s1;
	s8 =	simm.s32 @!p0 $0x1BF5;
	p2 =	por !p2, p0  }
0x20: {  	[sflag:s8] =	ssyncset.s32 @!p0 $0xFFFFF086;
	s6 =	sadd.s32 @!p0 s3, s7;
	s7 =	simm.s32 @!p0 $0x108  }
0x21: {  	s3 =	sadd.s32 s3, s9;
	s6 =	sadd.s32 @!p0 $0x88, s6;
	s7 =	simm.s32 @p2 $0x1082  }
0x22: {  	[simem:s7], [sflag:s8] =	dma.local @!p0 [hbm:s6], $0xF7A  }
0x23: {  	s9 =	sor.u32 $0xD0000000, s2;
	s6 =	simm.s32 $0x108;
	_ =	swait.ge @!p0 [sflag:s8], $0x0  }
0x24: {  	s3 =	sadd.s32 $0x88, s3;
	s6 =	simm.s32 @!p1 $0x1082;
	[sflag:s4] =	ssyncset.s32 $0xFFFFF086  }
0x25: {  	[simem:s6], [sflag:s4] =	dma.local [hbm:s3], $0xF7A  }
0x26: {  	[smem:$0x3F9B] =	sst s1;
	(tag) =	ssettag s2;
	_ =	strace s9  }
0x27: {  	s1 =	sld [smem:$0x3FAB]  }
0x28: {  	s2 =	sld [smem:$0x3FAC]  }
0x29: {  	s4 =	sld [smem:$0x3FAE]  }
0x2a: {  	p0 =	seq.s32 s5, $0x0;
	s5 =	sld [smem:$0x3FAF]  }
0x2b: {  	s6 =	sld [smem:$0x3FB0]  }
0x2c: {  	s7 =	sld [smem:$0x3FB1]  }
0x2d: {  	s3 =	simm.s32 $0x108;
	s8 =	sld [smem:$0x3FB2]  }
0x2e: {  	s3 =	simm.s32 @!p0 $0x1082;
	s9 =	sld [smem:$0x3FB3]  }
0x2f: {  	lr =	sadd.s32 s0, s3;
	s0 =	sld [smem:$0x3FAA]  }
0x30: {  	s3 =	sld [smem:$0x3FAD]  }
0x31: {  	[smem:$0x3FB6] =	sst s10  }
0x32: {  	s10 =	sld [smem:$0x3FB4];
	_ =	sdelay $0x3  }
0x33: {  	p0 =	seq.s32 s10, $0x1;
	s10 =	sld [smem:$0x3FB6];
	_ =	sdelay $0x3  }
0x34: {  	[smem:$0x3FB6] =	sst s10  }
0x35: {  	s10 =	sld [smem:$0x3FB5];
	_ =	sdelay $0x3  }
0x36: {  	p1 =	seq.s32 s10, $0x1;
	s10 =	sld [smem:$0x3FB6];
	_ =	sdelay $0x3  }
0x37: {  	[smem:$0x3FB6] =	sst s10  }
0x38: {  	s10 =	sld [smem:$0x3FB7]  }
0x39: {  	_ = 	snop;
	(pc) =	sbr.ind lr, $3  }
0x3a: {  	_ = 	snop  }
0x3b: {  	_ = 	snop  }
0x3c: {  	p2 =	seq.s32 s10, $0x1;
	s10 =	sld [smem:$0x3FB6]  }
0x3d: {  	_ =	shalt  }
0x3e: {  	_ =	shalt  }
0x3f: {  	_ =	shalt  }
0x40: {  	_ =	shalt  }
0x41: {  	_ =	shalt  }
0x42: {  	_ =	shalt  }
0x43: {  	_ =	shalt  }
0x44: {  	_ =	shalt  }
0x45: {  	_ =	shalt  }
0x46: {  	_ =	shalt  }
0x47: {  	_ =	shalt  }
0x48: {  	_ =	shalt  }
0x49: {  	_ =	shalt  }
0x4a: {  	_ =	shalt  }
0x4b: {  	_ =	shalt  }
0x4c: {  	_ =	shalt  }
0x4d: {  	_ =	shalt  }
0x4e: {  	_ =	shalt  }
0x4f: {  	_ =	shalt  }
0x50: {  	_ =	shalt  }
0x51: {  	_ =	shalt  }
0x52: {  	_ =	shalt  }
0x53: {  	_ =	shalt  }
0x54: {  	_ =	shalt  }
0x55: {  	_ =	shalt  }
0x56: {  	_ =	shalt  }
0x57: {  	_ =	shalt  }
0x58: {  	_ =	shalt  }
0x59: {  	_ =	shalt  }
0x5a: {  	_ =	shalt  }
0x5b: {  	_ =	shalt  }
0x5c: {  	_ =	shalt  }
0x5d: {  	_ =	shalt  }
0x5e: {  	_ =	shalt  }
0x5f: {  	_ =	shalt  }
0x60: {  	_ =	shalt  }
0x61: {  	_ =	shalt  }
0x62: {  	_ =	shalt  }
0x63: {  	_ =	shalt  }
0x64: {  	_ =	shalt  }
0x65: {  	_ =	shalt  }
0x66: {  	_ =	shalt  }
0x67: {  	_ =	shalt  }
0x68: {  	_ =	shalt  }
0x69: {  	_ =	shalt  }
0x6a: {  	_ =	shalt  }
0x6b: {  	_ =	shalt  }
0x6c: {  	_ =	shalt  }
0x6d: {  	_ =	shalt  }
0x6e: {  	_ =	shalt  }
0x6f: {  	_ =	shalt  }
0x70: {  	_ =	shalt  }
0x71: {  	_ =	shalt  }
0x72: {  	_ =	shalt  }
0x73: {  	_ =	shalt  }
0x74: {  	_ =	shalt  }
0x75: {  	_ =	shalt  }
0x76: {  	_ =	shalt  }
0x77: {  	_ =	shalt  }
0x78: {  	_ =	shalt  }
0x79: {  	_ =	shalt  }
0x7a: {  	_ =	shalt  }
0x7b: {  	_ =	shalt  }
0x7c: {  	_ =	shalt  }
0x7d: {  	_ =	shalt  }
0x7e: {  	_ =	shalt  }
0x7f: {  	_ =	shalt  }
0x80: {  	_ =	shalt  }
0x81: {  	_ =	shalt  }
0x82: {  	_ =	shalt  }
0x83: {  	_ =	shalt  }
0x84: {  	_ =	shalt  }
0x85: {  	_ =	shalt  }
0x86: {  	_ =	shalt  }
0x87: {  	_ =	shalt  }
.Lfunc_end0:
.L_simem_size_0:
called_computation_lowered:
.L_overlay_start_0:
0x88: {  	s2 =	sld [smem:$0x3FD9]  }
0x89: {  	s3 =	sld [smem:$0x3FFE];
	_ =	sdelay $0x1  }
0x8a: {  	s1 =	srdreg.scid  }
0x8b: {  	s0 =	sand.u32 $0x1, s1  }
0x8c: {  	s17 =	sshll.u32 s0, $0xA;
	s2 =	sadd.s32 s3, s2  }
0x8d: {  	s2 =	sadd.s32 s2, s17  }
0x8e: {  	[smem:$0x3FC2] =	sst s2  }
0x8f: {  	_ = 	snop  }
0x90: {  	s2 =	sld [smem:$0x3FD0];
	(tm) =	ssettm $0x1  }
0x91: {  	s18 =	sld [smem:$0x3FFB];
	_ =	sdelay $0x3  }
0x92: {  	_ =	strace s18  }
0x93: {  	s3 =	sld [smem:$0x3FFC];
	_ =	sdelay $0x3  }
0x94: {  	_ =	strace s3  }
0x95: {  	s3 =	sld [smem:$0x3FFD];
	_ =	sdelay $0x3  }
0x96: {  	_ =	strace s3  }
0x97: {  	_ =	strace $0x8FFFFFFF  }
0x98: {  	s19 =	sld [smem:$0x3FDB];
	_ =	sdelay $0x1  }
0x99: {  	s4 =	simm.s32 $_scs_section_size  }
0x9a: {  	s5 =	simm.s32 $_size__tile_overlayer_lowered;
	s6 =	simm.s32 $_tile_overlayer_lowered  }
0x9b: {  	s22 =	simm.s32 $0x1BFF;
	s21 =	sshll.u32 s6, $0x1;
	s3 =	sadd.s32 s4, s19  }
0x9c: {  	s7 =	simm.s32 $0x0;
	s20 =	sshll.u32 s5, $0x1;
	s5 =	sadd.s32 s21, s3  }
0x9d: {  	[timem:s7], [sflag:s22] =	dma.local [hbm:s5], s20  }
0x9e: {  	_ =	swait.ge [sflag:s22], s20  }
0x9f: {  	s4 =	ssub.s32 $0x0, s20;
	[sflag:s22] =	ssyncset.done $0x0  }
0xa0: {  	[sflag:s22] =	ssyncadd.s32 s4;
	_ =	sdelay $0x1  }
0xa1: {  	s23 =	simm.s32 $0x1B8B  }
0xa2: {  	_ =	swait.ge [sflag:s23], $0x1  }
0xa3: {  	[sflag:s23] =	ssyncset.done $0x0  }
0xa4: {  	s25 =	simm.s32 $0x1B8E;
	s24 =	sld [smem:$0x3FFE];
	[sflag:s23] =	ssyncadd.s32 $0xFFFFFFFF  }
0xa5: {  	s26 =	simm.s32 $execute0_lowered;
	[smem:$0x3FD2] =	sst s25  }
0xa6: {  	s5 =	sshll.u32 s26, $0x1;
	_ =	strace $0x80000046;
	[dreg:$0x1] =	wrdreg $0xFFFFFFFF  }
0xa7: {  	s28 =	simm.s32 $_size_execute0_lowered;
	s3 =	sadd.s32 s3, s5;
	[dreg:$0x0] =	wrdreg $0x0  }
0xa8: {  	s5 =	sshll.u32 s28, $0x1;
	[dreg:$0x2] =	wrdreg s3  }
0xa9: {  	[dreg:$0x3] =	wrdreg s5  }
0xaa: {  	[dreg:$0x4] =	wrdreg $0xC0  }
0xab: {  	_ =	task [dreg:s7], $0x5FFFF  }
0xac: {  	[dreg:$0x1] =	wrdreg $0xFFFFFFFF  }
0xad: {  	[dreg:$0x0] =	wrdreg $0x60  }
0xae: {  	[dreg:$0x2] =	wrdreg s2  }
0xaf: {  	[dreg:$0x3] =	wrdreg s24  }
0xb0: {  	[dreg:$0x4] =	wrdreg $0x30000  }
0xb1: {  	[dreg:$0x5] =	wrdreg $0x9  }
0xb2: {  	_ =	task.clear_ibuf [dreg:s7], $0x6FFFF;
	_ =	strace $0x90000046  }
0xb3: {  	s29 =	simm.s32 $0x9;
	_ =	strace $0x80000048  }
0xb4: {  	_ =	swait.ge [sflag:s29], $0x1  }
0xb5: {  	[sflag:s29] =	ssyncadd.s32 $0xFFFFFFFF  }
0xb6: {  	_ =	strace $0x90000048  }
0xb7: {  	_ =	sfence  }
0xb8: {  	s30 =	sld [smem:$0x0];
	_ =	sdelay $0x2  }
0xb9: {  	s31 =	sshll.u32 s1, $0xD;
	s1 =	sshrl.u32 s1, $0x2  }
0xba: {  	s3 =	sand.u32 $0x4000, s31;
	s1 =	sadd.s32 s1, s30  }
0xbb: {  	s0 =	sor.u32 s3, s0;
	s1 =	sshll.u32 s1, $0x11  }
0xbc: {  	s0 =	sor.u32 s1, s0  }
0xbd: {  	s0 =	sadd.s32 $0x8F2B, s0  }
0xbe: {  	[sflag:s0] =	ssyncadd.remote.s32 $0x1  }
0xbf: {  	_ =	sfence.sel $0xFFFF  }
0xc0: {  	[dreg:$0x0] =	wrdreg $0xFFFFFFFF;
	(pc) =	sbr.abs _section_cstart, $3  }
0xc1: {  	[dreg:$0x1] =	wrdreg $0xFFFFFFFF  }
0xc2: {  	_ =	task.clear_ibuf [dreg:s7], $0x2FFFF;
	_ =	strace $0x9FFFFFFF  }
0xc3: {  	(tm) =	ssettm $0x7FFFFFFF  }
tec
execute0_lowered:
.L_overlay_start_1:
0x0: {  	(tag) =	ssettag $0x1  }
0x1: {  	s9 =	rddreg [dreg:$0x0]  }
0x2: {  	s1 =	srdreg.scid;
	s4 =	rddreg [dreg:$0x1]  }
0x3: {  	s0 =	stileid.u32;
	s2 =	rddreg [dreg:$0x2];
	s3 =	simm.s32 $0x0  }
0x4: {  	s13 =	simm.s32 $0x1;
	s14 =	simm.s32 $0x80;
	s6 =	smul.u32 $0x4F0, s0  }
0x5: {  	s5 =	sand.u32 $0x1, s1;
	s1 =	rddreg [dreg:$0x3];
	s26 =	smul.u32 $0x9E00, s0  }
0x6: {  	[smem:$0x7FF] =	sst s3;
	s15 =	sshll.u32 s0, $0x6;
	s7 =	smul.u32 $0x4F00, s5  }
0x7: {  	_ =	strace $0x80000047;
	s28 =	ssub.s32 $0x2, s5;
	s29 =	sshll.u32 s5, $0x4  }
0x8: {  	s15 =	sor.u32 $0x1C01, s15;
	s30 =	sshrl.u32 s26, $0x2;
	s31 =	sshrl.u32 s28, $0x1  }
0x9: {  	s8 =	sor.u32 s0, s29;
	s6 =	sadd.s32 s6, s7;
	s11 =	ssub.s32 s28, s31  }
0xa: {  	s12 =	smul.u32 $0x500, s8;
	s10 =	sadd.s32 s6, s4;
	s4 =	sadd.s32 s30, s2  }
0xb: {  	s11 =	smax.u32 s11, $0x1;
	s5 =	sadd.s32 $0x800, s4;
	s6 =	sadd.s32 $0x1000, s4  }
0xc: {  	s7 =	sadd.s32 $0x1800, s4;
	s8 =	sadd.s32 $0x2000, s4;
	s9 =	sadd.s32 s9, s12  }
0xd: {  	v0 =	vimm.f32 $0.0e+00;
	v1 =	vimm.f32 $1.000000000e+00;
	s10 =	sadd.s32 $0x2600, s10;
	s12 =	simm.s32 $0x2800;
	s16 =	sshrl.u32 s4, $0x3  }
.LBB2_1:
0xe: {  	s17 =	simm.s32 $0x40;
	s18 =	simm.s32 $0x0  }
.LBB2_2:
0xf: {  	p0 =	sne.s32 s17, $0x1FC0;
	[tilespmem:s18+$0x2800] =	vst v0;
	s18 =	smov.u32 s17;
	s17 =	sadd.s32 $0x40, s17  }
.Ltmp0:
0x10: {  	(pc) =	sbr.rel @p0 .LBB2_2-.Ltmp0, $2  }
0x11: {  	_ =	sdelay $0x2  }
0x12: {  	s18 =	sshra.s32 s18, $0x2  }
0x13: {  	[tilespmem:s18+$0x2800] =	vst v0  }
0x14: {  	[spmem:s4] =	stream.linear.scatter [tilespmem:s12], [sflag:$0x1], $0x800, $0x38;
	[tilespmem:$0x5780] =	vst v63  }
0x15: {  	_ =	swait.ge [sflag:s13], $0x800  }
0x16: {  	[sflag:s13] =	ssyncset.done $0x0  }
0x17: {  	[sflag:s13] =	ssyncadd.s32 $0xFFFFF800  }
0x18: {  	[spmem:s5] =	stream.linear.scatter [tilespmem:s12], [sflag:$0x1], $0x800, $0x38;
	[tilespmem:$0x5780] =	vst v63  }
0x19: {  	_ =	swait.ge [sflag:s13], $0x800  }
0x1a: {  	[sflag:s13] =	ssyncset.done $0x0  }
0x1b: {  	[sflag:s13] =	ssyncadd.s32 $0xFFFFF800  }
0x1c: {  	[spmem:s6] =	stream.linear.scatter [tilespmem:s12], [sflag:$0x1], $0x800, $0x38;
	[tilespmem:$0x5780] =	vst v63  }
0x1d: {  	_ =	swait.ge [sflag:s13], $0x800  }
0x1e: {  	[sflag:s13] =	ssyncset.done $0x0  }
0x1f: {  	[sflag:s13] =	ssyncadd.s32 $0xFFFFF800  }
0x20: {  	[spmem:s7] =	stream.linear.scatter [tilespmem:s12], [sflag:$0x1], $0x800, $0x38;
	[tilespmem:$0x5780] =	vst v63  }
0x21: {  	_ =	swait.ge [sflag:s13], $0x800  }
0x22: {  	[sflag:s13] =	ssyncset.done $0x0  }
0x23: {  	[sflag:s13] =	ssyncadd.s32 $0xFFFFF800  }
0x24: {  	[spmem:s8] =	stream.linear.scatter [tilespmem:s12], [sflag:$0x1], $0x780, $0x38;
	[tilespmem:$0x5780] =	vst v63  }
0x25: {  	_ =	swait.ge [sflag:s13], $0x780  }
0x26: {  	[sflag:s13] =	ssyncset.done $0x0  }
0x27: {  	s17 =	simm.s32 $0x40;
	s18 =	simm.s32 $0x0;
	[sflag:s13] =	ssyncadd.s32 $0xFFFFF880  }
.LBB2_4:
0x28: {  	p0 =	sne.s32 s17, $0x1FC0;
	[tilespmem:s18+$0x2800] =	vst v1;
	s18 =	smov.u32 s17;
	s17 =	sadd.s32 $0x40, s17  }
.Ltmp1:
0x29: {  	(pc) =	sbr.rel @p0 .LBB2_4-.Ltmp1, $2  }
0x2a: {  	_ =	sdelay $0x2  }
0x2b: {  	s18 =	sshra.s32 s18, $0x2  }
0x2c: {  	[tilespmem:s18+$0x2800] =	vst v1;
	s17 =	simm.s32 $0x0  }
0x2d: {  	[tilespmem:s17], [sflag:$0x1] =	stream.linear.gather [hbm4b:s9+s17], $0x2800, $0x38;
	[tilespmem:$0x5780] =	vst v63  }
0x2e: {  	_ =	swait.ge [sflag:s13], $0x2800  }
0x2f: {  	[sflag:s13] =	ssyncset.done $0x0  }
0x30: {  	[sflag:s13] =	ssyncadd.s32 $0xFFFFD800  }
0x31: {  	s31 =	simm.s32 $0x0;
	[bflag:$0x0] =	sbarrier.arrive $0xFFFF  }
0x32: {  	[spmem:s2] =	stream.indirect.scatter.add.f32 [tilespmem:s12], [sflag:$0x1], $0x10, s31, s14, $0xb8;
	[tilespmem:$0x5780] =	vst v63  }
0x33: {  	_ =	swait.ge [sflag:s13], $0x800  }
0x34: {  	s17 =	simm.s32 $0x200;
	[sflag:s13] =	ssyncset.done $0x0  }
.LBB2_6:
0x35: {  	s18 =	sshra.s32 s17, $0x2;
	[sflag:s13] =	ssyncadd.s32 $0xFFFFF800;
	p0 =	sne.s32 s17, $0x9E00  }
0x36: {  	[spmem:s2] =	stream.indirect.scatter.add.f32 [tilespmem:s12], [sflag:$0x1], $0x10, s18, s14, $0xb8;
	[tilespmem:$0x5780] =	vst v63  }
.Ltmp2:
0x37: {  	_ = 	snop;
	(pc) =	sbr.rel @p0 .LBB2_6-.Ltmp2, $4  }
0x38: {  	_ = 	snop  }
0x39: {  	s17 =	sadd.s32 $0x200, s17  }
0x3a: {  	_ =	swait.ge [sflag:s13], $0x800  }
0x3b: {  	[sflag:s13] =	ssyncset.done $0x0  }
0x3c: {  	s3 =	sadd.s32 $0x1, s3  }
0x3d: {  	[sflag:s13] =	ssyncadd.s32 $0xFFFFF800;
	p0 =	sne.s32 s3, s11  }
.Ltmp3:
0x3e: {  	[bflag:$0x0] =	sbarrier.arrive $0xFFFF;
	(pc) =	sbr.rel @p0 .LBB2_1-.Ltmp3, $4  }
0x3f: {  	[hbm:s10], [sflag:s15] =	dma.local [spmem:s16], $0x4F0  }
0x40: {  	_ =	swait.ge [sflag:s13], $0x4F0  }
0x41: {  	[sflag:s13] =	ssyncset.done $0x0  }
0x42: {  	[sflag:s13] =	ssyncadd.s32 $0xFFFFFB10  }
0x43: {  	_ =	sfence.sel $0x180000  }
0x44: {  	[bflag:$0x0] =	sbarrier.arrive $0xFFFF  }
0x45: {  	p0 =	sne.s32 s0, $0x0;
	_ =	strace $0x90000047  }
0x46: {  	s0 =	sadd.s32 @!p0 $0x100000, s1;
	[bflag:$0x2] =	sbarrier.arrive $0xFFFF  }
0x47: {  	[sflag:s0] =	ssyncadd.tile.s32 @!p0 $0x1;
	_ =	shalt  }
.Lfunc_end2:
_tile_overlayer_lowered:
.L_overlay_start_2:
0x48: {  	(tag) =	ssettag $0x2  }
0x49: {  	s0 =	rddreg [dreg:$0x0];
	s2 =	stileid.u32  }
0x4a: {  	s1 =	rddreg [dreg:$0x1];
	p0 =	sne.s32 s2, $0x0  }
0x4b: {  	s3 =	rddreg [dreg:$0x2];
	[bflag:$0x3] =	sbarrier.arrive $0xFFFF;
	s2 =	simm.s32 @!p0 $0x1C01  }
0x4c: {  	[timem:s3], [sflag:s2] =	dma.local @!p0 [hbm:s0], s1  }
0x4d: {  	s0 =	simm.s32 @!p0 $0x1  }
0x4e: {  	_ =	swait.ge @!p0 [sflag:s0], s1  }
0x4f: {  	s1 =	ssub.s32 @!p0 $0x0, s1;
	[sflag:s0] =	ssyncset.done @!p0 $0x0  }
0x50: {  	[sflag:s0] =	ssyncadd.s32 @!p0 s1  }
0x51: {  	[bflag:$0x3] =	sbarrier.arrive $0xFFFF  }
0x52: {  	_ =	shalt  }

</sc_bundles>
